<compile_context>
chip_gen: v7x
topology: tpu7x:2x2x1
jax: 0.10.2.dev20260603
libtpu: 0.0.44.dev20260713+nightly
codegen_flags: <defaults>
</compile_context>

<pallas_src>
import functools
import jax
import jax.numpy as jnp
from jax import lax
from jax.experimental import pallas as pl
from jax.experimental.pallas import tpu as pltpu
from jax.experimental.pallas import tpu_sc as plsc

N = 4096
A_TAIL = 1536
A_HEAD = N - A_TAIL

NC = 2
NS = 16
NW = NC * NS
AT_W = N // NW
ATAIL_W = A_TAIL // NW
RB = 8
CHUNKS = N // 16
UNROLL = 4


def _compute_block(buf, v_ref, red_v, out_v, blk):
    zero = jnp.zeros((16,), jnp.float32)

    def jbody(j, accs):
        accs = list(accs)
        for u in range(UNROLL):
            sl = pl.ds((j * UNROLL + u) * 16, 16)
            vc = v_ref[sl]
            for r in range(RB):
                accs[r] = accs[r] + buf[r, sl] * vc
        return tuple(accs)

    accs = lax.fori_loop(0, CHUNKS // UNROLL, jbody, (zero,) * RB)
    for r in range(RB):
        red_v[r, :] = accs[r]
    lanes = lax.iota(jnp.int32, 16)
    row_idx = lanes & (RB - 1)
    hsum = zero
    for j in range(16):
        hsum = hsum + plsc.load_gather(
            red_v, [row_idx, jnp.full((16,), j, jnp.int32)])
    plsc.store_scatter(out_v, [blk * RB + row_idx], hsum, mask=lanes < RB)


@functools.cache
def _get_sc_matvecs():
  mesh = plsc.VectorSubcoreMesh(core_axis_name="c", subcore_axis_name="s",
                                num_cores=NC, num_subcores=NS)

  @functools.partial(
      pl.kernel,
      out_type=(jax.ShapeDtypeStruct((N,), jnp.float32),
                jax.ShapeDtypeStruct((A_TAIL,), jnp.float32)),
      mesh=mesh,
      compiler_params=pltpu.CompilerParams(needs_layout_passes=False),
      scratch_types=[
          pltpu.VMEM((N,), jnp.float32),
          pltpu.VMEM((N,), jnp.float32),
          pltpu.VMEM((N,), jnp.float32),
          pltpu.VMEM((RB, N), jnp.float32),
          pltpu.VMEM((RB, N), jnp.float32),
          pltpu.VMEM((AT_W,), jnp.float32),
          pltpu.VMEM((ATAIL_W,), jnp.float32),
          pltpu.VMEM((RB, 16), jnp.float32),
          pltpu.VMEM((16,), jnp.float32),
          pltpu.SemaphoreType.DMA,
          pltpu.SemaphoreType.DMA,
      ],
  )
  def _sc_matvecs(AT_hbm, A_hbm, x_hbm, y_hbm, vs_hbm, cs_hbm, cons_hbm,
                  aty_hbm, axt_hbm,
                  xun_v, yun_v, tmp_v, buf0, buf1, atyv, axtv, red_v, cons_v,
                  sem0, sem1):
    c = lax.axis_index("c")
    s = lax.axis_index("s")
    wid = s * NC + c

    pltpu.sync_copy(cons_hbm, cons_v)
    csv = cons_v[...]

    pltpu.sync_copy(x_hbm, xun_v)
    pltpu.sync_copy(vs_hbm, tmp_v)

    def unscale_x(j, _):
        sl = pl.ds(j * 16, 16)
        xun_v[sl] = xun_v[sl] / tmp_v[sl] * csv
        return 0

    lax.fori_loop(0, CHUNKS, unscale_x, 0)

    pltpu.sync_copy(y_hbm, yun_v)
    pltpu.sync_copy(cs_hbm, tmp_v)

    def unscale_y(j, _):
        sl = pl.ds(j * 16, 16)
        yun_v[sl] = yun_v[sl] / tmp_v[sl] * csv
        return 0

    lax.fori_loop(0, CHUNKS, unscale_y, 0)

    def do_matvec(M_hbm, row0, nrows, v_ref, out_v):
        nblk = nrows // RB
        pltpu.async_copy(M_hbm.at[pl.ds(row0, RB)], buf0, sem0)

        def outer(k, _):
            blk0 = k * 2
            pltpu.async_copy(
                M_hbm.at[pl.ds(row0 + (blk0 + 1) * RB, RB)], buf1, sem1)
            pltpu.make_async_copy(
                M_hbm.at[pl.ds(row0, RB)], buf0, sem0).wait()
            _compute_block(buf0, v_ref, red_v, out_v, blk0)

            @pl.when(blk0 + 2 < nblk)
            def _():
                pltpu.async_copy(
                    M_hbm.at[pl.ds(row0 + (blk0 + 2) * RB, RB)], buf0, sem0)

            pltpu.make_async_copy(
                M_hbm.at[pl.ds(row0, RB)], buf1, sem1).wait()
            _compute_block(buf1, v_ref, red_v, out_v, blk0 + 1)
            return 0

        lax.fori_loop(0, nblk // 2, outer, 0)

    do_matvec(AT_hbm, wid * AT_W, AT_W, yun_v, atyv)
    do_matvec(A_hbm, A_HEAD + wid * ATAIL_W, ATAIL_W, xun_v, axtv)

    pltpu.sync_copy(atyv, aty_hbm.at[pl.ds(wid * AT_W, AT_W)])
    pltpu.sync_copy(axtv, axt_hbm.at[pl.ds(wid * ATAIL_W, ATAIL_W)])

  return _sc_matvecs


BLK = 256
NB_Q = N // BLK
NB_A = A_HEAD // BLK
NB = NB_Q + NB_A
DEPTH = 4
R2 = BLK // 128

_VAR, _B, _QX, _C, _QUAD, _LIN, _VIOT, _CVH, _AXH = range(9)


def _tcs_kernel(cons_ref, Q_ref, A_ref, xc_ref, vsc_ref,
                x2_ref, vs2_ref, y2_ref, cs2_ref, b2_ref, c2_ref,
                Iy2_ref, il2_ref, iu2_ref, l2_ref, u2_ref,
                qx2_out, part_ref, qbuf, acc_ref, sems):
    relu = jax.nn.relu
    cs = cons_ref[0]
    xun_c = xc_ref[...] / vsc_ref[...] * cs

    def src_of(i):
        qrow = i * BLK
        arow = jnp.maximum(i - NB_Q, 0) * BLK
        return qrow, arow

    def start_dma(i, slot):
        qrow, arow = src_of(i)

        @pl.when(i < NB_Q)
        def _():
            pltpu.make_async_copy(
                Q_ref.at[pl.ds(qrow, BLK)], qbuf.at[slot], sems.at[slot]
            ).start()

        @pl.when(i >= NB_Q)
        def _():
            pltpu.make_async_copy(
                A_ref.at[pl.ds(arow, BLK)], qbuf.at[slot], sems.at[slot]
            ).start()

    for d in range(DEPTH):
        start_dma(d, d)

    for k in range(9):
        acc_ref[k] = 0.0

    def step(i, _):
        slot = lax.rem(i, DEPTH)
        pltpu.make_async_copy(
            Q_ref.at[pl.ds(0, BLK)], qbuf.at[slot], sems.at[slot]
        ).wait()
        mb = qbuf[pl.ds(slot, 1)].reshape(BLK, N)
        mv2 = jnp.dot(mb, xun_c,
                      preferred_element_type=jnp.float32).reshape(R2, 128)

        sl = pl.ds(lax.rem(i, NB_Q) * R2, R2)

        @pl.when(i < NB_Q)
        def _qpart():
            qx2_out[sl, :] = mv2
            xun2 = x2_ref[sl, :] / vs2_ref[sl, :] * cs
            yun2 = y2_ref[sl, :] / cs2_ref[sl, :] * cs
            b2 = b2_ref[sl, :]
            c2 = c2_ref[sl, :]
            var_vio = relu(l2_ref[sl, :] - xun2) * il2_ref[sl, :] + \
                relu(xun2 - u2_ref[sl, :]) * iu2_ref[sl, :]
            acc_ref[_VAR] = jnp.maximum(acc_ref[_VAR],
                                        jnp.max(jnp.abs(var_vio)))
            acc_ref[_B] = jnp.maximum(acc_ref[_B], jnp.max(jnp.abs(b2)))
            acc_ref[_QX] = jnp.maximum(acc_ref[_QX], jnp.max(jnp.abs(mv2)))
            acc_ref[_C] = jnp.maximum(acc_ref[_C], jnp.max(jnp.abs(c2)))
            acc_ref[_QUAD] = acc_ref[_QUAD] + jnp.sum(xun2 * mv2)
            acc_ref[_LIN] = acc_ref[_LIN] + jnp.sum(c2 * xun2)
            acc_ref[_VIOT] = acc_ref[_VIOT] + jnp.sum(b2 * yun2)

        @pl.when(i >= NB_Q)
        def _apart():
            asl = pl.ds(jnp.maximum(i - NB_Q, 0) * R2, R2)
            cv = b2_ref[asl, :] - mv2
            cv = cv + relu(-cv) * Iy2_ref[asl, :]
            acc_ref[_CVH] = jnp.maximum(acc_ref[_CVH],
                                        jnp.max(jnp.abs(cv)))
            acc_ref[_AXH] = jnp.maximum(acc_ref[_AXH],
                                        jnp.max(jnp.abs(mv2)))

        @pl.when(i + DEPTH < NB)
        def _():
            start_dma(i + DEPTH, slot)

        return 0

    lax.fori_loop(0, NB, step, 0)

    for k in range(9):
        part_ref[k] = acc_ref[k]


def _tc3_kernel(cons_ref, pq_ref,
                qx2_ref, aty2_ref, axt2_ref, bt2_ref, Iyt2_ref,
                c2_ref, y2_ref, cs2_ref, Iy2_ref,
                il2_ref, iu2_ref, l2_ref, u2_ref, out_ref):
    relu = jax.nn.relu
    cs = cons_ref[0]
    yun = y2_ref[...] / cs2_ref[...] * cs

    Qx = qx2_ref[...]
    ATy = aty2_ref[...]
    c = c2_ref[...]

    pg = c - ATy + Qx
    rpg = relu(pg)
    rng = relu(-pg)
    il = il2_ref[...]
    iu = iu2_ref[...]
    RCV = pg - rpg * il + rng * iu
    DR = relu(-yun) * Iy2_ref[...]
    RC = rpg * il - rng * iu
    tm = jnp.where(RC > 0, l2_ref[...], u2_ref[...])

    cv_t = bt2_ref[...] - axt2_ref[...]
    cv_t = cv_t + relu(-cv_t) * Iyt2_ref[...]

    m_var = pq_ref[_VAR]
    m_cv = jnp.maximum(pq_ref[_CVH], jnp.max(jnp.abs(cv_t)))
    m_ax = jnp.maximum(pq_ref[_AXH], jnp.max(jnp.abs(axt2_ref[...])))
    t1 = jnp.maximum(m_var, m_cv) / (1.0 + jnp.maximum(m_ax, pq_ref[_B]))

    m_rcv = jnp.maximum(jnp.max(jnp.abs(RCV)), jnp.max(jnp.abs(DR)))
    m_aty = jnp.max(jnp.abs(ATy))
    t2 = m_rcv / (1.0 + jnp.maximum(pq_ref[_QX],
                                    jnp.maximum(m_aty, pq_ref[_C])))

    quad = pq_ref[_QUAD]
    lin = pq_ref[_LIN]
    vio = pq_ref[_VIOT]
    rcc = jnp.sum(RC * tm)
    t3 = jnp.abs(quad + lin - vio - rcc) / (
        1.0 + jnp.maximum(jnp.abs(vio - 0.5 * quad),
                          jnp.abs(0.5 * quad + lin)))
    res = jnp.maximum(t1, jnp.maximum(t2, t3))
    out_ref[0] = res
    out_ref[1] = t1
    out_ref[2] = t2
    out_ref[3] = t3


def kernel(Q, A, AT, b, c, x, y, Iy, il, iu, l, u, vscale, cscale, cons_scale):
    xf = x.reshape(N)
    yf = y.reshape(N)
    vsf = vscale.reshape(N)
    csf = cscale.reshape(N)
    cons1 = cons_scale.reshape(1)
    cons16 = jnp.broadcast_to(cons1, (16,))

    aty, ax_tail = _get_sc_matvecs()(AT, A, xf, yf, vsf, csf, cons16)

    sq = (32, 128)
    x2 = x.reshape(sq)
    vs2 = vscale.reshape(sq)
    y2 = y.reshape(sq)
    cs2 = cscale.reshape(sq)
    b2 = b.reshape(sq)
    c2 = c.reshape(sq)
    Iy2 = Iy.reshape(sq)
    il2 = il.reshape(sq)
    iu2 = iu.reshape(sq)
    l2 = l.reshape(sq)
    u2 = u.reshape(sq)

    smem = pl.BlockSpec(memory_space=pltpu.SMEM)
    anyspace = pl.BlockSpec(memory_space=pl.ANY)
    full = pl.BlockSpec(sq, lambda: (0, 0))
    full_col = pl.BlockSpec((N, 1), lambda: (0, 0))

    qx2, parts = pl.pallas_call(
        _tcs_kernel,
        in_specs=[smem, anyspace, anyspace, full_col, full_col]
        + [full] * 11,
        out_specs=(full, smem),
        out_shape=(jax.ShapeDtypeStruct(sq, jnp.float32),
                   jax.ShapeDtypeStruct((9,), jnp.float32)),
        scratch_shapes=[
            pltpu.VMEM((DEPTH, BLK, N), jnp.float32),
            pltpu.SMEM((9,), jnp.float32),
            pltpu.SemaphoreType.DMA((DEPTH,)),
        ],
        compiler_params=pltpu.CompilerParams(
            vmem_limit_bytes=100 * 1024 * 1024),
    )(cons1, Q, A, x, vscale, x2, vs2, y2, cs2, b2, c2,
      Iy2, il2, iu2, l2, u2)

    st = (A_TAIL // 128, 128)
    g0 = lambda: (0, 0)
    out = pl.pallas_call(
        _tc3_kernel,
        in_specs=[smem] * 2
        + [pl.BlockSpec(sq, g0)] * 2
        + [pl.BlockSpec(st, g0)] * 3
        + [pl.BlockSpec(sq, g0)] * 8,
        out_specs=smem,
        out_shape=jax.ShapeDtypeStruct((4,), jnp.float32),
    )(cons1, parts,
      qx2, aty.reshape(sq),
      ax_tail.reshape(st), b2[A_HEAD // 128:], Iy2[A_HEAD // 128:],
      c2, y2, cs2, Iy2, il2, iu2, l2, u2)

    res = out[0].reshape(1, 1)
    t1 = out[1].reshape(())
    t2 = out[2].reshape(())
    t3 = out[3].reshape(1, 1)
    return res, t1, t2, t3

# --- scband reference (transcript-rebuilt; emitter-appended) ---
"""Pipeline reference for scband-rel-kkt-real-62002147885385 (READ-ONLY COPY).

The authoritative reference and input builder live on the scoring server;
editing this copy changes nothing except your own understanding.
"""

import jax, jax.numpy as jnp
import numpy as np


def setup_inputs(seed: int = 0) -> dict:
    key = jax.random.key(seed)
    ks = jax.random.split(key, 12)
    n = 4096
    m = 4096
    Q = jax.random.normal(ks[0], (n, n), dtype=jnp.float32)
    A = jax.random.normal(ks[1], (m, n), dtype=jnp.float32)
    AT = jax.random.normal(ks[2], (n, m), dtype=jnp.float32)
    b = jax.random.normal(ks[3], (m,), dtype=jnp.float32)
    c = jax.random.normal(ks[4], (n,), dtype=jnp.float32)
    x = jax.random.normal(ks[5], (n, 1), dtype=jnp.float32)
    y = jax.random.normal(ks[6], (m, 1), dtype=jnp.float32)
    Iy = jax.random.uniform(ks[7], (m, 1), dtype=jnp.float32)
    il = jax.random.uniform(ks[8], (n, 1), dtype=jnp.float32)
    iu = jax.random.uniform(ks[9], (n, 1), dtype=jnp.float32)
    l = jax.random.normal(ks[10], (n, 1), dtype=jnp.float32)
    u = jax.random.normal(ks[11], (n, 1), dtype=jnp.float32)
    vscale = jnp.ones((n, 1), dtype=jnp.float32)
    cscale = jnp.ones((m, 1), dtype=jnp.float32)
    cons_scale = jnp.ones((1, 1), dtype=jnp.float32)
    return {"Q": Q, "A": A, "AT": AT, "b": b, "c": c, "x": x, "y": y,
            "Iy": Iy, "il": il, "iu": iu, "l": l, "u": u,
            "vscale": vscale, "cscale": cscale, "cons_scale": cons_scale}


def _kkt(Q, A, AT, b, c, x, y, Iy, il, iu, l, u, vscale, cscale, cons_scale):
    relu = jax.nn.relu
    # unscale
    x_un = jnp.matmul(x / vscale, cons_scale)
    y_un = jnp.matmul(y / cscale, cons_scale)
    # r_primal_real
    Ax = jnp.matmul(A, x_un)
    var_vio = relu(l - x_un) * il + relu(x_un - u) * iu
    cons_vio = b[:, None] - Ax
    cons_vio = cons_vio + relu(-cons_vio) * Iy
    t1_top = jnp.max(jnp.abs(jnp.concatenate((var_vio, cons_vio), axis=0)))
    t1_bot = 1.0 + jnp.maximum(jnp.max(jnp.abs(Ax)), jnp.max(jnp.abs(b)))
    t1 = t1_top / t1_bot
    # r_dual_inf_real
    Qx = jnp.matmul(Q, x_un)
    ATy = jnp.matmul(AT, y_un)
    primal_grad = c[:, None] - ATy + Qx
    RCV = primal_grad - relu(primal_grad) * il - (-relu(-primal_grad)) * iu
    DR = relu(-y_un) * Iy
    t2_top = jnp.max(jnp.abs(jnp.concatenate((RCV, DR), axis=0)))
    t2_bot = 1.0 + jnp.maximum(jnp.max(jnp.abs(Qx)),
                               jnp.maximum(jnp.max(jnp.abs(ATy)), jnp.max(jnp.abs(c))))
    t2 = t2_top / t2_bot
    # r_gap
    qx = jnp.matmul(Q, x_un)
    quad_term = jnp.matmul(jnp.transpose(x_un), qx)
    lin_term = jnp.matmul(c, x_un)
    vio_term = jnp.matmul(b, y_un)
    pg = c[:, None] - ATy + qx
    RC = relu(pg) * il + (-relu(-pg)) * iu
    tm = jnp.where(RC > 0, l, u)
    rc_contribution = jnp.sum(RC * tm)
    t3_top = jnp.abs(quad_term + lin_term - vio_term - rc_contribution)
    t3_bot = 1.0 + jnp.maximum(jnp.abs(vio_term - 0.5 * quad_term),
                               jnp.abs(0.5 * quad_term + lin_term))
    t3 = t3_top / t3_bot
    res = jnp.maximum(t1, jnp.maximum(t2, t3))
    return res, t1, t2, t3


def reference(Q, A, AT, b, c, x, y, Iy, il, iu, l, u, vscale, cscale, cons_scale):
    return _kkt(Q, A, AT, b, c, x, y, Iy, il, iu, l, u, vscale, cscale, cons_scale)

if __name__ == "__main__":
    import jax
    _d = setup_inputs()
    print(jax.jit(kernel)(*tuple(_d.values())))

</pallas_src>

<mosaic_0001>
#map = affine_map<(d0, d1) -> (0, 0)>
#map1 = affine_map<(d0, d1) -> (0)>
module attributes {stable_mosaic.version = 14 : i64} {
  func.func @_sc_matvecs(%arg0: i32, %arg1: i32, %arg2: memref<4096x4096xf32, #tpu.memory_space<hbm>>, %arg3: memref<4096x4096xf32, #tpu.memory_space<hbm>>, %arg4: memref<4096xf32, #tpu.memory_space<hbm>>, %arg5: memref<4096xf32, #tpu.memory_space<hbm>>, %arg6: memref<4096xf32, #tpu.memory_space<hbm>>, %arg7: memref<4096xf32, #tpu.memory_space<hbm>>, %arg8: memref<16xf32, #tpu.memory_space<hbm>>, %arg9: memref<4096xf32, #tpu.memory_space<hbm>>, %arg10: memref<1536xf32, #tpu.memory_space<hbm>>, %arg11: memref<4096xf32, #tpu.memory_space<vmem>>, %arg12: memref<4096xf32, #tpu.memory_space<vmem>>, %arg13: memref<4096xf32, #tpu.memory_space<vmem>>, %arg14: memref<8x4096xf32, #tpu.memory_space<vmem>>, %arg15: memref<8x4096xf32, #tpu.memory_space<vmem>>, %arg16: memref<128xf32, #tpu.memory_space<vmem>>, %arg17: memref<48xf32, #tpu.memory_space<vmem>>, %arg18: memref<8x16xf32, #tpu.memory_space<vmem>>, %arg19: memref<16xf32, #tpu.memory_space<vmem>>, %arg20: memref<!tpu.dma_semaphore, #tpu.memory_space<semaphore_mem>>, %arg21: memref<!tpu.dma_semaphore, #tpu.memory_space<semaphore_mem>>) attributes {dimension_semantics = [#tpu.dimension_semantics<core_parallel>, #tpu.dimension_semantics<subcore_parallel>], iteration_bounds = array<i64: 2, 16>, scalar_prefetch = 0 : i64, scratch_operands = 11 : i64, tpu.core_type = #tpu.core_type<sc_vector_subcore>, window_params = [{transform_indices = #map}, {transform_indices = #map}, {transform_indices = #map1}, {transform_indices = #map1}, {transform_indices = #map1}, {transform_indices = #map1}, {transform_indices = #map1}, {transform_indices = #map1}, {transform_indices = #map1}]} {
    %mul3A = arith.constant 2 : i32
    %mul3A_0 = arith.muli %arg1, %mul3A : i32
    %add3A = arith.addi %mul3A_0, %arg0 : i32
    "tpu.region"() ({
      %run_scoped3A = tpu.sem_alloc : memref<!tpu.dma_semaphore, #tpu.memory_space<semaphore_mem>>
      tpu.enqueue_dma source(%arg8 : memref<16xf32, #tpu.memory_space<hbm>>) target(%arg19 : memref<16xf32, #tpu.memory_space<vmem>>) target_semaphore(%run_scoped3A : memref<!tpu.dma_semaphore, #tpu.memory_space<semaphore_mem>>)
      tpu.wait_dma2 semaphore(%run_scoped3A : memref<!tpu.dma_semaphore, #tpu.memory_space<semaphore_mem>>) src(%arg8 : memref<16xf32, #tpu.memory_space<hbm>>) dst(%arg19 : memref<16xf32, #tpu.memory_space<vmem>>)
      tpu.yield
    }) : () -> ()
    %get3A = arith.constant 0 : index
    %get3A_1 = tpu.vector_load %arg19[%get3A] {strides = array<i32>} : memref<16xf32, #tpu.memory_space<vmem>>, vector<16xf32>,
    "tpu.region"() ({
      %run_scoped3A = tpu.sem_alloc : memref<!tpu.dma_semaphore, #tpu.memory_space<semaphore_mem>>
      tpu.enqueue_dma source(%arg4 : memref<4096xf32, #tpu.memory_space<hbm>>) target(%arg11 : memref<4096xf32, #tpu.memory_space<vmem>>) target_semaphore(%run_scoped3A : memref<!tpu.dma_semaphore, #tpu.memory_space<semaphore_mem>>)
      tpu.wait_dma2 semaphore(%run_scoped3A : memref<!tpu.dma_semaphore, #tpu.memory_space<semaphore_mem>>) src(%arg4 : memref<4096xf32, #tpu.memory_space<hbm>>) dst(%arg11 : memref<4096xf32, #tpu.memory_space<vmem>>)
      tpu.yield
    }) : () -> ()
    "tpu.region"() ({
      %run_scoped3A = tpu.sem_alloc : memref<!tpu.dma_semaphore, #tpu.memory_space<semaphore_mem>>
      tpu.enqueue_dma source(%arg6 : memref<4096xf32, #tpu.memory_space<hbm>>) target(%arg13 : memref<4096xf32, #tpu.memory_space<vmem>>) target_semaphore(%run_scoped3A : memref<!tpu.dma_semaphore, #tpu.memory_space<semaphore_mem>>)
      tpu.wait_dma2 semaphore(%run_scoped3A : memref<!tpu.dma_semaphore, #tpu.memory_space<semaphore_mem>>) src(%arg6 : memref<4096xf32, #tpu.memory_space<hbm>>) dst(%arg13 : memref<4096xf32, #tpu.memory_space<vmem>>)
      tpu.yield
    }) : () -> ()
    %scan3A = arith.constant 0 : i32
    %scan3A_2 = arith.constant 0 : i32
    %scan3A_3 = arith.constant 256 : i32
    %scan3A_4 = arith.addi %scan3A_2, %scan3A_3 : i32
    %scan3A_5 = arith.constant 1 : i32
    %scan3A_6 = scf.for %scan3A_46 = %scan3A_2 to %scan3A_4 step %scan3A_5 iter_args(%scan3A_47 = %scan3A) -> (i32)  : i32 {
      %mul3A_48 = arith.constant 16 : i32
      %mul3A_49 = arith.muli %scan3A_46, %mul3A_48 : i32
      %get3A_50 = arith.index_cast %mul3A_49 : i32 to index
      %get3A_51 = tpu.vector_load %arg11[%get3A_50] {strides = array<i32>} : memref<4096xf32, #tpu.memory_space<vmem>>, vector<16xf32>,
      %get3A_52 = arith.index_cast %mul3A_49 : i32 to index
      %get3A_53 = tpu.vector_load %arg13[%get3A_52] {strides = array<i32>} : memref<4096xf32, #tpu.memory_space<vmem>>, vector<16xf32>,
      %div3A = arith.divf %get3A_51, %get3A_53 : vector<16xf32>
      %mul3A_54 = arith.mulf %div3A, %get3A_1 : vector<16xf32>
      %swap3A = arith.index_cast %mul3A_49 : i32 to index
      %swap3A_55 = tpu.vector_load %arg11[%swap3A] {strides = array<i32>} : memref<4096xf32, #tpu.memory_space<vmem>>, vector<16xf32>,
      tpu.vector_store %arg11[%swap3A], %mul3A_54 {strides = array<i32>} : memref<4096xf32, #tpu.memory_space<vmem>>, vector<16xf32>,
      %scan3A_56 = arith.constant 0 : i32
      scf.yield %scan3A_56 : i32
    }
    %scan3A_7 = arith.constant 256 : i32
    "tpu.region"() ({
      %run_scoped3A = tpu.sem_alloc : memref<!tpu.dma_semaphore, #tpu.memory_space<semaphore_mem>>
      tpu.enqueue_dma source(%arg5 : memref<4096xf32, #tpu.memory_space<hbm>>) target(%arg12 : memref<4096xf32, #tpu.memory_space<vmem>>) target_semaphore(%run_scoped3A : memref<!tpu.dma_semaphore, #tpu.memory_space<semaphore_mem>>)
      tpu.wait_dma2 semaphore(%run_scoped3A : memref<!tpu.dma_semaphore, #tpu.memory_space<semaphore_mem>>) src(%arg5 : memref<4096xf32, #tpu.memory_space<hbm>>) dst(%arg12 : memref<4096xf32, #tpu.memory_space<vmem>>)
      tpu.yield
    }) : () -> ()
    "tpu.region"() ({
      %run_scoped3A = tpu.sem_alloc : memref<!tpu.dma_semaphore, #tpu.memory_space<semaphore_mem>>
      tpu.enqueue_dma source(%arg7 : memref<4096xf32, #tpu.memory_space<hbm>>) target(%arg13 : memref<4096xf32, #tpu.memory_space<vmem>>) target_semaphore(%run_scoped3A : memref<!tpu.dma_semaphore, #tpu.memory_space<semaphore_mem>>)
      tpu.wait_dma2 semaphore(%run_scoped3A : memref<!tpu.dma_semaphore, #tpu.memory_space<semaphore_mem>>) src(%arg7 : memref<4096xf32, #tpu.memory_space<hbm>>) dst(%arg13 : memref<4096xf32, #tpu.memory_space<vmem>>)
      tpu.yield
    }) : () -> ()
    %scan3A_8 = arith.constant 0 : i32
    %scan3A_9 = arith.constant 0 : i32
    %scan3A_10 = arith.constant 256 : i32
    %scan3A_11 = arith.addi %scan3A_9, %scan3A_10 : i32
    %scan3A_12 = arith.constant 1 : i32
    %scan3A_13 = scf.for %scan3A_46 = %scan3A_9 to %scan3A_11 step %scan3A_12 iter_args(%scan3A_47 = %scan3A_8) -> (i32)  : i32 {
      %mul3A_48 = arith.constant 16 : i32
      %mul3A_49 = arith.muli %scan3A_46, %mul3A_48 : i32
      %get3A_50 = arith.index_cast %mul3A_49 : i32 to index
      %get3A_51 = tpu.vector_load %arg12[%get3A_50] {strides = array<i32>} : memref<4096xf32, #tpu.memory_space<vmem>>, vector<16xf32>,
      %get3A_52 = arith.index_cast %mul3A_49 : i32 to index
      %get3A_53 = tpu.vector_load %arg13[%get3A_52] {strides = array<i32>} : memref<4096xf32, #tpu.memory_space<vmem>>, vector<16xf32>,
      %div3A = arith.divf %get3A_51, %get3A_53 : vector<16xf32>
      %mul3A_54 = arith.mulf %div3A, %get3A_1 : vector<16xf32>
      %swap3A = arith.index_cast %mul3A_49 : i32 to index
      %swap3A_55 = tpu.vector_load %arg12[%swap3A] {strides = array<i32>} : memref<4096xf32, #tpu.memory_space<vmem>>, vector<16xf32>,
      tpu.vector_store %arg12[%swap3A], %mul3A_54 {strides = array<i32>} : memref<4096xf32, #tpu.memory_space<vmem>>, vector<16xf32>,
      %scan3A_56 = arith.constant 0 : i32
      scf.yield %scan3A_56 : i32
    }
    %scan3A_14 = arith.constant 256 : i32
    %mul3A_15 = arith.constant 128 : i32
    %mul3A_16 = arith.muli %add3A, %mul3A_15 : i32
    %dma_start3A = arith.constant 0 : i32
    %dma_start3A_17 = tpu.memref_slice %arg2[%mul3A_16, %dma_start3A] : memref<4096x4096xf32, #tpu.memory_space<hbm>> -> memref<8x4096xf32, #tpu.memory_space<hbm>>
    %dma_start3A_18 = arith.constant 0 : i32
    %dma_start3A_19 = tpu.memref_slice %arg2[%mul3A_16, %dma_start3A_18] : memref<4096x4096xf32, #tpu.memory_space<hbm>> -> memref<8x4096xf32, #tpu.memory_space<hbm>>
    tpu.enqueue_dma source(%dma_start3A_19 : memref<8x4096xf32, #tpu.memory_space<hbm>>) target(%arg14 : memref<8x4096xf32, #tpu.memory_space<vmem>>) target_semaphore(%arg20 : memref<!tpu.dma_semaphore, #tpu.memory_space<semaphore_mem>>)
    %scan3A_20 = arith.constant 0 : i32
    %scan3A_21 = arith.constant 0 : i32
    %scan3A_22 = arith.constant 8 : i32
    %scan3A_23 = arith.addi %scan3A_21, %scan3A_22 : i32
    %scan3A_24 = arith.constant 1 : i32
    %scan3A_25 = scf.for %scan3A_46 = %scan3A_21 to %scan3A_23 step %scan3A_24 iter_args(%scan3A_47 = %scan3A_20) -> (i32)  : i32 {
      %mul3A_48 = arith.constant 2 : i32
      %mul3A_49 = arith.muli %scan3A_46, %mul3A_48 : i32
      %add3A_50 = arith.constant 1 : i32
      %add3A_51 = arith.addi %mul3A_49, %add3A_50 : i32
      %mul3A_52 = arith.constant 8 : i32
      %mul3A_53 = arith.muli %add3A_51, %mul3A_52 : i32
      %add3A_54 = arith.addi %mul3A_16, %mul3A_53 : i32
      %dma_start3A_55 = arith.constant 0 : i32
      %dma_start3A_56 = tpu.memref_slice %arg2[%add3A_54, %dma_start3A_55] : memref<4096x4096xf32, #tpu.memory_space<hbm>> -> memref<8x4096xf32, #tpu.memory_space<hbm>>
      %dma_start3A_57 = arith.constant 0 : i32
      %dma_start3A_58 = tpu.memref_slice %arg2[%add3A_54, %dma_start3A_57] : memref<4096x4096xf32, #tpu.memory_space<hbm>> -> memref<8x4096xf32, #tpu.memory_space<hbm>>
      tpu.enqueue_dma source(%dma_start3A_58 : memref<8x4096xf32, #tpu.memory_space<hbm>>) target(%arg15 : memref<8x4096xf32, #tpu.memory_space<vmem>>) target_semaphore(%arg21 : memref<!tpu.dma_semaphore, #tpu.memory_space<semaphore_mem>>)
      %dma_wait3A = arith.constant 0 : i32
      %dma_wait3A_59 = tpu.memref_slice %arg2[%mul3A_16, %dma_wait3A] : memref<4096x4096xf32, #tpu.memory_space<hbm>> -> memref<8x4096xf32, #tpu.memory_space<hbm>>
      %dma_wait3A_60 = arith.constant 0 : i32
      %dma_wait3A_61 = tpu.memref_slice %arg2[%mul3A_16, %dma_wait3A_60] : memref<4096x4096xf32, #tpu.memory_space<hbm>> -> memref<8x4096xf32, #tpu.memory_space<hbm>>
      tpu.wait_dma2 semaphore(%arg20 : memref<!tpu.dma_semaphore, #tpu.memory_space<semaphore_mem>>) src(%dma_wait3A_61 : memref<8x4096xf32, #tpu.memory_space<hbm>>) dst(%arg14 : memref<8x4096xf32, #tpu.memory_space<vmem>>)
      %broadcast_in_dim3A = arith.constant 0.000000e+00 : f32
      %broadcast_in_dim3A_62 = vector.broadcast %broadcast_in_dim3A : f32 to vector<16xf32>
      %scan3A_63 = arith.constant 0 : i32
      %scan3A_64 = arith.constant 64 : i32
      %scan3A_65 = arith.addi %scan3A_63, %scan3A_64 : i32
      %scan3A_66 = arith.constant 1 : i32
      %scan3A_67:8 = scf.for %scan3A_298 = %scan3A_63 to %scan3A_65 step %scan3A_66 iter_args(%scan3A_299 = %broadcast_in_dim3A_62, %scan3A_300 = %broadcast_in_dim3A_62, %scan3A_301 = %broadcast_in_dim3A_62, %scan3A_302 = %broadcast_in_dim3A_62, %scan3A_303 = %broadcast_in_dim3A_62, %scan3A_304 = %broadcast_in_dim3A_62, %scan3A_305 = %broadcast_in_dim3A_62, %scan3A_306 = %broadcast_in_dim3A_62) -> (vector<16xf32>, vector<16xf32>, vector<16xf32>, vector<16xf32>, vector<16xf32>, vector<16xf32>, vector<16xf32>, vector<16xf32>)  : i32 {
        %mul3A_307 = arith.constant 4 : i32
        %mul3A_308 = arith.muli %scan3A_298, %mul3A_307 : i32
        %add3A_309 = arith.constant 0 : i32
        %add3A_310 = arith.addi %mul3A_308, %add3A_309 : i32
        %mul3A_311 = arith.constant 16 : i32
        %mul3A_312 = arith.muli %add3A_310, %mul3A_311 : i32
        %get3A_313 = arith.index_cast %mul3A_312 : i32 to index
        %get3A_314 = tpu.vector_load %arg12[%get3A_313] {strides = array<i32>} : memref<4096xf32, #tpu.memory_space<vmem>>, vector<16xf32>,
        %get3A_315 = arith.constant 0 : i32
        %get3A_316 = arith.index_cast %get3A_315 : i32 to index
        %get3A_317 = arith.index_cast %mul3A_312 : i32 to index
        %get3A_318 = tpu.vector_load %arg14[%get3A_316, %get3A_317] {strides = array<i32>} : memref<8x4096xf32, #tpu.memory_space<vmem>>, vector<16xf32>,
        %mul3A_319 = arith.mulf %get3A_318, %get3A_314 : vector<16xf32>
        %add3A_320 = arith.addf %scan3A_299, %mul3A_319 : vector<16xf32>
        %get3A_321 = arith.constant 1 : i32
        %get3A_322 = arith.index_cast %get3A_321 : i32 to index
        %get3A_323 = arith.index_cast %mul3A_312 : i32 to index
        %get3A_324 = tpu.vector_load %arg14[%get3A_322, %get3A_323] {strides = array<i32>} : memref<8x4096xf32, #tpu.memory_space<vmem>>, vector<16xf32>,
        %mul3A_325 = arith.mulf %get3A_324, %get3A_314 : vector<16xf32>
        %add3A_326 = arith.addf %scan3A_300, %mul3A_325 : vector<16xf32>
        %get3A_327 = arith.constant 2 : i32
        %get3A_328 = arith.index_cast %get3A_327 : i32 to index
        %get3A_329 = arith.index_cast %mul3A_312 : i32 to index
        %get3A_330 = tpu.vector_load %arg14[%get3A_328, %get3A_329] {strides = array<i32>} : memref<8x4096xf32, #tpu.memory_space<vmem>>, vector<16xf32>,
        %mul3A_331 = arith.mulf %get3A_330, %get3A_314 : vector<16xf32>
        %add3A_332 = arith.addf %scan3A_301, %mul3A_331 : vector<16xf32>
        %get3A_333 = arith.constant 3 : i32
        %get3A_334 = arith.index_cast %get3A_333 : i32 to index
        %get3A_335 = arith.index_cast %mul3A_312 : i32 to index
        %get3A_336 = tpu.vector_load %arg14[%get3A_334, %get3A_335] {strides = array<i32>} : memref<8x4096xf32, #tpu.memory_space<vmem>>, vector<16xf32>,
        %mul3A_337 = arith.mulf %get3A_336, %get3A_314 : vector<16xf32>
        %add3A_338 = arith.addf %scan3A_302, %mul3A_337 : vector<16xf32>
        %get3A_339 = arith.constant 4 : i32
        %get3A_340 = arith.index_cast %get3A_339 : i32 to index
        %get3A_341 = arith.index_cast %mul3A_312 : i32 to index
        %get3A_342 = tpu.vector_load %arg14[%get3A_340, %get3A_341] {strides = array<i32>} : memref<8x4096xf32, #tpu.memory_space<vmem>>, vector<16xf32>,
        %mul3A_343 = arith.mulf %get3A_342, %get3A_314 : vector<16xf32>
        %add3A_344 = arith.addf %scan3A_303, %mul3A_343 : vector<16xf32>
        %get3A_345 = arith.constant 5 : i32
        %get3A_346 = arith.index_cast %get3A_345 : i32 to index
        %get3A_347 = arith.index_cast %mul3A_312 : i32 to index
        %get3A_348 = tpu.vector_load %arg14[%get3A_346, %get3A_347] {strides = array<i32>} : memref<8x4096xf32, #tpu.memory_space<vmem>>, vector<16xf32>,
        %mul3A_349 = arith.mulf %get3A_348, %get3A_314 : vector<16xf32>
        %add3A_350 = arith.addf %scan3A_304, %mul3A_349 : vector<16xf32>
        %get3A_351 = arith.constant 6 : i32
        %get3A_352 = arith.index_cast %get3A_351 : i32 to index
        %get3A_353 = arith.index_cast %mul3A_312 : i32 to index
        %get3A_354 = tpu.vector_load %arg14[%get3A_352, %get3A_353] {strides = array<i32>} : memref<8x4096xf32, #tpu.memory_space<vmem>>, vector<16xf32>,
        %mul3A_355 = arith.mulf %get3A_354, %get3A_314 : vector<16xf32>
        %add3A_356 = arith.addf %scan3A_305, %mul3A_355 : vector<16xf32>
        %get3A_357 = arith.constant 7 : i32
        %get3A_358 = arith.index_cast %get3A_357 : i32 to index
        %get3A_359 = arith.index_cast %mul3A_312 : i32 to index
        %get3A_360 = tpu.vector_load %arg14[%get3A_358, %get3A_359] {strides = array<i32>} : memref<8x4096xf32, #tpu.memory_space<vmem>>, vector<16xf32>,
        %mul3A_361 = arith.mulf %get3A_360, %get3A_314 : vector<16xf32>
        %add3A_362 = arith.addf %scan3A_306, %mul3A_361 : vector<16xf32>
        %mul3A_363 = arith.constant 4 : i32
        %mul3A_364 = arith.muli %scan3A_298, %mul3A_363 : i32
        %add3A_365 = arith.constant 1 : i32
        %add3A_366 = arith.addi %mul3A_364, %add3A_365 : i32
        %mul3A_367 = arith.constant 16 : i32
        %mul3A_368 = arith.muli %add3A_366, %mul3A_367 : i32
        %get3A_369 = arith.index_cast %mul3A_368 : i32 to index
        %get3A_370 = tpu.vector_load %arg12[%get3A_369] {strides = array<i32>} : memref<4096xf32, #tpu.memory_space<vmem>>, vector<16xf32>,
        %get3A_371 = arith.constant 0 : i32
        %get3A_372 = arith.index_cast %get3A_371 : i32 to index
        %get3A_373 = arith.index_cast %mul3A_368 : i32 to index
        %get3A_374 = tpu.vector_load %arg14[%get3A_372, %get3A_373] {strides = array<i32>} : memref<8x4096xf32, #tpu.memory_space<vmem>>, vector<16xf32>,
        %mul3A_375 = arith.mulf %get3A_374, %get3A_370 : vector<16xf32>
        %add3A_376 = arith.addf %add3A_320, %mul3A_375 : vector<16xf32>
        %get3A_377 = arith.constant 1 : i32
        %get3A_378 = arith.index_cast %get3A_377 : i32 to index
        %get3A_379 = arith.index_cast %mul3A_368 : i32 to index
        %get3A_380 = tpu.vector_load %arg14[%get3A_378, %get3A_379] {strides = array<i32>} : memref<8x4096xf32, #tpu.memory_space<vmem>>, vector<16xf32>,
        %mul3A_381 = arith.mulf %get3A_380, %get3A_370 : vector<16xf32>
        %add3A_382 = arith.addf %add3A_326, %mul3A_381 : vector<16xf32>
        %get3A_383 = arith.constant 2 : i32
        %get3A_384 = arith.index_cast %get3A_383 : i32 to index
        %get3A_385 = arith.index_cast %mul3A_368 : i32 to index
        %get3A_386 = tpu.vector_load %arg14[%get3A_384, %get3A_385] {strides = array<i32>} : memref<8x4096xf32, #tpu.memory_space<vmem>>, vector<16xf32>,
        %mul3A_387 = arith.mulf %get3A_386, %get3A_370 : vector<16xf32>
        %add3A_388 = arith.addf %add3A_332, %mul3A_387 : vector<16xf32>
        %get3A_389 = arith.constant 3 : i32
        %get3A_390 = arith.index_cast %get3A_389 : i32 to index
        %get3A_391 = arith.index_cast %mul3A_368 : i32 to index
        %get3A_392 = tpu.vector_load %arg14[%get3A_390, %get3A_391] {strides = array<i32>} : memref<8x4096xf32, #tpu.memory_space<vmem>>, vector<16xf32>,
        %mul3A_393 = arith.mulf %get3A_392, %get3A_370 : vector<16xf32>
        %add3A_394 = arith.addf %add3A_338, %mul3A_393 : vector<16xf32>
        %get3A_395 = arith.constant 4 : i32
        %get3A_396 = arith.index_cast %get3A_395 : i32 to index
        %get3A_397 = arith.index_cast %mul3A_368 : i32 to index
        %get3A_398 = tpu.vector_load %arg14[%get3A_396, %get3A_397] {strides = array<i32>} : memref<8x4096xf32, #tpu.memory_space<vmem>>, vector<16xf32>,
        %mul3A_399 = arith.mulf %get3A_398, %get3A_370 : vector<16xf32>
        %add3A_400 = arith.addf %add3A_344, %mul3A_399 : vector<16xf32>
        %get3A_401 = arith.constant 5 : i32
        %get3A_402 = arith.index_cast %get3A_401 : i32 to index
        %get3A_403 = arith.index_cast %mul3A_368 : i32 to index
        %get3A_404 = tpu.vector_load %arg14[%get3A_402, %get3A_403] {strides = array<i32>} : memref<8x4096xf32, #tpu.memory_space<vmem>>, vector<16xf32>,
        %mul3A_405 = arith.mulf %get3A_404, %get3A_370 : vector<16xf32>
        %add3A_406 = arith.addf %add3A_350, %mul3A_405 : vector<16xf32>
        %get3A_407 = arith.constant 6 : i32
        %get3A_408 = arith.index_cast %get3A_407 : i32 to index
        %get3A_409 = arith.index_cast %mul3A_368 : i32 to index
        %get3A_410 = tpu.vector_load %arg14[%get3A_408, %get3A_409] {strides = array<i32>} : memref<8x4096xf32, #tpu.memory_space<vmem>>, vector<16xf32>,
        %mul3A_411 = arith.mulf %get3A_410, %get3A_370 : vector<16xf32>
        %add3A_412 = arith.addf %add3A_356, %mul3A_411 : vector<16xf32>
        %get3A_413 = arith.constant 7 : i32
        %get3A_414 = arith.index_cast %get3A_413 : i32 to index
        %get3A_415 = arith.index_cast %mul3A_368 : i32 to index
        %get3A_416 = tpu.vector_load %arg14[%get3A_414, %get3A_415] {strides = array<i32>} : memref<8x4096xf32, #tpu.memory_space<vmem>>, vector<16xf32>,
        %mul3A_417 = arith.mulf %get3A_416, %get3A_370 : vector<16xf32>
        %add3A_418 = arith.addf %add3A_362, %mul3A_417 : vector<16xf32>
        %mul3A_419 = arith.constant 4 : i32
        %mul3A_420 = arith.muli %scan3A_298, %mul3A_419 : i32
        %add3A_421 = arith.constant 2 : i32
        %add3A_422 = arith.addi %mul3A_420, %add3A_421 : i32
        %mul3A_423 = arith.constant 16 : i32
        %mul3A_424 = arith.muli %add3A_422, %mul3A_423 : i32
        %get3A_425 = arith.index_cast %mul3A_424 : i32 to index
        %get3A_426 = tpu.vector_load %arg12[%get3A_425] {strides = array<i32>} : memref<4096xf32, #tpu.memory_space<vmem>>, vector<16xf32>,
        %get3A_427 = arith.constant 0 : i32
        %get3A_428 = arith.index_cast %get3A_427 : i32 to index
        %get3A_429 = arith.index_cast %mul3A_424 : i32 to index
        %get3A_430 = tpu.vector_load %arg14[%get3A_428, %get3A_429] {strides = array<i32>} : memref<8x4096xf32, #tpu.memory_space<vmem>>, vector<16xf32>,
        %mul3A_431 = arith.mulf %get3A_430, %get3A_426 : vector<16xf32>
        %add3A_432 = arith.addf %add3A_376, %mul3A_431 : vector<16xf32>
        %get3A_433 = arith.constant 1 : i32
        %get3A_434 = arith.index_cast %get3A_433 : i32 to index
        %get3A_435 = arith.index_cast %mul3A_424 : i32 to index
        %get3A_436 = tpu.vector_load %arg14[%get3A_434, %get3A_435] {strides = array<i32>} : memref<8x4096xf32, #tpu.memory_space<vmem>>, vector<16xf32>,
        %mul3A_437 = arith.mulf %get3A_436, %get3A_426 : vector<16xf32>
        %add3A_438 = arith.addf %add3A_382, %mul3A_437 : vector<16xf32>
        %get3A_439 = arith.constant 2 : i32
        %get3A_440 = arith.index_cast %get3A_439 : i32 to index
        %get3A_441 = arith.index_cast %mul3A_424 : i32 to index
        %get3A_442 = tpu.vector_load %arg14[%get3A_440, %get3A_441] {strides = array<i32>} : memref<8x4096xf32, #tpu.memory_space<vmem>>, vector<16xf32>,
        %mul3A_443 = arith.mulf %get3A_442, %get3A_426 : vector<16xf32>
        %add3A_444 = arith.addf %add3A_388, %mul3A_443 : vector<16xf32>
        %get3A_445 = arith.constant 3 : i32
        %get3A_446 = arith.index_cast %get3A_445 : i32 to index
        %get3A_447 = arith.index_cast %mul3A_424 : i32 to index
        %get3A_448 = tpu.vector_load %arg14[%get3A_446, %get3A_447] {strides = array<i32>} : memref<8x4096xf32, #tpu.memory_space<vmem>>, vector<16xf32>,
        %mul3A_449 = arith.mulf %get3A_448, %get3A_426 : vector<16xf32>
        %add3A_450 = arith.addf %add3A_394, %mul3A_449 : vector<16xf32>
        %get3A_451 = arith.constant 4 : i32
        %get3A_452 = arith.index_cast %get3A_451 : i32 to index
        %get3A_453 = arith.index_cast %mul3A_424 : i32 to index
        %get3A_454 = tpu.vector_load %arg14[%get3A_452, %get3A_453] {strides = array<i32>} : memref<8x4096xf32, #tpu.memory_space<vmem>>, vector<16xf32>,
        %mul3A_455 = arith.mulf %get3A_454, %get3A_426 : vector<16xf32>
        %add3A_456 = arith.addf %add3A_400, %mul3A_455 : vector<16xf32>
        %get3A_457 = arith.constant 5 : i32
        %get3A_458 = arith.index_cast %get3A_457 : i32 to index
        %get3A_459 = arith.index_cast %mul3A_424 : i32 to index
        %get3A_460 = tpu.vector_load %arg14[%get3A_458, %get3A_459] {strides = array<i32>} : memref<8x4096xf32, #tpu.memory_space<vmem>>, vector<16xf32>,
        %mul3A_461 = arith.mulf %get3A_460, %get3A_426 : vector<16xf32>
        %add3A_462 = arith.addf %add3A_406, %mul3A_461 : vector<16xf32>
        %get3A_463 = arith.constant 6 : i32
        %get3A_464 = arith.index_cast %get3A_463 : i32 to index
        %get3A_465 = arith.index_cast %mul3A_424 : i32 to index
        %get3A_466 = tpu.vector_load %arg14[%get3A_464, %get3A_465] {strides = array<i32>} : memref<8x4096xf32, #tpu.memory_space<vmem>>, vector<16xf32>,
        %mul3A_467 = arith.mulf %get3A_466, %get3A_426 : vector<16xf32>
        %add3A_468 = arith.addf %add3A_412, %mul3A_467 : vector<16xf32>
        %get3A_469 = arith.constant 7 : i32
        %get3A_470 = arith.index_cast %get3A_469 : i32 to index
        %get3A_471 = arith.index_cast %mul3A_424 : i32 to index
        %get3A_472 = tpu.vector_load %arg14[%get3A_470, %get3A_471] {strides = array<i32>} : memref<8x4096xf32, #tpu.memory_space<vmem>>, vector<16xf32>,
        %mul3A_473 = arith.mulf %get3A_472, %get3A_426 : vector<16xf32>
        %add3A_474 = arith.addf %add3A_418, %mul3A_473 : vector<16xf32>
        %mul3A_475 = arith.constant 4 : i32
        %mul3A_476 = arith.muli %scan3A_298, %mul3A_475 : i32
        %add3A_477 = arith.constant 3 : i32
        %add3A_478 = arith.addi %mul3A_476, %add3A_477 : i32
        %mul3A_479 = arith.constant 16 : i32
        %mul3A_480 = arith.muli %add3A_478, %mul3A_479 : i32
        %get3A_481 = arith.index_cast %mul3A_480 : i32 to index
        %get3A_482 = tpu.vector_load %arg12[%get3A_481] {strides = array<i32>} : memref<4096xf32, #tpu.memory_space<vmem>>, vector<16xf32>,
        %get3A_483 = arith.constant 0 : i32
        %get3A_484 = arith.index_cast %get3A_483 : i32 to index
        %get3A_485 = arith.index_cast %mul3A_480 : i32 to index
        %get3A_486 = tpu.vector_load %arg14[%get3A_484, %get3A_485] {strides = array<i32>} : memref<8x4096xf32, #tpu.memory_space<vmem>>, vector<16xf32>,
        %mul3A_487 = arith.mulf %get3A_486, %get3A_482 : vector<16xf32>
        %add3A_488 = arith.addf %add3A_432, %mul3A_487 : vector<16xf32>
        %get3A_489 = arith.constant 1 : i32
        %get3A_490 = arith.index_cast %get3A_489 : i32 to index
        %get3A_491 = arith.index_cast %mul3A_480 : i32 to index
        %get3A_492 = tpu.vector_load %arg14[%get3A_490, %get3A_491] {strides = array<i32>} : memref<8x4096xf32, #tpu.memory_space<vmem>>, vector<16xf32>,
        %mul3A_493 = arith.mulf %get3A_492, %get3A_482 : vector<16xf32>
        %add3A_494 = arith.addf %add3A_438, %mul3A_493 : vector<16xf32>
        %get3A_495 = arith.constant 2 : i32
        %get3A_496 = arith.index_cast %get3A_495 : i32 to index
        %get3A_497 = arith.index_cast %mul3A_480 : i32 to index
        %get3A_498 = tpu.vector_load %arg14[%get3A_496, %get3A_497] {strides = array<i32>} : memref<8x4096xf32, #tpu.memory_space<vmem>>, vector<16xf32>,
        %mul3A_499 = arith.mulf %get3A_498, %get3A_482 : vector<16xf32>
        %add3A_500 = arith.addf %add3A_444, %mul3A_499 : vector<16xf32>
        %get3A_501 = arith.constant 3 : i32
        %get3A_502 = arith.index_cast %get3A_501 : i32 to index
        %get3A_503 = arith.index_cast %mul3A_480 : i32 to index
        %get3A_504 = tpu.vector_load %arg14[%get3A_502, %get3A_503] {strides = array<i32>} : memref<8x4096xf32, #tpu.memory_space<vmem>>, vector<16xf32>,
        %mul3A_505 = arith.mulf %get3A_504, %get3A_482 : vector<16xf32>
        %add3A_506 = arith.addf %add3A_450, %mul3A_505 : vector<16xf32>
        %get3A_507 = arith.constant 4 : i32
        %get3A_508 = arith.index_cast %get3A_507 : i32 to index
        %get3A_509 = arith.index_cast %mul3A_480 : i32 to index
        %get3A_510 = tpu.vector_load %arg14[%get3A_508, %get3A_509] {strides = array<i32>} : memref<8x4096xf32, #tpu.memory_space<vmem>>, vector<16xf32>,
        %mul3A_511 = arith.mulf %get3A_510, %get3A_482 : vector<16xf32>
        %add3A_512 = arith.addf %add3A_456, %mul3A_511 : vector<16xf32>
        %get3A_513 = arith.constant 5 : i32
        %get3A_514 = arith.index_cast %get3A_513 : i32 to index
        %get3A_515 = arith.index_cast %mul3A_480 : i32 to index
        %get3A_516 = tpu.vector_load %arg14[%get3A_514, %get3A_515] {strides = array<i32>} : memref<8x4096xf32, #tpu.memory_space<vmem>>, vector<16xf32>,
        %mul3A_517 = arith.mulf %get3A_516, %get3A_482 : vector<16xf32>
        %add3A_518 = arith.addf %add3A_462, %mul3A_517 : vector<16xf32>
        %get3A_519 = arith.constant 6 : i32
        %get3A_520 = arith.index_cast %get3A_519 : i32 to index
        %get3A_521 = arith.index_cast %mul3A_480 : i32 to index
        %get3A_522 = tpu.vector_load %arg14[%get3A_520, %get3A_521] {strides = array<i32>} : memref<8x4096xf32, #tpu.memory_space<vmem>>, vector<16xf32>,
        %mul3A_523 = arith.mulf %get3A_522, %get3A_482 : vector<16xf32>
        %add3A_524 = arith.addf %add3A_468, %mul3A_523 : vector<16xf32>
        %get3A_525 = arith.constant 7 : i32
        %get3A_526 = arith.index_cast %get3A_525 : i32 to index
        %get3A_527 = arith.index_cast %mul3A_480 : i32 to index
        %get3A_528 = tpu.vector_load %arg14[%get3A_526, %get3A_527] {strides = array<i32>} : memref<8x4096xf32, #tpu.memory_space<vmem>>, vector<16xf32>,
        %mul3A_529 = arith.mulf %get3A_528, %get3A_482 : vector<16xf32>
        %add3A_530 = arith.addf %add3A_474, %mul3A_529 : vector<16xf32>
        scf.yield %add3A_488, %add3A_494, %add3A_500, %add3A_506, %add3A_512, %add3A_518, %add3A_524, %add3A_530 : vector<16xf32>, vector<16xf32>, vector<16xf32>, vector<16xf32>, vector<16xf32>, vector<16xf32>, vector<16xf32>, vector<16xf32>
      }
      %scan3A_68 = arith.constant 64 : i32
      %swap3A = arith.constant 0 : i32
      %swap3A_69 = arith.index_cast %swap3A : i32 to index
      %swap3A_70 = arith.constant 0 : index
      %swap3A_71 = tpu.vector_load %arg18[%swap3A_69, %swap3A_70] {strides = array<i32>} : memref<8x16xf32, #tpu.memory_space<vmem>>, vector<16xf32>,
      tpu.vector_store %arg18[%swap3A_69, %swap3A_70], %scan3A_67#0 {strides = array<i32>} : memref<8x16xf32, #tpu.memory_space<vmem>>, vector<16xf32>,
      %swap3A_72 = arith.constant 1 : i32
      %swap3A_73 = arith.index_cast %swap3A_72 : i32 to index
      %swap3A_74 = arith.constant 0 : index
      %swap3A_75 = tpu.vector_load %arg18[%swap3A_73, %swap3A_74] {strides = array<i32>} : memref<8x16xf32, #tpu.memory_space<vmem>>, vector<16xf32>,
      tpu.vector_store %arg18[%swap3A_73, %swap3A_74], %scan3A_67#1 {strides = array<i32>} : memref<8x16xf32, #tpu.memory_space<vmem>>, vector<16xf32>,
      %swap3A_76 = arith.constant 2 : i32
      %swap3A_77 = arith.index_cast %swap3A_76 : i32 to index
      %swap3A_78 = arith.constant 0 : index
      %swap3A_79 = tpu.vector_load %arg18[%swap3A_77, %swap3A_78] {strides = array<i32>} : memref<8x16xf32, #tpu.memory_space<vmem>>, vector<16xf32>,
      tpu.vector_store %arg18[%swap3A_77, %swap3A_78], %scan3A_67#2 {strides = array<i32>} : memref<8x16xf32, #tpu.memory_space<vmem>>, vector<16xf32>,
      %swap3A_80 = arith.constant 3 : i32
      %swap3A_81 = arith.index_cast %swap3A_80 : i32 to index
      %swap3A_82 = arith.constant 0 : index
      %swap3A_83 = tpu.vector_load %arg18[%swap3A_81, %swap3A_82] {strides = array<i32>} : memref<8x16xf32, #tpu.memory_space<vmem>>, vector<16xf32>,
      tpu.vector_store %arg18[%swap3A_81, %swap3A_82], %scan3A_67#3 {strides = array<i32>} : memref<8x16xf32, #tpu.memory_space<vmem>>, vector<16xf32>,
      %swap3A_84 = arith.constant 4 : i32
      %swap3A_85 = arith.index_cast %swap3A_84 : i32 to index
      %swap3A_86 = arith.constant 0 : index
      %swap3A_87 = tpu.vector_load %arg18[%swap3A_85, %swap3A_86] {strides = array<i32>} : memref<8x16xf32, #tpu.memory_space<vmem>>, vector<16xf32>,
      tpu.vector_store %arg18[%swap3A_85, %swap3A_86], %scan3A_67#4 {strides = array<i32>} : memref<8x16xf32, #tpu.memory_space<vmem>>, vector<16xf32>,
      %swap3A_88 = arith.constant 5 : i32
      %swap3A_89 = arith.index_cast %swap3A_88 : i32 to index
      %swap3A_90 = arith.constant 0 : index
      %swap3A_91 = tpu.vector_load %arg18[%swap3A_89, %swap3A_90] {strides = array<i32>} : memref<8x16xf32, #tpu.memory_space<vmem>>, vector<16xf32>,
      tpu.vector_store %arg18[%swap3A_89, %swap3A_90], %scan3A_67#5 {strides = array<i32>} : memref<8x16xf32, #tpu.memory_space<vmem>>, vector<16xf32>,
      %swap3A_92 = arith.constant 6 : i32
      %swap3A_93 = arith.index_cast %swap3A_92 : i32 to index
      %swap3A_94 = arith.constant 0 : index
      %swap3A_95 = tpu.vector_load %arg18[%swap3A_93, %swap3A_94] {strides = array<i32>} : memref<8x16xf32, #tpu.memory_space<vmem>>, vector<16xf32>,
      tpu.vector_store %arg18[%swap3A_93, %swap3A_94], %scan3A_67#6 {strides = array<i32>} : memref<8x16xf32, #tpu.memory_space<vmem>>, vector<16xf32>,
      %swap3A_96 = arith.constant 7 : i32
      %swap3A_97 = arith.index_cast %swap3A_96 : i32 to index
      %swap3A_98 = arith.constant 0 : index
      %swap3A_99 = tpu.vector_load %arg18[%swap3A_97, %swap3A_98] {strides = array<i32>} : memref<8x16xf32, #tpu.memory_space<vmem>>, vector<16xf32>,
      tpu.vector_store %arg18[%swap3A_97, %swap3A_98], %scan3A_67#7 {strides = array<i32>} : memref<8x16xf32, #tpu.memory_space<vmem>>, vector<16xf32>,
      %iota3A = tpu.iota {dimensions = array<i32: 0>} : vector<16xi32>
      %and3A = arith.constant 7 : i32
      %and3A_100 = vector.broadcast %and3A : i32 to vector<16xi32>
      %and3A_101 = arith.andi %iota3A, %and3A_100 : vector<16xi32>
      %broadcast_in_dim3A_102 = arith.constant 0 : i32
      %broadcast_in_dim3A_103 = vector.broadcast %broadcast_in_dim3A_102 : i32 to vector<16xi32>
      %gather3A = tpu.vector_load_idx %arg18[%and3A_101, %broadcast_in_dim3A_103] : memref<8x16xf32, #tpu.memory_space<vmem>>[vector<16xi32>, vector<16xi32>], vector<16xf32>,
      %add3A_104 = arith.addf %broadcast_in_dim3A_62, %gather3A : vector<16xf32>
      %broadcast_in_dim3A_105 = arith.constant 1 : i32
      %broadcast_in_dim3A_106 = vector.broadcast %broadcast_in_dim3A_105 : i32 to vector<16xi32>
      %gather3A_107 = tpu.vector_load_idx %arg18[%and3A_101, %broadcast_in_dim3A_106] : memref<8x16xf32, #tpu.memory_space<vmem>>[vector<16xi32>, vector<16xi32>], vector<16xf32>,
      %add3A_108 = arith.addf %add3A_104, %gather3A_107 : vector<16xf32>
      %broadcast_in_dim3A_109 = arith.constant 2 : i32
      %broadcast_in_dim3A_110 = vector.broadcast %broadcast_in_dim3A_109 : i32 to vector<16xi32>
      %gather3A_111 = tpu.vector_load_idx %arg18[%and3A_101, %broadcast_in_dim3A_110] : memref<8x16xf32, #tpu.memory_space<vmem>>[vector<16xi32>, vector<16xi32>], vector<16xf32>,
      %add3A_112 = arith.addf %add3A_108, %gather3A_111 : vector<16xf32>
      %broadcast_in_dim3A_113 = arith.constant 3 : i32
      %broadcast_in_dim3A_114 = vector.broadcast %broadcast_in_dim3A_113 : i32 to vector<16xi32>
      %gather3A_115 = tpu.vector_load_idx %arg18[%and3A_101, %broadcast_in_dim3A_114] : memref<8x16xf32, #tpu.memory_space<vmem>>[vector<16xi32>, vector<16xi32>], vector<16xf32>,
      %add3A_116 = arith.addf %add3A_112, %gather3A_115 : vector<16xf32>
      %broadcast_in_dim3A_117 = arith.constant 4 : i32
      %broadcast_in_dim3A_118 = vector.broadcast %broadcast_in_dim3A_117 : i32 to vector<16xi32>
      %gather3A_119 = tpu.vector_load_idx %arg18[%and3A_101, %broadcast_in_dim3A_118] : memref<8x16xf32, #tpu.memory_space<vmem>>[vector<16xi32>, vector<16xi32>], vector<16xf32>,
      %add3A_120 = arith.addf %add3A_116, %gather3A_119 : vector<16xf32>
      %broadcast_in_dim3A_121 = arith.constant 5 : i32
      %broadcast_in_dim3A_122 = vector.broadcast %broadcast_in_dim3A_121 : i32 to vector<16xi32>
      %gather3A_123 = tpu.vector_load_idx %arg18[%and3A_101, %broadcast_in_dim3A_122] : memref<8x16xf32, #tpu.memory_space<vmem>>[vector<16xi32>, vector<16xi32>], vector<16xf32>,
      %add3A_124 = arith.addf %add3A_120, %gather3A_123 : vector<16xf32>
      %broadcast_in_dim3A_125 = arith.constant 6 : i32
      %broadcast_in_dim3A_126 = vector.broadcast %broadcast_in_dim3A_125 : i32 to vector<16xi32>
      %gather3A_127 = tpu.vector_load_idx %arg18[%and3A_101, %broadcast_in_dim3A_126] : memref<8x16xf32, #tpu.memory_space<vmem>>[vector<16xi32>, vector<16xi32>], vector<16xf32>,
      %add3A_128 = arith.addf %add3A_124, %gather3A_127 : vector<16xf32>
      %broadcast_in_dim3A_129 = arith.constant 7 : i32
      %broadcast_in_dim3A_130 = vector.broadcast %broadcast_in_dim3A_129 : i32 to vector<16xi32>
      %gather3A_131 = tpu.vector_load_idx %arg18[%and3A_101, %broadcast_in_dim3A_130] : memref<8x16xf32, #tpu.memory_space<vmem>>[vector<16xi32>, vector<16xi32>], vector<16xf32>,
      %add3A_132 = arith.addf %add3A_128, %gather3A_131 : vector<16xf32>
      %broadcast_in_dim3A_133 = arith.constant 8 : i32
      %broadcast_in_dim3A_134 = vector.broadcast %broadcast_in_dim3A_133 : i32 to vector<16xi32>
      %gather3A_135 = tpu.vector_load_idx %arg18[%and3A_101, %broadcast_in_dim3A_134] : memref<8x16xf32, #tpu.memory_space<vmem>>[vector<16xi32>, vector<16xi32>], vector<16xf32>,
      %add3A_136 = arith.addf %add3A_132, %gather3A_135 : vector<16xf32>
      %broadcast_in_dim3A_137 = arith.constant 9 : i32
      %broadcast_in_dim3A_138 = vector.broadcast %broadcast_in_dim3A_137 : i32 to vector<16xi32>
      %gather3A_139 = tpu.vector_load_idx %arg18[%and3A_101, %broadcast_in_dim3A_138] : memref<8x16xf32, #tpu.memory_space<vmem>>[vector<16xi32>, vector<16xi32>], vector<16xf32>,
      %add3A_140 = arith.addf %add3A_136, %gather3A_139 : vector<16xf32>
      %broadcast_in_dim3A_141 = arith.constant 10 : i32
      %broadcast_in_dim3A_142 = vector.broadcast %broadcast_in_dim3A_141 : i32 to vector<16xi32>
      %gather3A_143 = tpu.vector_load_idx %arg18[%and3A_101, %broadcast_in_dim3A_142] : memref<8x16xf32, #tpu.memory_space<vmem>>[vector<16xi32>, vector<16xi32>], vector<16xf32>,
      %add3A_144 = arith.addf %add3A_140, %gather3A_143 : vector<16xf32>
      %broadcast_in_dim3A_145 = arith.constant 11 : i32
      %broadcast_in_dim3A_146 = vector.broadcast %broadcast_in_dim3A_145 : i32 to vector<16xi32>
      %gather3A_147 = tpu.vector_load_idx %arg18[%and3A_101, %broadcast_in_dim3A_146] : memref<8x16xf32, #tpu.memory_space<vmem>>[vector<16xi32>, vector<16xi32>], vector<16xf32>,
      %add3A_148 = arith.addf %add3A_144, %gather3A_147 : vector<16xf32>
      %broadcast_in_dim3A_149 = arith.constant 12 : i32
      %broadcast_in_dim3A_150 = vector.broadcast %broadcast_in_dim3A_149 : i32 to vector<16xi32>
      %gather3A_151 = tpu.vector_load_idx %arg18[%and3A_101, %broadcast_in_dim3A_150] : memref<8x16xf32, #tpu.memory_space<vmem>>[vector<16xi32>, vector<16xi32>], vector<16xf32>,
      %add3A_152 = arith.addf %add3A_148, %gather3A_151 : vector<16xf32>
      %broadcast_in_dim3A_153 = arith.constant 13 : i32
      %broadcast_in_dim3A_154 = vector.broadcast %broadcast_in_dim3A_153 : i32 to vector<16xi32>
      %gather3A_155 = tpu.vector_load_idx %arg18[%and3A_101, %broadcast_in_dim3A_154] : memref<8x16xf32, #tpu.memory_space<vmem>>[vector<16xi32>, vector<16xi32>], vector<16xf32>,
      %add3A_156 = arith.addf %add3A_152, %gather3A_155 : vector<16xf32>
      %broadcast_in_dim3A_157 = arith.constant 14 : i32
      %broadcast_in_dim3A_158 = vector.broadcast %broadcast_in_dim3A_157 : i32 to vector<16xi32>
      %gather3A_159 = tpu.vector_load_idx %arg18[%and3A_101, %broadcast_in_dim3A_158] : memref<8x16xf32, #tpu.memory_space<vmem>>[vector<16xi32>, vector<16xi32>], vector<16xf32>,
      %add3A_160 = arith.addf %add3A_156, %gather3A_159 : vector<16xf32>
      %broadcast_in_dim3A_161 = arith.constant 15 : i32
      %broadcast_in_dim3A_162 = vector.broadcast %broadcast_in_dim3A_161 : i32 to vector<16xi32>
      %gather3A_163 = tpu.vector_load_idx %arg18[%and3A_101, %broadcast_in_dim3A_162] : memref<8x16xf32, #tpu.memory_space<vmem>>[vector<16xi32>, vector<16xi32>], vector<16xf32>,
      %add3A_164 = arith.addf %add3A_160, %gather3A_163 : vector<16xf32>
      %mul3A_165 = arith.constant 8 : i32
      %mul3A_166 = arith.muli %mul3A_49, %mul3A_165 : i32
      %add3A_167 = vector.broadcast %mul3A_166 : i32 to vector<16xi32>
      %add3A_168 = arith.addi %add3A_167, %and3A_101 : vector<16xi32>
      %lt3A = arith.constant 8 : i32
      %lt3A_169 = vector.broadcast %lt3A : i32 to vector<16xi32>
      %lt3A_170 = arith.cmpi slt, %iota3A, %lt3A_169 : vector<16xi32>
      tpu.vector_store_idx %arg16[%add3A_168], %add3A_164 masked %lt3A_170 : memref<128xf32, #tpu.memory_space<vmem>>[vector<16xi32>], vector<16xf32>, vector<16xi1>
      %add3A_171 = arith.constant 2 : i32
      %add3A_172 = arith.addi %mul3A_49, %add3A_171 : i32
      %lt3A_173 = arith.constant 16 : i32
      %lt3A_174 = arith.cmpi slt, %add3A_172, %lt3A_173 : i32
      %convert_element_type3A = arith.extui %lt3A_174 : i1 to i32
      %cond3A = arith.constant 0 : i32
      %cond3A_175 = arith.cmpi ne, %convert_element_type3A, %cond3A : i32
      scf.if %cond3A_175 {
        %add3A_298 = arith.constant 2 : i32
        %add3A_299 = arith.addi %mul3A_49, %add3A_298 : i32
        %mul3A_300 = arith.constant 8 : i32
        %mul3A_301 = arith.muli %add3A_299, %mul3A_300 : i32
        %add3A_302 = arith.addi %mul3A_16, %mul3A_301 : i32
        %dma_start3A_303 = arith.constant 0 : i32
        %dma_start3A_304 = tpu.memref_slice %arg2[%add3A_302, %dma_start3A_303] : memref<4096x4096xf32, #tpu.memory_space<hbm>> -> memref<8x4096xf32, #tpu.memory_space<hbm>>
        %dma_start3A_305 = arith.constant 0 : i32
        %dma_start3A_306 = tpu.memref_slice %arg2[%add3A_302, %dma_start3A_305] : memref<4096x4096xf32, #tpu.memory_space<hbm>> -> memref<8x4096xf32, #tpu.memory_space<hbm>>
        tpu.enqueue_dma source(%dma_start3A_306 : memref<8x4096xf32, #tpu.memory_space<hbm>>) target(%arg14 : memref<8x4096xf32, #tpu.memory_space<vmem>>) target_semaphore(%arg20 : memref<!tpu.dma_semaphore, #tpu.memory_space<semaphore_mem>>)
      } else {
      }
      %dma_wait3A_176 = arith.constant 0 : i32
      %dma_wait3A_177 = tpu.memref_slice %arg2[%mul3A_16, %dma_wait3A_176] : memref<4096x4096xf32, #tpu.memory_space<hbm>> -> memref<8x4096xf32, #tpu.memory_space<hbm>>
      %dma_wait3A_178 = arith.constant 0 : i32
      %dma_wait3A_179 = tpu.memref_slice %arg2[%mul3A_16, %dma_wait3A_178] : memref<4096x4096xf32, #tpu.memory_space<hbm>> -> memref<8x4096xf32, #tpu.memory_space<hbm>>
      tpu.wait_dma2 semaphore(%arg21 : memref<!tpu.dma_semaphore, #tpu.memory_space<semaphore_mem>>) src(%dma_wait3A_179 : memref<8x4096xf32, #tpu.memory_space<hbm>>) dst(%arg15 : memref<8x4096xf32, #tpu.memory_space<vmem>>)
      %add3A_180 = arith.constant 1 : i32
      %add3A_181 = arith.addi %mul3A_49, %add3A_180 : i32
      %broadcast_in_dim3A_182 = arith.constant 0.000000e+00 : f32
      %broadcast_in_dim3A_183 = vector.broadcast %broadcast_in_dim3A_182 : f32 to vector<16xf32>
      %scan3A_184 = arith.constant 0 : i32
      %scan3A_185 = arith.constant 64 : i32
      %scan3A_186 = arith.addi %scan3A_184, %scan3A_185 : i32
      %scan3A_187 = arith.constant 1 : i32
      %scan3A_188:8 = scf.for %scan3A_298 = %scan3A_184 to %scan3A_186 step %scan3A_187 iter_args(%scan3A_299 = %broadcast_in_dim3A_183, %scan3A_300 = %broadcast_in_dim3A_183, %scan3A_301 = %broadcast_in_dim3A_183, %scan3A_302 = %broadcast_in_dim3A_183, %scan3A_303 = %broadcast_in_dim3A_183, %scan3A_304 = %broadcast_in_dim3A_183, %scan3A_305 = %broadcast_in_dim3A_183, %scan3A_306 = %broadcast_in_dim3A_183) -> (vector<16xf32>, vector<16xf32>, vector<16xf32>, vector<16xf32>, vector<16xf32>, vector<16xf32>, vector<16xf32>, vector<16xf32>)  : i32 {
        %mul3A_307 = arith.constant 4 : i32
        %mul3A_308 = arith.muli %scan3A_298, %mul3A_307 : i32
        %add3A_309 = arith.constant 0 : i32
        %add3A_310 = arith.addi %mul3A_308, %add3A_309 : i32
        %mul3A_311 = arith.constant 16 : i32
        %mul3A_312 = arith.muli %add3A_310, %mul3A_311 : i32
        %get3A_313 = arith.index_cast %mul3A_312 : i32 to index
        %get3A_314 = tpu.vector_load %arg12[%get3A_313] {strides = array<i32>} : memref<4096xf32, #tpu.memory_space<vmem>>, vector<16xf32>,
        %get3A_315 = arith.constant 0 : i32
        %get3A_316 = arith.index_cast %get3A_315 : i32 to index
        %get3A_317 = arith.index_cast %mul3A_312 : i32 to index
        %get3A_318 = tpu.vector_load %arg15[%get3A_316, %get3A_317] {strides = array<i32>} : memref<8x4096xf32, #tpu.memory_space<vmem>>, vector<16xf32>,
        %mul3A_319 = arith.mulf %get3A_318, %get3A_314 : vector<16xf32>
        %add3A_320 = arith.addf %scan3A_299, %mul3A_319 : vector<16xf32>
        %get3A_321 = arith.constant 1 : i32
        %get3A_322 = arith.index_cast %get3A_321 : i32 to index
        %get3A_323 = arith.index_cast %mul3A_312 : i32 to index
        %get3A_324 = tpu.vector_load %arg15[%get3A_322, %get3A_323] {strides = array<i32>} : memref<8x4096xf32, #tpu.memory_space<vmem>>, vector<16xf32>,
        %mul3A_325 = arith.mulf %get3A_324, %get3A_314 : vector<16xf32>
        %add3A_326 = arith.addf %scan3A_300, %mul3A_325 : vector<16xf32>
        %get3A_327 = arith.constant 2 : i32
        %get3A_328 = arith.index_cast %get3A_327 : i32 to index
        %get3A_329 = arith.index_cast %mul3A_312 : i32 to index
        %get3A_330 = tpu.vector_load %arg15[%get3A_328, %get3A_329] {strides = array<i32>} : memref<8x4096xf32, #tpu.memory_space<vmem>>, vector<16xf32>,
        %mul3A_331 = arith.mulf %get3A_330, %get3A_314 : vector<16xf32>
        %add3A_332 = arith.addf %scan3A_301, %mul3A_331 : vector<16xf32>
        %get3A_333 = arith.constant 3 : i32
        %get3A_334 = arith.index_cast %get3A_333 : i32 to index
        %get3A_335 = arith.index_cast %mul3A_312 : i32 to index
        %get3A_336 = tpu.vector_load %arg15[%get3A_334, %get3A_335] {strides = array<i32>} : memref<8x4096xf32, #tpu.memory_space<vmem>>, vector<16xf32>,
        %mul3A_337 = arith.mulf %get3A_336, %get3A_314 : vector<16xf32>
        %add3A_338 = arith.addf %scan3A_302, %mul3A_337 : vector<16xf32>
        %get3A_339 = arith.constant 4 : i32
        %get3A_340 = arith.index_cast %get3A_339 : i32 to index
        %get3A_341 = arith.index_cast %mul3A_312 : i32 to index
        %get3A_342 = tpu.vector_load %arg15[%get3A_340, %get3A_341] {strides = array<i32>} : memref<8x4096xf32, #tpu.memory_space<vmem>>, vector<16xf32>,
        %mul3A_343 = arith.mulf %get3A_342, %get3A_314 : vector<16xf32>
        %add3A_344 = arith.addf %scan3A_303, %mul3A_343 : vector<16xf32>
        %get3A_345 = arith.constant 5 : i32
        %get3A_346 = arith.index_cast %get3A_345 : i32 to index
        %get3A_347 = arith.index_cast %mul3A_312 : i32 to index
        %get3A_348 = tpu.vector_load %arg15[%get3A_346, %get3A_347] {strides = array<i32>} : memref<8x4096xf32, #tpu.memory_space<vmem>>, vector<16xf32>,
        %mul3A_349 = arith.mulf %get3A_348, %get3A_314 : vector<16xf32>
        %add3A_350 = arith.addf %scan3A_304, %mul3A_349 : vector<16xf32>
        %get3A_351 = arith.constant 6 : i32
        %get3A_352 = arith.index_cast %get3A_351 : i32 to index
        %get3A_353 = arith.index_cast %mul3A_312 : i32 to index
        %get3A_354 = tpu.vector_load %arg15[%get3A_352, %get3A_353] {strides = array<i32>} : memref<8x4096xf32, #tpu.memory_space<vmem>>, vector<16xf32>,
        %mul3A_355 = arith.mulf %get3A_354, %get3A_314 : vector<16xf32>
        %add3A_356 = arith.addf %scan3A_305, %mul3A_355 : vector<16xf32>
        %get3A_357 = arith.constant 7 : i32
        %get3A_358 = arith.index_cast %get3A_357 : i32 to index
        %get3A_359 = arith.index_cast %mul3A_312 : i32 to index
        %get3A_360 = tpu.vector_load %arg15[%get3A_358, %get3A_359] {strides = array<i32>} : memref<8x4096xf32, #tpu.memory_space<vmem>>, vector<16xf32>,
        %mul3A_361 = arith.mulf %get3A_360, %get3A_314 : vector<16xf32>
        %add3A_362 = arith.addf %scan3A_306, %mul3A_361 : vector<16xf32>
        %mul3A_363 = arith.constant 4 : i32
        %mul3A_364 = arith.muli %scan3A_298, %mul3A_363 : i32
        %add3A_365 = arith.constant 1 : i32
        %add3A_366 = arith.addi %mul3A_364, %add3A_365 : i32
        %mul3A_367 = arith.constant 16 : i32
        %mul3A_368 = arith.muli %add3A_366, %mul3A_367 : i32
        %get3A_369 = arith.index_cast %mul3A_368 : i32 to index
        %get3A_370 = tpu.vector_load %arg12[%get3A_369] {strides = array<i32>} : memref<4096xf32, #tpu.memory_space<vmem>>, vector<16xf32>,
        %get3A_371 = arith.constant 0 : i32
        %get3A_372 = arith.index_cast %get3A_371 : i32 to index
        %get3A_373 = arith.index_cast %mul3A_368 : i32 to index
        %get3A_374 = tpu.vector_load %arg15[%get3A_372, %get3A_373] {strides = array<i32>} : memref<8x4096xf32, #tpu.memory_space<vmem>>, vector<16xf32>,
        %mul3A_375 = arith.mulf %get3A_374, %get3A_370 : vector<16xf32>
        %add3A_376 = arith.addf %add3A_320, %mul3A_375 : vector<16xf32>
        %get3A_377 = arith.constant 1 : i32
        %get3A_378 = arith.index_cast %get3A_377 : i32 to index
        %get3A_379 = arith.index_cast %mul3A_368 : i32 to index
        %get3A_380 = tpu.vector_load %arg15[%get3A_378, %get3A_379] {strides = array<i32>} : memref<8x4096xf32, #tpu.memory_space<vmem>>, vector<16xf32>,
        %mul3A_381 = arith.mulf %get3A_380, %get3A_370 : vector<16xf32>
        %add3A_382 = arith.addf %add3A_326, %mul3A_381 : vector<16xf32>
        %get3A_383 = arith.constant 2 : i32
        %get3A_384 = arith.index_cast %get3A_383 : i32 to index
        %get3A_385 = arith.index_cast %mul3A_368 : i32 to index
        %get3A_386 = tpu.vector_load %arg15[%get3A_384, %get3A_385] {strides = array<i32>} : memref<8x4096xf32, #tpu.memory_space<vmem>>, vector<16xf32>,
        %mul3A_387 = arith.mulf %get3A_386, %get3A_370 : vector<16xf32>
        %add3A_388 = arith.addf %add3A_332, %mul3A_387 : vector<16xf32>
        %get3A_389 = arith.constant 3 : i32
        %get3A_390 = arith.index_cast %get3A_389 : i32 to index
        %get3A_391 = arith.index_cast %mul3A_368 : i32 to index
        %get3A_392 = tpu.vector_load %arg15[%get3A_390, %get3A_391] {strides = array<i32>} : memref<8x4096xf32, #tpu.memory_space<vmem>>, vector<16xf32>,
        %mul3A_393 = arith.mulf %get3A_392, %get3A_370 : vector<16xf32>
        %add3A_394 = arith.addf %add3A_338, %mul3A_393 : vector<16xf32>
        %get3A_395 = arith.constant 4 : i32
        %get3A_396 = arith.index_cast %get3A_395 : i32 to index
        %get3A_397 = arith.index_cast %mul3A_368 : i32 to index
        %get3A_398 = tpu.vector_load %arg15[%get3A_396, %get3A_397] {strides = array<i32>} : memref<8x4096xf32, #tpu.memory_space<vmem>>, vector<16xf32>,
        %mul3A_399 = arith.mulf %get3A_398, %get3A_370 : vector<16xf32>
        %add3A_400 = arith.addf %add3A_344, %mul3A_399 : vector<16xf32>
        %get3A_401 = arith.constant 5 : i32
        %get3A_402 = arith.index_cast %get3A_401 : i32 to index
        %get3A_403 = arith.index_cast %mul3A_368 : i32 to index
        %get3A_404 = tpu.vector_load %arg15[%get3A_402, %get3A_403] {strides = array<i32>} : memref<8x4096xf32, #tpu.memory_space<vmem>>, vector<16xf32>,
        %mul3A_405 = arith.mulf %get3A_404, %get3A_370 : vector<16xf32>
        %add3A_406 = arith.addf %add3A_350, %mul3A_405 : vector<16xf32>
        %get3A_407 = arith.constant 6 : i32
        %get3A_408 = arith.index_cast %get3A_407 : i32 to index
        %get3A_409 = arith.index_cast %mul3A_368 : i32 to index
        %get3A_410 = tpu.vector_load %arg15[%get3A_408, %get3A_409] {strides = array<i32>} : memref<8x4096xf32, #tpu.memory_space<vmem>>, vector<16xf32>,
        %mul3A_411 = arith.mulf %get3A_410, %get3A_370 : vector<16xf32>
        %add3A_412 = arith.addf %add3A_356, %mul3A_411 : vector<16xf32>
        %get3A_413 = arith.constant 7 : i32
        %get3A_414 = arith.index_cast %get3A_413 : i32 to index
        %get3A_415 = arith.index_cast %mul3A_368 : i32 to index
        %get3A_416 = tpu.vector_load %arg15[%get3A_414, %get3A_415] {strides = array<i32>} : memref<8x4096xf32, #tpu.memory_space<vmem>>, vector<16xf32>,
        %mul3A_417 = arith.mulf %get3A_416, %get3A_370 : vector<16xf32>
        %add3A_418 = arith.addf %add3A_362, %mul3A_417 : vector<16xf32>
        %mul3A_419 = arith.constant 4 : i32
        %mul3A_420 = arith.muli %scan3A_298, %mul3A_419 : i32
        %add3A_421 = arith.constant 2 : i32
        %add3A_422 = arith.addi %mul3A_420, %add3A_421 : i32
        %mul3A_423 = arith.constant 16 : i32
        %mul3A_424 = arith.muli %add3A_422, %mul3A_423 : i32
        %get3A_425 = arith.index_cast %mul3A_424 : i32 to index
        %get3A_426 = tpu.vector_load %arg12[%get3A_425] {strides = array<i32>} : memref<4096xf32, #tpu.memory_space<vmem>>, vector<16xf32>,
        %get3A_427 = arith.constant 0 : i32
        %get3A_428 = arith.index_cast %get3A_427 : i32 to index
        %get3A_429 = arith.index_cast %mul3A_424 : i32 to index
        %get3A_430 = tpu.vector_load %arg15[%get3A_428, %get3A_429] {strides = array<i32>} : memref<8x4096xf32, #tpu.memory_space<vmem>>, vector<16xf32>,
        %mul3A_431 = arith.mulf %get3A_430, %get3A_426 : vector<16xf32>
        %add3A_432 = arith.addf %add3A_376, %mul3A_431 : vector<16xf32>
        %get3A_433 = arith.constant 1 : i32
        %get3A_434 = arith.index_cast %get3A_433 : i32 to index
        %get3A_435 = arith.index_cast %mul3A_424 : i32 to index
        %get3A_436 = tpu.vector_load %arg15[%get3A_434, %get3A_435] {strides = array<i32>} : memref<8x4096xf32, #tpu.memory_space<vmem>>, vector<16xf32>,
        %mul3A_437 = arith.mulf %get3A_436, %get3A_426 : vector<16xf32>
        %add3A_438 = arith.addf %add3A_382, %mul3A_437 : vector<16xf32>
        %get3A_439 = arith.constant 2 : i32
        %get3A_440 = arith.index_cast %get3A_439 : i32 to index
        %get3A_441 = arith.index_cast %mul3A_424 : i32 to index
        %get3A_442 = tpu.vector_load %arg15[%get3A_440, %get3A_441] {strides = array<i32>} : memref<8x4096xf32, #tpu.memory_space<vmem>>, vector<16xf32>,
        %mul3A_443 = arith.mulf %get3A_442, %get3A_426 : vector<16xf32>
        %add3A_444 = arith.addf %add3A_388, %mul3A_443 : vector<16xf32>
        %get3A_445 = arith.constant 3 : i32
        %get3A_446 = arith.index_cast %get3A_445 : i32 to index
        %get3A_447 = arith.index_cast %mul3A_424 : i32 to index
        %get3A_448 = tpu.vector_load %arg15[%get3A_446, %get3A_447] {strides = array<i32>} : memref<8x4096xf32, #tpu.memory_space<vmem>>, vector<16xf32>,
        %mul3A_449 = arith.mulf %get3A_448, %get3A_426 : vector<16xf32>
        %add3A_450 = arith.addf %add3A_394, %mul3A_449 : vector<16xf32>
        %get3A_451 = arith.constant 4 : i32
        %get3A_452 = arith.index_cast %get3A_451 : i32 to index
        %get3A_453 = arith.index_cast %mul3A_424 : i32 to index
        %get3A_454 = tpu.vector_load %arg15[%get3A_452, %get3A_453] {strides = array<i32>} : memref<8x4096xf32, #tpu.memory_space<vmem>>, vector<16xf32>,
        %mul3A_455 = arith.mulf %get3A_454, %get3A_426 : vector<16xf32>
        %add3A_456 = arith.addf %add3A_400, %mul3A_455 : vector<16xf32>
        %get3A_457 = arith.constant 5 : i32
        %get3A_458 = arith.index_cast %get3A_457 : i32 to index
        %get3A_459 = arith.index_cast %mul3A_424 : i32 to index
        %get3A_460 = tpu.vector_load %arg15[%get3A_458, %get3A_459] {strides = array<i32>} : memref<8x4096xf32, #tpu.memory_space<vmem>>, vector<16xf32>,
        %mul3A_461 = arith.mulf %get3A_460, %get3A_426 : vector<16xf32>
        %add3A_462 = arith.addf %add3A_406, %mul3A_461 : vector<16xf32>
        %get3A_463 = arith.constant 6 : i32
        %get3A_464 = arith.index_cast %get3A_463 : i32 to index
        %get3A_465 = arith.index_cast %mul3A_424 : i32 to index
        %get3A_466 = tpu.vector_load %arg15[%get3A_464, %get3A_465] {strides = array<i32>} : memref<8x4096xf32, #tpu.memory_space<vmem>>, vector<16xf32>,
        %mul3A_467 = arith.mulf %get3A_466, %get3A_426 : vector<16xf32>
        %add3A_468 = arith.addf %add3A_412, %mul3A_467 : vector<16xf32>
        %get3A_469 = arith.constant 7 : i32
        %get3A_470 = arith.index_cast %get3A_469 : i32 to index
        %get3A_471 = arith.index_cast %mul3A_424 : i32 to index
        %get3A_472 = tpu.vector_load %arg15[%get3A_470, %get3A_471] {strides = array<i32>} : memref<8x4096xf32, #tpu.memory_space<vmem>>, vector<16xf32>,
        %mul3A_473 = arith.mulf %get3A_472, %get3A_426 : vector<16xf32>
        %add3A_474 = arith.addf %add3A_418, %mul3A_473 : vector<16xf32>
        %mul3A_475 = arith.constant 4 : i32
        %mul3A_476 = arith.muli %scan3A_298, %mul3A_475 : i32
        %add3A_477 = arith.constant 3 : i32
        %add3A_478 = arith.addi %mul3A_476, %add3A_477 : i32
        %mul3A_479 = arith.constant 16 : i32
        %mul3A_480 = arith.muli %add3A_478, %mul3A_479 : i32
        %get3A_481 = arith.index_cast %mul3A_480 : i32 to index
        %get3A_482 = tpu.vector_load %arg12[%get3A_481] {strides = array<i32>} : memref<4096xf32, #tpu.memory_space<vmem>>, vector<16xf32>,
        %get3A_483 = arith.constant 0 : i32
        %get3A_484 = arith.index_cast %get3A_483 : i32 to index
        %get3A_485 = arith.index_cast %mul3A_480 : i32 to index
        %get3A_486 = tpu.vector_load %arg15[%get3A_484, %get3A_485] {strides = array<i32>} : memref<8x4096xf32, #tpu.memory_space<vmem>>, vector<16xf32>,
        %mul3A_487 = arith.mulf %get3A_486, %get3A_482 : vector<16xf32>
        %add3A_488 = arith.addf %add3A_432, %mul3A_487 : vector<16xf32>
        %get3A_489 = arith.constant 1 : i32
        %get3A_490 = arith.index_cast %get3A_489 : i32 to index
        %get3A_491 = arith.index_cast %mul3A_480 : i32 to index
        %get3A_492 = tpu.vector_load %arg15[%get3A_490, %get3A_491] {strides = array<i32>} : memref<8x4096xf32, #tpu.memory_space<vmem>>, vector<16xf32>,
        %mul3A_493 = arith.mulf %get3A_492, %get3A_482 : vector<16xf32>
        %add3A_494 = arith.addf %add3A_438, %mul3A_493 : vector<16xf32>
        %get3A_495 = arith.constant 2 : i32
        %get3A_496 = arith.index_cast %get3A_495 : i32 to index
        %get3A_497 = arith.index_cast %mul3A_480 : i32 to index
        %get3A_498 = tpu.vector_load %arg15[%get3A_496, %get3A_497] {strides = array<i32>} : memref<8x4096xf32, #tpu.memory_space<vmem>>, vector<16xf32>,
        %mul3A_499 = arith.mulf %get3A_498, %get3A_482 : vector<16xf32>
        %add3A_500 = arith.addf %add3A_444, %mul3A_499 : vector<16xf32>
        %get3A_501 = arith.constant 3 : i32
        %get3A_502 = arith.index_cast %get3A_501 : i32 to index
        %get3A_503 = arith.index_cast %mul3A_480 : i32 to index
        %get3A_504 = tpu.vector_load %arg15[%get3A_502, %get3A_503] {strides = array<i32>} : memref<8x4096xf32, #tpu.memory_space<vmem>>, vector<16xf32>,
        %mul3A_505 = arith.mulf %get3A_504, %get3A_482 : vector<16xf32>
        %add3A_506 = arith.addf %add3A_450, %mul3A_505 : vector<16xf32>
        %get3A_507 = arith.constant 4 : i32
        %get3A_508 = arith.index_cast %get3A_507 : i32 to index
        %get3A_509 = arith.index_cast %mul3A_480 : i32 to index
        %get3A_510 = tpu.vector_load %arg15[%get3A_508, %get3A_509] {strides = array<i32>} : memref<8x4096xf32, #tpu.memory_space<vmem>>, vector<16xf32>,
        %mul3A_511 = arith.mulf %get3A_510, %get3A_482 : vector<16xf32>
        %add3A_512 = arith.addf %add3A_456, %mul3A_511 : vector<16xf32>
        %get3A_513 = arith.constant 5 : i32
        %get3A_514 = arith.index_cast %get3A_513 : i32 to index
        %get3A_515 = arith.index_cast %mul3A_480 : i32 to index
        %get3A_516 = tpu.vector_load %arg15[%get3A_514, %get3A_515] {strides = array<i32>} : memref<8x4096xf32, #tpu.memory_space<vmem>>, vector<16xf32>,
        %mul3A_517 = arith.mulf %get3A_516, %get3A_482 : vector<16xf32>
        %add3A_518 = arith.addf %add3A_462, %mul3A_517 : vector<16xf32>
        %get3A_519 = arith.constant 6 : i32
        %get3A_520 = arith.index_cast %get3A_519 : i32 to index
        %get3A_521 = arith.index_cast %mul3A_480 : i32 to index
        %get3A_522 = tpu.vector_load %arg15[%get3A_520, %get3A_521] {strides = array<i32>} : memref<8x4096xf32, #tpu.memory_space<vmem>>, vector<16xf32>,
        %mul3A_523 = arith.mulf %get3A_522, %get3A_482 : vector<16xf32>
        %add3A_524 = arith.addf %add3A_468, %mul3A_523 : vector<16xf32>
        %get3A_525 = arith.constant 7 : i32
        %get3A_526 = arith.index_cast %get3A_525 : i32 to index
        %get3A_527 = arith.index_cast %mul3A_480 : i32 to index
        %get3A_528 = tpu.vector_load %arg15[%get3A_526, %get3A_527] {strides = array<i32>} : memref<8x4096xf32, #tpu.memory_space<vmem>>, vector<16xf32>,
        %mul3A_529 = arith.mulf %get3A_528, %get3A_482 : vector<16xf32>
        %add3A_530 = arith.addf %add3A_474, %mul3A_529 : vector<16xf32>
        scf.yield %add3A_488, %add3A_494, %add3A_500, %add3A_506, %add3A_512, %add3A_518, %add3A_524, %add3A_530 : vector<16xf32>, vector<16xf32>, vector<16xf32>, vector<16xf32>, vector<16xf32>, vector<16xf32>, vector<16xf32>, vector<16xf32>
      }
      %scan3A_189 = arith.constant 64 : i32
      %swap3A_190 = arith.constant 0 : i32
      %swap3A_191 = arith.index_cast %swap3A_190 : i32 to index
      %swap3A_192 = arith.constant 0 : index
      %swap3A_193 = tpu.vector_load %arg18[%swap3A_191, %swap3A_192] {strides = array<i32>} : memref<8x16xf32, #tpu.memory_space<vmem>>, vector<16xf32>,
      tpu.vector_store %arg18[%swap3A_191, %swap3A_192], %scan3A_188#0 {strides = array<i32>} : memref<8x16xf32, #tpu.memory_space<vmem>>, vector<16xf32>,
      %swap3A_194 = arith.constant 1 : i32
      %swap3A_195 = arith.index_cast %swap3A_194 : i32 to index
      %swap3A_196 = arith.constant 0 : index
      %swap3A_197 = tpu.vector_load %arg18[%swap3A_195, %swap3A_196] {strides = array<i32>} : memref<8x16xf32, #tpu.memory_space<vmem>>, vector<16xf32>,
      tpu.vector_store %arg18[%swap3A_195, %swap3A_196], %scan3A_188#1 {strides = array<i32>} : memref<8x16xf32, #tpu.memory_space<vmem>>, vector<16xf32>,
      %swap3A_198 = arith.constant 2 : i32
      %swap3A_199 = arith.index_cast %swap3A_198 : i32 to index
      %swap3A_200 = arith.constant 0 : index
      %swap3A_201 = tpu.vector_load %arg18[%swap3A_199, %swap3A_200] {strides = array<i32>} : memref<8x16xf32, #tpu.memory_space<vmem>>, vector<16xf32>,
      tpu.vector_store %arg18[%swap3A_199, %swap3A_200], %scan3A_188#2 {strides = array<i32>} : memref<8x16xf32, #tpu.memory_space<vmem>>, vector<16xf32>,
      %swap3A_202 = arith.constant 3 : i32
      %swap3A_203 = arith.index_cast %swap3A_202 : i32 to index
      %swap3A_204 = arith.constant 0 : index
      %swap3A_205 = tpu.vector_load %arg18[%swap3A_203, %swap3A_204] {strides = array<i32>} : memref<8x16xf32, #tpu.memory_space<vmem>>, vector<16xf32>,
      tpu.vector_store %arg18[%swap3A_203, %swap3A_204], %scan3A_188#3 {strides = array<i32>} : memref<8x16xf32, #tpu.memory_space<vmem>>, vector<16xf32>,
      %swap3A_206 = arith.constant 4 : i32
      %swap3A_207 = arith.index_cast %swap3A_206 : i32 to index
      %swap3A_208 = arith.constant 0 : index
      %swap3A_209 = tpu.vector_load %arg18[%swap3A_207, %swap3A_208] {strides = array<i32>} : memref<8x16xf32, #tpu.memory_space<vmem>>, vector<16xf32>,
      tpu.vector_store %arg18[%swap3A_207, %swap3A_208], %scan3A_188#4 {strides = array<i32>} : memref<8x16xf32, #tpu.memory_space<vmem>>, vector<16xf32>,
      %swap3A_210 = arith.constant 5 : i32
      %swap3A_211 = arith.index_cast %swap3A_210 : i32 to index
      %swap3A_212 = arith.constant 0 : index
      %swap3A_213 = tpu.vector_load %arg18[%swap3A_211, %swap3A_212] {strides = array<i32>} : memref<8x16xf32, #tpu.memory_space<vmem>>, vector<16xf32>,
      tpu.vector_store %arg18[%swap3A_211, %swap3A_212], %scan3A_188#5 {strides = array<i32>} : memref<8x16xf32, #tpu.memory_space<vmem>>, vector<16xf32>,
      %swap3A_214 = arith.constant 6 : i32
      %swap3A_215 = arith.index_cast %swap3A_214 : i32 to index
      %swap3A_216 = arith.constant 0 : index
      %swap3A_217 = tpu.vector_load %arg18[%swap3A_215, %swap3A_216] {strides = array<i32>} : memref<8x16xf32, #tpu.memory_space<vmem>>, vector<16xf32>,
      tpu.vector_store %arg18[%swap3A_215, %swap3A_216], %scan3A_188#6 {strides = array<i32>} : memref<8x16xf32, #tpu.memory_space<vmem>>, vector<16xf32>,
      %swap3A_218 = arith.constant 7 : i32
      %swap3A_219 = arith.index_cast %swap3A_218 : i32 to index
      %swap3A_220 = arith.constant 0 : index
      %swap3A_221 = tpu.vector_load %arg18[%swap3A_219, %swap3A_220] {strides = array<i32>} : memref<8x16xf32, #tpu.memory_space<vmem>>, vector<16xf32>,
      tpu.vector_store %arg18[%swap3A_219, %swap3A_220], %scan3A_188#7 {strides = array<i32>} : memref<8x16xf32, #tpu.memory_space<vmem>>, vector<16xf32>,
      %iota3A_222 = tpu.iota {dimensions = array<i32: 0>} : vector<16xi32>
      %and3A_223 = arith.constant 7 : i32
      %and3A_224 = vector.broadcast %and3A_223 : i32 to vector<16xi32>
      %and3A_225 = arith.andi %iota3A_222, %and3A_224 : vector<16xi32>
      %broadcast_in_dim3A_226 = arith.constant 0 : i32
      %broadcast_in_dim3A_227 = vector.broadcast %broadcast_in_dim3A_226 : i32 to vector<16xi32>
      %gather3A_228 = tpu.vector_load_idx %arg18[%and3A_225, %broadcast_in_dim3A_227] : memref<8x16xf32, #tpu.memory_space<vmem>>[vector<16xi32>, vector<16xi32>], vector<16xf32>,
      %add3A_229 = arith.addf %broadcast_in_dim3A_183, %gather3A_228 : vector<16xf32>
      %broadcast_in_dim3A_230 = arith.constant 1 : i32
      %broadcast_in_dim3A_231 = vector.broadcast %broadcast_in_dim3A_230 : i32 to vector<16xi32>
      %gather3A_232 = tpu.vector_load_idx %arg18[%and3A_225, %broadcast_in_dim3A_231] : memref<8x16xf32, #tpu.memory_space<vmem>>[vector<16xi32>, vector<16xi32>], vector<16xf32>,
      %add3A_233 = arith.addf %add3A_229, %gather3A_232 : vector<16xf32>
      %broadcast_in_dim3A_234 = arith.constant 2 : i32
      %broadcast_in_dim3A_235 = vector.broadcast %broadcast_in_dim3A_234 : i32 to vector<16xi32>
      %gather3A_236 = tpu.vector_load_idx %arg18[%and3A_225, %broadcast_in_dim3A_235] : memref<8x16xf32, #tpu.memory_space<vmem>>[vector<16xi32>, vector<16xi32>], vector<16xf32>,
      %add3A_237 = arith.addf %add3A_233, %gather3A_236 : vector<16xf32>
      %broadcast_in_dim3A_238 = arith.constant 3 : i32
      %broadcast_in_dim3A_239 = vector.broadcast %broadcast_in_dim3A_238 : i32 to vector<16xi32>
      %gather3A_240 = tpu.vector_load_idx %arg18[%and3A_225, %broadcast_in_dim3A_239] : memref<8x16xf32, #tpu.memory_space<vmem>>[vector<16xi32>, vector<16xi32>], vector<16xf32>,
      %add3A_241 = arith.addf %add3A_237, %gather3A_240 : vector<16xf32>
      %broadcast_in_dim3A_242 = arith.constant 4 : i32
      %broadcast_in_dim3A_243 = vector.broadcast %broadcast_in_dim3A_242 : i32 to vector<16xi32>
      %gather3A_244 = tpu.vector_load_idx %arg18[%and3A_225, %broadcast_in_dim3A_243] : memref<8x16xf32, #tpu.memory_space<vmem>>[vector<16xi32>, vector<16xi32>], vector<16xf32>,
      %add3A_245 = arith.addf %add3A_241, %gather3A_244 : vector<16xf32>
      %broadcast_in_dim3A_246 = arith.constant 5 : i32
      %broadcast_in_dim3A_247 = vector.broadcast %broadcast_in_dim3A_246 : i32 to vector<16xi32>
      %gather3A_248 = tpu.vector_load_idx %arg18[%and3A_225, %broadcast_in_dim3A_247] : memref<8x16xf32, #tpu.memory_space<vmem>>[vector<16xi32>, vector<16xi32>], vector<16xf32>,
      %add3A_249 = arith.addf %add3A_245, %gather3A_248 : vector<16xf32>
      %broadcast_in_dim3A_250 = arith.constant 6 : i32
      %broadcast_in_dim3A_251 = vector.broadcast %broadcast_in_dim3A_250 : i32 to vector<16xi32>
      %gather3A_252 = tpu.vector_load_idx %arg18[%and3A_225, %broadcast_in_dim3A_251] : memref<8x16xf32, #tpu.memory_space<vmem>>[vector<16xi32>, vector<16xi32>], vector<16xf32>,
      %add3A_253 = arith.addf %add3A_249, %gather3A_252 : vector<16xf32>
      %broadcast_in_dim3A_254 = arith.constant 7 : i32
      %broadcast_in_dim3A_255 = vector.broadcast %broadcast_in_dim3A_254 : i32 to vector<16xi32>
      %gather3A_256 = tpu.vector_load_idx %arg18[%and3A_225, %broadcast_in_dim3A_255] : memref<8x16xf32, #tpu.memory_space<vmem>>[vector<16xi32>, vector<16xi32>], vector<16xf32>,
      %add3A_257 = arith.addf %add3A_253, %gather3A_256 : vector<16xf32>
      %broadcast_in_dim3A_258 = arith.constant 8 : i32
      %broadcast_in_dim3A_259 = vector.broadcast %broadcast_in_dim3A_258 : i32 to vector<16xi32>
      %gather3A_260 = tpu.vector_load_idx %arg18[%and3A_225, %broadcast_in_dim3A_259] : memref<8x16xf32, #tpu.memory_space<vmem>>[vector<16xi32>, vector<16xi32>], vector<16xf32>,
      %add3A_261 = arith.addf %add3A_257, %gather3A_260 : vector<16xf32>
      %broadcast_in_dim3A_262 = arith.constant 9 : i32
      %broadcast_in_dim3A_263 = vector.broadcast %broadcast_in_dim3A_262 : i32 to vector<16xi32>
      %gather3A_264 = tpu.vector_load_idx %arg18[%and3A_225, %broadcast_in_dim3A_263] : memref<8x16xf32, #tpu.memory_space<vmem>>[vector<16xi32>, vector<16xi32>], vector<16xf32>,
      %add3A_265 = arith.addf %add3A_261, %gather3A_264 : vector<16xf32>
      %broadcast_in_dim3A_266 = arith.constant 10 : i32
      %broadcast_in_dim3A_267 = vector.broadcast %broadcast_in_dim3A_266 : i32 to vector<16xi32>
      %gather3A_268 = tpu.vector_load_idx %arg18[%and3A_225, %broadcast_in_dim3A_267] : memref<8x16xf32, #tpu.memory_space<vmem>>[vector<16xi32>, vector<16xi32>], vector<16xf32>,
      %add3A_269 = arith.addf %add3A_265, %gather3A_268 : vector<16xf32>
      %broadcast_in_dim3A_270 = arith.constant 11 : i32
      %broadcast_in_dim3A_271 = vector.broadcast %broadcast_in_dim3A_270 : i32 to vector<16xi32>
      %gather3A_272 = tpu.vector_load_idx %arg18[%and3A_225, %broadcast_in_dim3A_271] : memref<8x16xf32, #tpu.memory_space<vmem>>[vector<16xi32>, vector<16xi32>], vector<16xf32>,
      %add3A_273 = arith.addf %add3A_269, %gather3A_272 : vector<16xf32>
      %broadcast_in_dim3A_274 = arith.constant 12 : i32
      %broadcast_in_dim3A_275 = vector.broadcast %broadcast_in_dim3A_274 : i32 to vector<16xi32>
      %gather3A_276 = tpu.vector_load_idx %arg18[%and3A_225, %broadcast_in_dim3A_275] : memref<8x16xf32, #tpu.memory_space<vmem>>[vector<16xi32>, vector<16xi32>], vector<16xf32>,
      %add3A_277 = arith.addf %add3A_273, %gather3A_276 : vector<16xf32>
      %broadcast_in_dim3A_278 = arith.constant 13 : i32
      %broadcast_in_dim3A_279 = vector.broadcast %broadcast_in_dim3A_278 : i32 to vector<16xi32>
      %gather3A_280 = tpu.vector_load_idx %arg18[%and3A_225, %broadcast_in_dim3A_279] : memref<8x16xf32, #tpu.memory_space<vmem>>[vector<16xi32>, vector<16xi32>], vector<16xf32>,
      %add3A_281 = arith.addf %add3A_277, %gather3A_280 : vector<16xf32>
      %broadcast_in_dim3A_282 = arith.constant 14 : i32
      %broadcast_in_dim3A_283 = vector.broadcast %broadcast_in_dim3A_282 : i32 to vector<16xi32>
      %gather3A_284 = tpu.vector_load_idx %arg18[%and3A_225, %broadcast_in_dim3A_283] : memref<8x16xf32, #tpu.memory_space<vmem>>[vector<16xi32>, vector<16xi32>], vector<16xf32>,
      %add3A_285 = arith.addf %add3A_281, %gather3A_284 : vector<16xf32>
      %broadcast_in_dim3A_286 = arith.constant 15 : i32
      %broadcast_in_dim3A_287 = vector.broadcast %broadcast_in_dim3A_286 : i32 to vector<16xi32>
      %gather3A_288 = tpu.vector_load_idx %arg18[%and3A_225, %broadcast_in_dim3A_287] : memref<8x16xf32, #tpu.memory_space<vmem>>[vector<16xi32>, vector<16xi32>], vector<16xf32>,
      %add3A_289 = arith.addf %add3A_285, %gather3A_288 : vector<16xf32>
      %mul3A_290 = arith.constant 8 : i32
      %mul3A_291 = arith.muli %add3A_181, %mul3A_290 : i32
      %add3A_292 = vector.broadcast %mul3A_291 : i32 to vector<16xi32>
      %add3A_293 = arith.addi %add3A_292, %and3A_225 : vector<16xi32>
      %lt3A_294 = arith.constant 8 : i32
      %lt3A_295 = vector.broadcast %lt3A_294 : i32 to vector<16xi32>
      %lt3A_296 = arith.cmpi slt, %iota3A_222, %lt3A_295 : vector<16xi32>
      tpu.vector_store_idx %arg16[%add3A_293], %add3A_289 masked %lt3A_296 : memref<128xf32, #tpu.memory_space<vmem>>[vector<16xi32>], vector<16xf32>, vector<16xi1>
      %scan3A_297 = arith.constant 0 : i32
      scf.yield %scan3A_297 : i32
    }
    %scan3A_26 = arith.constant 8 : i32
    %mul3A_27 = arith.constant 48 : i32
    %mul3A_28 = arith.muli %add3A, %mul3A_27 : i32
    %add3A_29 = arith.constant 2560 : i32
    %add3A_30 = arith.addi %add3A_29, %mul3A_28 : i32
    %dma_start3A_31 = arith.constant 0 : i32
    %dma_start3A_32 = tpu.memref_slice %arg3[%add3A_30, %dma_start3A_31] : memref<4096x4096xf32, #tpu.memory_space<hbm>> -> memref<8x4096xf32, #tpu.memory_space<hbm>>
    %dma_start3A_33 = arith.constant 0 : i32
    %dma_start3A_34 = tpu.memref_slice %arg3[%add3A_30, %dma_start3A_33] : memref<4096x4096xf32, #tpu.memory_space<hbm>> -> memref<8x4096xf32, #tpu.memory_space<hbm>>
    tpu.enqueue_dma source(%dma_start3A_34 : memref<8x4096xf32, #tpu.memory_space<hbm>>) target(%arg14 : memref<8x4096xf32, #tpu.memory_space<vmem>>) target_semaphore(%arg20 : memref<!tpu.dma_semaphore, #tpu.memory_space<semaphore_mem>>)
    %scan3A_35 = arith.constant 0 : i32
    %scan3A_36 = arith.constant 0 : i32
    %scan3A_37 = arith.constant 3 : i32
    %scan3A_38 = arith.addi %scan3A_36, %scan3A_37 : i32
    %scan3A_39 = arith.constant 1 : i32
    %scan3A_40 = scf.for %scan3A_46 = %scan3A_36 to %scan3A_38 step %scan3A_39 iter_args(%scan3A_47 = %scan3A_35) -> (i32)  : i32 {
      %mul3A_48 = arith.constant 2 : i32
      %mul3A_49 = arith.muli %scan3A_46, %mul3A_48 : i32
      %add3A_50 = arith.constant 1 : i32
      %add3A_51 = arith.addi %mul3A_49, %add3A_50 : i32
      %mul3A_52 = arith.constant 8 : i32
      %mul3A_53 = arith.muli %add3A_51, %mul3A_52 : i32
      %add3A_54 = arith.addi %add3A_30, %mul3A_53 : i32
      %dma_start3A_55 = arith.constant 0 : i32
      %dma_start3A_56 = tpu.memref_slice %arg3[%add3A_54, %dma_start3A_55] : memref<4096x4096xf32, #tpu.memory_space<hbm>> -> memref<8x4096xf32, #tpu.memory_space<hbm>>
      %dma_start3A_57 = arith.constant 0 : i32
      %dma_start3A_58 = tpu.memref_slice %arg3[%add3A_54, %dma_start3A_57] : memref<4096x4096xf32, #tpu.memory_space<hbm>> -> memref<8x4096xf32, #tpu.memory_space<hbm>>
      tpu.enqueue_dma source(%dma_start3A_58 : memref<8x4096xf32, #tpu.memory_space<hbm>>) target(%arg15 : memref<8x4096xf32, #tpu.memory_space<vmem>>) target_semaphore(%arg21 : memref<!tpu.dma_semaphore, #tpu.memory_space<semaphore_mem>>)
      %dma_wait3A = arith.constant 0 : i32
      %dma_wait3A_59 = tpu.memref_slice %arg3[%add3A_30, %dma_wait3A] : memref<4096x4096xf32, #tpu.memory_space<hbm>> -> memref<8x4096xf32, #tpu.memory_space<hbm>>
      %dma_wait3A_60 = arith.constant 0 : i32
      %dma_wait3A_61 = tpu.memref_slice %arg3[%add3A_30, %dma_wait3A_60] : memref<4096x4096xf32, #tpu.memory_space<hbm>> -> memref<8x4096xf32, #tpu.memory_space<hbm>>
      tpu.wait_dma2 semaphore(%arg20 : memref<!tpu.dma_semaphore, #tpu.memory_space<semaphore_mem>>) src(%dma_wait3A_61 : memref<8x4096xf32, #tpu.memory_space<hbm>>) dst(%arg14 : memref<8x4096xf32, #tpu.memory_space<vmem>>)
      %broadcast_in_dim3A = arith.constant 0.000000e+00 : f32
      %broadcast_in_dim3A_62 = vector.broadcast %broadcast_in_dim3A : f32 to vector<16xf32>
      %scan3A_63 = arith.constant 0 : i32
      %scan3A_64 = arith.constant 64 : i32
      %scan3A_65 = arith.addi %scan3A_63, %scan3A_64 : i32
      %scan3A_66 = arith.constant 1 : i32
      %scan3A_67:8 = scf.for %scan3A_298 = %scan3A_63 to %scan3A_65 step %scan3A_66 iter_args(%scan3A_299 = %broadcast_in_dim3A_62, %scan3A_300 = %broadcast_in_dim3A_62, %scan3A_301 = %broadcast_in_dim3A_62, %scan3A_302 = %broadcast_in_dim3A_62, %scan3A_303 = %broadcast_in_dim3A_62, %scan3A_304 = %broadcast_in_dim3A_62, %scan3A_305 = %broadcast_in_dim3A_62, %scan3A_306 = %broadcast_in_dim3A_62) -> (vector<16xf32>, vector<16xf32>, vector<16xf32>, vector<16xf32>, vector<16xf32>, vector<16xf32>, vector<16xf32>, vector<16xf32>)  : i32 {
        %mul3A_307 = arith.constant 4 : i32
        %mul3A_308 = arith.muli %scan3A_298, %mul3A_307 : i32
        %add3A_309 = arith.constant 0 : i32
        %add3A_310 = arith.addi %mul3A_308, %add3A_309 : i32
        %mul3A_311 = arith.constant 16 : i32
        %mul3A_312 = arith.muli %add3A_310, %mul3A_311 : i32
        %get3A_313 = arith.index_cast %mul3A_312 : i32 to index
        %get3A_314 = tpu.vector_load %arg11[%get3A_313] {strides = array<i32>} : memref<4096xf32, #tpu.memory_space<vmem>>, vector<16xf32>,
        %get3A_315 = arith.constant 0 : i32
        %get3A_316 = arith.index_cast %get3A_315 : i32 to index
        %get3A_317 = arith.index_cast %mul3A_312 : i32 to index
        %get3A_318 = tpu.vector_load %arg14[%get3A_316, %get3A_317] {strides = array<i32>} : memref<8x4096xf32, #tpu.memory_space<vmem>>, vector<16xf32>,
        %mul3A_319 = arith.mulf %get3A_318, %get3A_314 : vector<16xf32>
        %add3A_320 = arith.addf %scan3A_299, %mul3A_319 : vector<16xf32>
        %get3A_321 = arith.constant 1 : i32
        %get3A_322 = arith.index_cast %get3A_321 : i32 to index
        %get3A_323 = arith.index_cast %mul3A_312 : i32 to index
        %get3A_324 = tpu.vector_load %arg14[%get3A_322, %get3A_323] {strides = array<i32>} : memref<8x4096xf32, #tpu.memory_space<vmem>>, vector<16xf32>,
        %mul3A_325 = arith.mulf %get3A_324, %get3A_314 : vector<16xf32>
        %add3A_326 = arith.addf %scan3A_300, %mul3A_325 : vector<16xf32>
        %get3A_327 = arith.constant 2 : i32
        %get3A_328 = arith.index_cast %get3A_327 : i32 to index
        %get3A_329 = arith.index_cast %mul3A_312 : i32 to index
        %get3A_330 = tpu.vector_load %arg14[%get3A_328, %get3A_329] {strides = array<i32>} : memref<8x4096xf32, #tpu.memory_space<vmem>>, vector<16xf32>,
        %mul3A_331 = arith.mulf %get3A_330, %get3A_314 : vector<16xf32>
        %add3A_332 = arith.addf %scan3A_301, %mul3A_331 : vector<16xf32>
        %get3A_333 = arith.constant 3 : i32
        %get3A_334 = arith.index_cast %get3A_333 : i32 to index
        %get3A_335 = arith.index_cast %mul3A_312 : i32 to index
        %get3A_336 = tpu.vector_load %arg14[%get3A_334, %get3A_335] {strides = array<i32>} : memref<8x4096xf32, #tpu.memory_space<vmem>>, vector<16xf32>,
        %mul3A_337 = arith.mulf %get3A_336, %get3A_314 : vector<16xf32>
        %add3A_338 = arith.addf %scan3A_302, %mul3A_337 : vector<16xf32>
        %get3A_339 = arith.constant 4 : i32
        %get3A_340 = arith.index_cast %get3A_339 : i32 to index
        %get3A_341 = arith.index_cast %mul3A_312 : i32 to index
        %get3A_342 = tpu.vector_load %arg14[%get3A_340, %get3A_341] {strides = array<i32>} : memref<8x4096xf32, #tpu.memory_space<vmem>>, vector<16xf32>,
        %mul3A_343 = arith.mulf %get3A_342, %get3A_314 : vector<16xf32>
        %add3A_344 = arith.addf %scan3A_303, %mul3A_343 : vector<16xf32>
        %get3A_345 = arith.constant 5 : i32
        %get3A_346 = arith.index_cast %get3A_345 : i32 to index
        %get3A_347 = arith.index_cast %mul3A_312 : i32 to index
        %get3A_348 = tpu.vector_load %arg14[%get3A_346, %get3A_347] {strides = array<i32>} : memref<8x4096xf32, #tpu.memory_space<vmem>>, vector<16xf32>,
        %mul3A_349 = arith.mulf %get3A_348, %get3A_314 : vector<16xf32>
        %add3A_350 = arith.addf %scan3A_304, %mul3A_349 : vector<16xf32>
        %get3A_351 = arith.constant 6 : i32
        %get3A_352 = arith.index_cast %get3A_351 : i32 to index
        %get3A_353 = arith.index_cast %mul3A_312 : i32 to index
        %get3A_354 = tpu.vector_load %arg14[%get3A_352, %get3A_353] {strides = array<i32>} : memref<8x4096xf32, #tpu.memory_space<vmem>>, vector<16xf32>,
        %mul3A_355 = arith.mulf %get3A_354, %get3A_314 : vector<16xf32>
        %add3A_356 = arith.addf %scan3A_305, %mul3A_355 : vector<16xf32>
        %get3A_357 = arith.constant 7 : i32
        %get3A_358 = arith.index_cast %get3A_357 : i32 to index
        %get3A_359 = arith.index_cast %mul3A_312 : i32 to index
        %get3A_360 = tpu.vector_load %arg14[%get3A_358, %get3A_359] {strides = array<i32>} : memref<8x4096xf32, #tpu.memory_space<vmem>>, vector<16xf32>,
        %mul3A_361 = arith.mulf %get3A_360, %get3A_314 : vector<16xf32>
        %add3A_362 = arith.addf %scan3A_306, %mul3A_361 : vector<16xf32>
        %mul3A_363 = arith.constant 4 : i32
        %mul3A_364 = arith.muli %scan3A_298, %mul3A_363 : i32
        %add3A_365 = arith.constant 1 : i32
        %add3A_366 = arith.addi %mul3A_364, %add3A_365 : i32
        %mul3A_367 = arith.constant 16 : i32
        %mul3A_368 = arith.muli %add3A_366, %mul3A_367 : i32
        %get3A_369 = arith.index_cast %mul3A_368 : i32 to index
        %get3A_370 = tpu.vector_load %arg11[%get3A_369] {strides = array<i32>} : memref<4096xf32, #tpu.memory_space<vmem>>, vector<16xf32>,
        %get3A_371 = arith.constant 0 : i32
        %get3A_372 = arith.index_cast %get3A_371 : i32 to index
        %get3A_373 = arith.index_cast %mul3A_368 : i32 to index
        %get3A_374 = tpu.vector_load %arg14[%get3A_372, %get3A_373] {strides = array<i32>} : memref<8x4096xf32, #tpu.memory_space<vmem>>, vector<16xf32>,
        %mul3A_375 = arith.mulf %get3A_374, %get3A_370 : vector<16xf32>
        %add3A_376 = arith.addf %add3A_320, %mul3A_375 : vector<16xf32>
        %get3A_377 = arith.constant 1 : i32
        %get3A_378 = arith.index_cast %get3A_377 : i32 to index
        %get3A_379 = arith.index_cast %mul3A_368 : i32 to index
        %get3A_380 = tpu.vector_load %arg14[%get3A_378, %get3A_379] {strides = array<i32>} : memref<8x4096xf32, #tpu.memory_space<vmem>>, vector<16xf32>,
        %mul3A_381 = arith.mulf %get3A_380, %get3A_370 : vector<16xf32>
        %add3A_382 = arith.addf %add3A_326, %mul3A_381 : vector<16xf32>
        %get3A_383 = arith.constant 2 : i32
        %get3A_384 = arith.index_cast %get3A_383 : i32 to index
        %get3A_385 = arith.index_cast %mul3A_368 : i32 to index
        %get3A_386 = tpu.vector_load %arg14[%get3A_384, %get3A_385] {strides = array<i32>} : memref<8x4096xf32, #tpu.memory_space<vmem>>, vector<16xf32>,
        %mul3A_387 = arith.mulf %get3A_386, %get3A_370 : vector<16xf32>
        %add3A_388 = arith.addf %add3A_332, %mul3A_387 : vector<16xf32>
        %get3A_389 = arith.constant 3 : i32
        %get3A_390 = arith.index_cast %get3A_389 : i32 to index
        %get3A_391 = arith.index_cast %mul3A_368 : i32 to index
        %get3A_392 = tpu.vector_load %arg14[%get3A_390, %get3A_391] {strides = array<i32>} : memref<8x4096xf32, #tpu.memory_space<vmem>>, vector<16xf32>,
        %mul3A_393 = arith.mulf %get3A_392, %get3A_370 : vector<16xf32>
        %add3A_394 = arith.addf %add3A_338, %mul3A_393 : vector<16xf32>
        %get3A_395 = arith.constant 4 : i32
        %get3A_396 = arith.index_cast %get3A_395 : i32 to index
        %get3A_397 = arith.index_cast %mul3A_368 : i32 to index
        %get3A_398 = tpu.vector_load %arg14[%get3A_396, %get3A_397] {strides = array<i32>} : memref<8x4096xf32, #tpu.memory_space<vmem>>, vector<16xf32>,
        %mul3A_399 = arith.mulf %get3A_398, %get3A_370 : vector<16xf32>
        %add3A_400 = arith.addf %add3A_344, %mul3A_399 : vector<16xf32>
        %get3A_401 = arith.constant 5 : i32
        %get3A_402 = arith.index_cast %get3A_401 : i32 to index
        %get3A_403 = arith.index_cast %mul3A_368 : i32 to index
        %get3A_404 = tpu.vector_load %arg14[%get3A_402, %get3A_403] {strides = array<i32>} : memref<8x4096xf32, #tpu.memory_space<vmem>>, vector<16xf32>,
        %mul3A_405 = arith.mulf %get3A_404, %get3A_370 : vector<16xf32>
        %add3A_406 = arith.addf %add3A_350, %mul3A_405 : vector<16xf32>
        %get3A_407 = arith.constant 6 : i32
        %get3A_408 = arith.index_cast %get3A_407 : i32 to index
        %get3A_409 = arith.index_cast %mul3A_368 : i32 to index
        %get3A_410 = tpu.vector_load %arg14[%get3A_408, %get3A_409] {strides = array<i32>} : memref<8x4096xf32, #tpu.memory_space<vmem>>, vector<16xf32>,
        %mul3A_411 = arith.mulf %get3A_410, %get3A_370 : vector<16xf32>
        %add3A_412 = arith.addf %add3A_356, %mul3A_411 : vector<16xf32>
        %get3A_413 = arith.constant 7 : i32
        %get3A_414 = arith.index_cast %get3A_413 : i32 to index
        %get3A_415 = arith.index_cast %mul3A_368 : i32 to index
        %get3A_416 = tpu.vector_load %arg14[%get3A_414, %get3A_415] {strides = array<i32>} : memref<8x4096xf32, #tpu.memory_space<vmem>>, vector<16xf32>,
        %mul3A_417 = arith.mulf %get3A_416, %get3A_370 : vector<16xf32>
        %add3A_418 = arith.addf %add3A_362, %mul3A_417 : vector<16xf32>
        %mul3A_419 = arith.constant 4 : i32
        %mul3A_420 = arith.muli %scan3A_298, %mul3A_419 : i32
        %add3A_421 = arith.constant 2 : i32
        %add3A_422 = arith.addi %mul3A_420, %add3A_421 : i32
        %mul3A_423 = arith.constant 16 : i32
        %mul3A_424 = arith.muli %add3A_422, %mul3A_423 : i32
        %get3A_425 = arith.index_cast %mul3A_424 : i32 to index
        %get3A_426 = tpu.vector_load %arg11[%get3A_425] {strides = array<i32>} : memref<4096xf32, #tpu.memory_space<vmem>>, vector<16xf32>,
        %get3A_427 = arith.constant 0 : i32
        %get3A_428 = arith.index_cast %get3A_427 : i32 to index
        %get3A_429 = arith.index_cast %mul3A_424 : i32 to index
        %get3A_430 = tpu.vector_load %arg14[%get3A_428, %get3A_429] {strides = array<i32>} : memref<8x4096xf32, #tpu.memory_space<vmem>>, vector<16xf32>,
        %mul3A_431 = arith.mulf %get3A_430, %get3A_426 : vector<16xf32>
        %add3A_432 = arith.addf %add3A_376, %mul3A_431 : vector<16xf32>
        %get3A_433 = arith.constant 1 : i32
        %get3A_434 = arith.index_cast %get3A_433 : i32 to index
        %get3A_435 = arith.index_cast %mul3A_424 : i32 to index
        %get3A_436 = tpu.vector_load %arg14[%get3A_434, %get3A_435] {strides = array<i32>} : memref<8x4096xf32, #tpu.memory_space<vmem>>, vector<16xf32>,
        %mul3A_437 = arith.mulf %get3A_436, %get3A_426 : vector<16xf32>
        %add3A_438 = arith.addf %add3A_382, %mul3A_437 : vector<16xf32>
        %get3A_439 = arith.constant 2 : i32
        %get3A_440 = arith.index_cast %get3A_439 : i32 to index
        %get3A_441 = arith.index_cast %mul3A_424 : i32 to index
        %get3A_442 = tpu.vector_load %arg14[%get3A_440, %get3A_441] {strides = array<i32>} : memref<8x4096xf32, #tpu.memory_space<vmem>>, vector<16xf32>,
        %mul3A_443 = arith.mulf %get3A_442, %get3A_426 : vector<16xf32>
        %add3A_444 = arith.addf %add3A_388, %mul3A_443 : vector<16xf32>
        %get3A_445 = arith.constant 3 : i32
        %get3A_446 = arith.index_cast %get3A_445 : i32 to index
        %get3A_447 = arith.index_cast %mul3A_424 : i32 to index
        %get3A_448 = tpu.vector_load %arg14[%get3A_446, %get3A_447] {strides = array<i32>} : memref<8x4096xf32, #tpu.memory_space<vmem>>, vector<16xf32>,
        %mul3A_449 = arith.mulf %get3A_448, %get3A_426 : vector<16xf32>
        %add3A_450 = arith.addf %add3A_394, %mul3A_449 : vector<16xf32>
        %get3A_451 = arith.constant 4 : i32
        %get3A_452 = arith.index_cast %get3A_451 : i32 to index
        %get3A_453 = arith.index_cast %mul3A_424 : i32 to index
        %get3A_454 = tpu.vector_load %arg14[%get3A_452, %get3A_453] {strides = array<i32>} : memref<8x4096xf32, #tpu.memory_space<vmem>>, vector<16xf32>,
        %mul3A_455 = arith.mulf %get3A_454, %get3A_426 : vector<16xf32>
        %add3A_456 = arith.addf %add3A_400, %mul3A_455 : vector<16xf32>
        %get3A_457 = arith.constant 5 : i32
        %get3A_458 = arith.index_cast %get3A_457 : i32 to index
        %get3A_459 = arith.index_cast %mul3A_424 : i32 to index
        %get3A_460 = tpu.vector_load %arg14[%get3A_458, %get3A_459] {strides = array<i32>} : memref<8x4096xf32, #tpu.memory_space<vmem>>, vector<16xf32>,
        %mul3A_461 = arith.mulf %get3A_460, %get3A_426 : vector<16xf32>
        %add3A_462 = arith.addf %add3A_406, %mul3A_461 : vector<16xf32>
        %get3A_463 = arith.constant 6 : i32
        %get3A_464 = arith.index_cast %get3A_463 : i32 to index
        %get3A_465 = arith.index_cast %mul3A_424 : i32 to index
        %get3A_466 = tpu.vector_load %arg14[%get3A_464, %get3A_465] {strides = array<i32>} : memref<8x4096xf32, #tpu.memory_space<vmem>>, vector<16xf32>,
        %mul3A_467 = arith.mulf %get3A_466, %get3A_426 : vector<16xf32>
        %add3A_468 = arith.addf %add3A_412, %mul3A_467 : vector<16xf32>
        %get3A_469 = arith.constant 7 : i32
        %get3A_470 = arith.index_cast %get3A_469 : i32 to index
        %get3A_471 = arith.index_cast %mul3A_424 : i32 to index
        %get3A_472 = tpu.vector_load %arg14[%get3A_470, %get3A_471] {strides = array<i32>} : memref<8x4096xf32, #tpu.memory_space<vmem>>, vector<16xf32>,
        %mul3A_473 = arith.mulf %get3A_472, %get3A_426 : vector<16xf32>
        %add3A_474 = arith.addf %add3A_418, %mul3A_473 : vector<16xf32>
        %mul3A_475 = arith.constant 4 : i32
        %mul3A_476 = arith.muli %scan3A_298, %mul3A_475 : i32
        %add3A_477 = arith.constant 3 : i32
        %add3A_478 = arith.addi %mul3A_476, %add3A_477 : i32
        %mul3A_479 = arith.constant 16 : i32
        %mul3A_480 = arith.muli %add3A_478, %mul3A_479 : i32
        %get3A_481 = arith.index_cast %mul3A_480 : i32 to index
        %get3A_482 = tpu.vector_load %arg11[%get3A_481] {strides = array<i32>} : memref<4096xf32, #tpu.memory_space<vmem>>, vector<16xf32>,
        %get3A_483 = arith.constant 0 : i32
        %get3A_484 = arith.index_cast %get3A_483 : i32 to index
        %get3A_485 = arith.index_cast %mul3A_480 : i32 to index
        %get3A_486 = tpu.vector_load %arg14[%get3A_484, %get3A_485] {strides = array<i32>} : memref<8x4096xf32, #tpu.memory_space<vmem>>, vector<16xf32>,
        %mul3A_487 = arith.mulf %get3A_486, %get3A_482 : vector<16xf32>
        %add3A_488 = arith.addf %add3A_432, %mul3A_487 : vector<16xf32>
        %get3A_489 = arith.constant 1 : i32
        %get3A_490 = arith.index_cast %get3A_489 : i32 to index
        %get3A_491 = arith.index_cast %mul3A_480 : i32 to index
        %get3A_492 = tpu.vector_load %arg14[%get3A_490, %get3A_491] {strides = array<i32>} : memref<8x4096xf32, #tpu.memory_space<vmem>>, vector<16xf32>,
        %mul3A_493 = arith.mulf %get3A_492, %get3A_482 : vector<16xf32>
        %add3A_494 = arith.addf %add3A_438, %mul3A_493 : vector<16xf32>
        %get3A_495 = arith.constant 2 : i32
        %get3A_496 = arith.index_cast %get3A_495 : i32 to index
        %get3A_497 = arith.index_cast %mul3A_480 : i32 to index
        %get3A_498 = tpu.vector_load %arg14[%get3A_496, %get3A_497] {strides = array<i32>} : memref<8x4096xf32, #tpu.memory_space<vmem>>, vector<16xf32>,
        %mul3A_499 = arith.mulf %get3A_498, %get3A_482 : vector<16xf32>
        %add3A_500 = arith.addf %add3A_444, %mul3A_499 : vector<16xf32>
        %get3A_501 = arith.constant 3 : i32
        %get3A_502 = arith.index_cast %get3A_501 : i32 to index
        %get3A_503 = arith.index_cast %mul3A_480 : i32 to index
        %get3A_504 = tpu.vector_load %arg14[%get3A_502, %get3A_503] {strides = array<i32>} : memref<8x4096xf32, #tpu.memory_space<vmem>>, vector<16xf32>,
        %mul3A_505 = arith.mulf %get3A_504, %get3A_482 : vector<16xf32>
        %add3A_506 = arith.addf %add3A_450, %mul3A_505 : vector<16xf32>
        %get3A_507 = arith.constant 4 : i32
        %get3A_508 = arith.index_cast %get3A_507 : i32 to index
        %get3A_509 = arith.index_cast %mul3A_480 : i32 to index
        %get3A_510 = tpu.vector_load %arg14[%get3A_508, %get3A_509] {strides = array<i32>} : memref<8x4096xf32, #tpu.memory_space<vmem>>, vector<16xf32>,
        %mul3A_511 = arith.mulf %get3A_510, %get3A_482 : vector<16xf32>
        %add3A_512 = arith.addf %add3A_456, %mul3A_511 : vector<16xf32>
        %get3A_513 = arith.constant 5 : i32
        %get3A_514 = arith.index_cast %get3A_513 : i32 to index
        %get3A_515 = arith.index_cast %mul3A_480 : i32 to index
        %get3A_516 = tpu.vector_load %arg14[%get3A_514, %get3A_515] {strides = array<i32>} : memref<8x4096xf32, #tpu.memory_space<vmem>>, vector<16xf32>,
        %mul3A_517 = arith.mulf %get3A_516, %get3A_482 : vector<16xf32>
        %add3A_518 = arith.addf %add3A_462, %mul3A_517 : vector<16xf32>
        %get3A_519 = arith.constant 6 : i32
        %get3A_520 = arith.index_cast %get3A_519 : i32 to index
        %get3A_521 = arith.index_cast %mul3A_480 : i32 to index
        %get3A_522 = tpu.vector_load %arg14[%get3A_520, %get3A_521] {strides = array<i32>} : memref<8x4096xf32, #tpu.memory_space<vmem>>, vector<16xf32>,
        %mul3A_523 = arith.mulf %get3A_522, %get3A_482 : vector<16xf32>
        %add3A_524 = arith.addf %add3A_468, %mul3A_523 : vector<16xf32>
        %get3A_525 = arith.constant 7 : i32
        %get3A_526 = arith.index_cast %get3A_525 : i32 to index
        %get3A_527 = arith.index_cast %mul3A_480 : i32 to index
        %get3A_528 = tpu.vector_load %arg14[%get3A_526, %get3A_527] {strides = array<i32>} : memref<8x4096xf32, #tpu.memory_space<vmem>>, vector<16xf32>,
        %mul3A_529 = arith.mulf %get3A_528, %get3A_482 : vector<16xf32>
        %add3A_530 = arith.addf %add3A_474, %mul3A_529 : vector<16xf32>
        scf.yield %add3A_488, %add3A_494, %add3A_500, %add3A_506, %add3A_512, %add3A_518, %add3A_524, %add3A_530 : vector<16xf32>, vector<16xf32>, vector<16xf32>, vector<16xf32>, vector<16xf32>, vector<16xf32>, vector<16xf32>, vector<16xf32>
      }
      %scan3A_68 = arith.constant 64 : i32
      %swap3A = arith.constant 0 : i32
      %swap3A_69 = arith.index_cast %swap3A : i32 to index
      %swap3A_70 = arith.constant 0 : index
      %swap3A_71 = tpu.vector_load %arg18[%swap3A_69, %swap3A_70] {strides = array<i32>} : memref<8x16xf32, #tpu.memory_space<vmem>>, vector<16xf32>,
      tpu.vector_store %arg18[%swap3A_69, %swap3A_70], %scan3A_67#0 {strides = array<i32>} : memref<8x16xf32, #tpu.memory_space<vmem>>, vector<16xf32>,
      %swap3A_72 = arith.constant 1 : i32
      %swap3A_73 = arith.index_cast %swap3A_72 : i32 to index
      %swap3A_74 = arith.constant 0 : index
      %swap3A_75 = tpu.vector_load %arg18[%swap3A_73, %swap3A_74] {strides = array<i32>} : memref<8x16xf32, #tpu.memory_space<vmem>>, vector<16xf32>,
      tpu.vector_store %arg18[%swap3A_73, %swap3A_74], %scan3A_67#1 {strides = array<i32>} : memref<8x16xf32, #tpu.memory_space<vmem>>, vector<16xf32>,
      %swap3A_76 = arith.constant 2 : i32
      %swap3A_77 = arith.index_cast %swap3A_76 : i32 to index
      %swap3A_78 = arith.constant 0 : index
      %swap3A_79 = tpu.vector_load %arg18[%swap3A_77, %swap3A_78] {strides = array<i32>} : memref<8x16xf32, #tpu.memory_space<vmem>>, vector<16xf32>,
      tpu.vector_store %arg18[%swap3A_77, %swap3A_78], %scan3A_67#2 {strides = array<i32>} : memref<8x16xf32, #tpu.memory_space<vmem>>, vector<16xf32>,
      %swap3A_80 = arith.constant 3 : i32
      %swap3A_81 = arith.index_cast %swap3A_80 : i32 to index
      %swap3A_82 = arith.constant 0 : index
      %swap3A_83 = tpu.vector_load %arg18[%swap3A_81, %swap3A_82] {strides = array<i32>} : memref<8x16xf32, #tpu.memory_space<vmem>>, vector<16xf32>,
      tpu.vector_store %arg18[%swap3A_81, %swap3A_82], %scan3A_67#3 {strides = array<i32>} : memref<8x16xf32, #tpu.memory_space<vmem>>, vector<16xf32>,
      %swap3A_84 = arith.constant 4 : i32
      %swap3A_85 = arith.index_cast %swap3A_84 : i32 to index
      %swap3A_86 = arith.constant 0 : index
      %swap3A_87 = tpu.vector_load %arg18[%swap3A_85, %swap3A_86] {strides = array<i32>} : memref<8x16xf32, #tpu.memory_space<vmem>>, vector<16xf32>,
      tpu.vector_store %arg18[%swap3A_85, %swap3A_86], %scan3A_67#4 {strides = array<i32>} : memref<8x16xf32, #tpu.memory_space<vmem>>, vector<16xf32>,
      %swap3A_88 = arith.constant 5 : i32
      %swap3A_89 = arith.index_cast %swap3A_88 : i32 to index
      %swap3A_90 = arith.constant 0 : index
      %swap3A_91 = tpu.vector_load %arg18[%swap3A_89, %swap3A_90] {strides = array<i32>} : memref<8x16xf32, #tpu.memory_space<vmem>>, vector<16xf32>,
      tpu.vector_store %arg18[%swap3A_89, %swap3A_90], %scan3A_67#5 {strides = array<i32>} : memref<8x16xf32, #tpu.memory_space<vmem>>, vector<16xf32>,
      %swap3A_92 = arith.constant 6 : i32
      %swap3A_93 = arith.index_cast %swap3A_92 : i32 to index
      %swap3A_94 = arith.constant 0 : index
      %swap3A_95 = tpu.vector_load %arg18[%swap3A_93, %swap3A_94] {strides = array<i32>} : memref<8x16xf32, #tpu.memory_space<vmem>>, vector<16xf32>,
      tpu.vector_store %arg18[%swap3A_93, %swap3A_94], %scan3A_67#6 {strides = array<i32>} : memref<8x16xf32, #tpu.memory_space<vmem>>, vector<16xf32>,
      %swap3A_96 = arith.constant 7 : i32
      %swap3A_97 = arith.index_cast %swap3A_96 : i32 to index
      %swap3A_98 = arith.constant 0 : index
      %swap3A_99 = tpu.vector_load %arg18[%swap3A_97, %swap3A_98] {strides = array<i32>} : memref<8x16xf32, #tpu.memory_space<vmem>>, vector<16xf32>,
      tpu.vector_store %arg18[%swap3A_97, %swap3A_98], %scan3A_67#7 {strides = array<i32>} : memref<8x16xf32, #tpu.memory_space<vmem>>, vector<16xf32>,
      %iota3A = tpu.iota {dimensions = array<i32: 0>} : vector<16xi32>
      %and3A = arith.constant 7 : i32
      %and3A_100 = vector.broadcast %and3A : i32 to vector<16xi32>
      %and3A_101 = arith.andi %iota3A, %and3A_100 : vector<16xi32>
      %broadcast_in_dim3A_102 = arith.constant 0 : i32
      %broadcast_in_dim3A_103 = vector.broadcast %broadcast_in_dim3A_102 : i32 to vector<16xi32>
      %gather3A = tpu.vector_load_idx %arg18[%and3A_101, %broadcast_in_dim3A_103] : memref<8x16xf32, #tpu.memory_space<vmem>>[vector<16xi32>, vector<16xi32>], vector<16xf32>,
      %add3A_104 = arith.addf %broadcast_in_dim3A_62, %gather3A : vector<16xf32>
      %broadcast_in_dim3A_105 = arith.constant 1 : i32
      %broadcast_in_dim3A_106 = vector.broadcast %broadcast_in_dim3A_105 : i32 to vector<16xi32>
      %gather3A_107 = tpu.vector_load_idx %arg18[%and3A_101, %broadcast_in_dim3A_106] : memref<8x16xf32, #tpu.memory_space<vmem>>[vector<16xi32>, vector<16xi32>], vector<16xf32>,
      %add3A_108 = arith.addf %add3A_104, %gather3A_107 : vector<16xf32>
      %broadcast_in_dim3A_109 = arith.constant 2 : i32
      %broadcast_in_dim3A_110 = vector.broadcast %broadcast_in_dim3A_109 : i32 to vector<16xi32>
      %gather3A_111 = tpu.vector_load_idx %arg18[%and3A_101, %broadcast_in_dim3A_110] : memref<8x16xf32, #tpu.memory_space<vmem>>[vector<16xi32>, vector<16xi32>], vector<16xf32>,
      %add3A_112 = arith.addf %add3A_108, %gather3A_111 : vector<16xf32>
      %broadcast_in_dim3A_113 = arith.constant 3 : i32
      %broadcast_in_dim3A_114 = vector.broadcast %broadcast_in_dim3A_113 : i32 to vector<16xi32>
      %gather3A_115 = tpu.vector_load_idx %arg18[%and3A_101, %broadcast_in_dim3A_114] : memref<8x16xf32, #tpu.memory_space<vmem>>[vector<16xi32>, vector<16xi32>], vector<16xf32>,
      %add3A_116 = arith.addf %add3A_112, %gather3A_115 : vector<16xf32>
      %broadcast_in_dim3A_117 = arith.constant 4 : i32
      %broadcast_in_dim3A_118 = vector.broadcast %broadcast_in_dim3A_117 : i32 to vector<16xi32>
      %gather3A_119 = tpu.vector_load_idx %arg18[%and3A_101, %broadcast_in_dim3A_118] : memref<8x16xf32, #tpu.memory_space<vmem>>[vector<16xi32>, vector<16xi32>], vector<16xf32>,
      %add3A_120 = arith.addf %add3A_116, %gather3A_119 : vector<16xf32>
      %broadcast_in_dim3A_121 = arith.constant 5 : i32
      %broadcast_in_dim3A_122 = vector.broadcast %broadcast_in_dim3A_121 : i32 to vector<16xi32>
      %gather3A_123 = tpu.vector_load_idx %arg18[%and3A_101, %broadcast_in_dim3A_122] : memref<8x16xf32, #tpu.memory_space<vmem>>[vector<16xi32>, vector<16xi32>], vector<16xf32>,
      %add3A_124 = arith.addf %add3A_120, %gather3A_123 : vector<16xf32>
      %broadcast_in_dim3A_125 = arith.constant 6 : i32
      %broadcast_in_dim3A_126 = vector.broadcast %broadcast_in_dim3A_125 : i32 to vector<16xi32>
      %gather3A_127 = tpu.vector_load_idx %arg18[%and3A_101, %broadcast_in_dim3A_126] : memref<8x16xf32, #tpu.memory_space<vmem>>[vector<16xi32>, vector<16xi32>], vector<16xf32>,
      %add3A_128 = arith.addf %add3A_124, %gather3A_127 : vector<16xf32>
      %broadcast_in_dim3A_129 = arith.constant 7 : i32
      %broadcast_in_dim3A_130 = vector.broadcast %broadcast_in_dim3A_129 : i32 to vector<16xi32>
      %gather3A_131 = tpu.vector_load_idx %arg18[%and3A_101, %broadcast_in_dim3A_130] : memref<8x16xf32, #tpu.memory_space<vmem>>[vector<16xi32>, vector<16xi32>], vector<16xf32>,
      %add3A_132 = arith.addf %add3A_128, %gather3A_131 : vector<16xf32>
      %broadcast_in_dim3A_133 = arith.constant 8 : i32
      %broadcast_in_dim3A_134 = vector.broadcast %broadcast_in_dim3A_133 : i32 to vector<16xi32>
      %gather3A_135 = tpu.vector_load_idx %arg18[%and3A_101, %broadcast_in_dim3A_134] : memref<8x16xf32, #tpu.memory_space<vmem>>[vector<16xi32>, vector<16xi32>], vector<16xf32>,
      %add3A_136 = arith.addf %add3A_132, %gather3A_135 : vector<16xf32>
      %broadcast_in_dim3A_137 = arith.constant 9 : i32
      %broadcast_in_dim3A_138 = vector.broadcast %broadcast_in_dim3A_137 : i32 to vector<16xi32>
      %gather3A_139 = tpu.vector_load_idx %arg18[%and3A_101, %broadcast_in_dim3A_138] : memref<8x16xf32, #tpu.memory_space<vmem>>[vector<16xi32>, vector<16xi32>], vector<16xf32>,
      %add3A_140 = arith.addf %add3A_136, %gather3A_139 : vector<16xf32>
      %broadcast_in_dim3A_141 = arith.constant 10 : i32
      %broadcast_in_dim3A_142 = vector.broadcast %broadcast_in_dim3A_141 : i32 to vector<16xi32>
      %gather3A_143 = tpu.vector_load_idx %arg18[%and3A_101, %broadcast_in_dim3A_142] : memref<8x16xf32, #tpu.memory_space<vmem>>[vector<16xi32>, vector<16xi32>], vector<16xf32>,
      %add3A_144 = arith.addf %add3A_140, %gather3A_143 : vector<16xf32>
      %broadcast_in_dim3A_145 = arith.constant 11 : i32
      %broadcast_in_dim3A_146 = vector.broadcast %broadcast_in_dim3A_145 : i32 to vector<16xi32>
      %gather3A_147 = tpu.vector_load_idx %arg18[%and3A_101, %broadcast_in_dim3A_146] : memref<8x16xf32, #tpu.memory_space<vmem>>[vector<16xi32>, vector<16xi32>], vector<16xf32>,
      %add3A_148 = arith.addf %add3A_144, %gather3A_147 : vector<16xf32>
      %broadcast_in_dim3A_149 = arith.constant 12 : i32
      %broadcast_in_dim3A_150 = vector.broadcast %broadcast_in_dim3A_149 : i32 to vector<16xi32>
      %gather3A_151 = tpu.vector_load_idx %arg18[%and3A_101, %broadcast_in_dim3A_150] : memref<8x16xf32, #tpu.memory_space<vmem>>[vector<16xi32>, vector<16xi32>], vector<16xf32>,
      %add3A_152 = arith.addf %add3A_148, %gather3A_151 : vector<16xf32>
      %broadcast_in_dim3A_153 = arith.constant 13 : i32
      %broadcast_in_dim3A_154 = vector.broadcast %broadcast_in_dim3A_153 : i32 to vector<16xi32>
      %gather3A_155 = tpu.vector_load_idx %arg18[%and3A_101, %broadcast_in_dim3A_154] : memref<8x16xf32, #tpu.memory_space<vmem>>[vector<16xi32>, vector<16xi32>], vector<16xf32>,
      %add3A_156 = arith.addf %add3A_152, %gather3A_155 : vector<16xf32>
      %broadcast_in_dim3A_157 = arith.constant 14 : i32
      %broadcast_in_dim3A_158 = vector.broadcast %broadcast_in_dim3A_157 : i32 to vector<16xi32>
      %gather3A_159 = tpu.vector_load_idx %arg18[%and3A_101, %broadcast_in_dim3A_158] : memref<8x16xf32, #tpu.memory_space<vmem>>[vector<16xi32>, vector<16xi32>], vector<16xf32>,
      %add3A_160 = arith.addf %add3A_156, %gather3A_159 : vector<16xf32>
      %broadcast_in_dim3A_161 = arith.constant 15 : i32
      %broadcast_in_dim3A_162 = vector.broadcast %broadcast_in_dim3A_161 : i32 to vector<16xi32>
      %gather3A_163 = tpu.vector_load_idx %arg18[%and3A_101, %broadcast_in_dim3A_162] : memref<8x16xf32, #tpu.memory_space<vmem>>[vector<16xi32>, vector<16xi32>], vector<16xf32>,
      %add3A_164 = arith.addf %add3A_160, %gather3A_163 : vector<16xf32>
      %mul3A_165 = arith.constant 8 : i32
      %mul3A_166 = arith.muli %mul3A_49, %mul3A_165 : i32
      %add3A_167 = vector.broadcast %mul3A_166 : i32 to vector<16xi32>
      %add3A_168 = arith.addi %add3A_167, %and3A_101 : vector<16xi32>
      %lt3A = arith.constant 8 : i32
      %lt3A_169 = vector.broadcast %lt3A : i32 to vector<16xi32>
      %lt3A_170 = arith.cmpi slt, %iota3A, %lt3A_169 : vector<16xi32>
      tpu.vector_store_idx %arg17[%add3A_168], %add3A_164 masked %lt3A_170 : memref<48xf32, #tpu.memory_space<vmem>>[vector<16xi32>], vector<16xf32>, vector<16xi1>
      %add3A_171 = arith.constant 2 : i32
      %add3A_172 = arith.addi %mul3A_49, %add3A_171 : i32
      %lt3A_173 = arith.constant 6 : i32
      %lt3A_174 = arith.cmpi slt, %add3A_172, %lt3A_173 : i32
      %convert_element_type3A = arith.extui %lt3A_174 : i1 to i32
      %cond3A = arith.constant 0 : i32
      %cond3A_175 = arith.cmpi ne, %convert_element_type3A, %cond3A : i32
      scf.if %cond3A_175 {
        %add3A_298 = arith.constant 2 : i32
        %add3A_299 = arith.addi %mul3A_49, %add3A_298 : i32
        %mul3A_300 = arith.constant 8 : i32
        %mul3A_301 = arith.muli %add3A_299, %mul3A_300 : i32
        %add3A_302 = arith.addi %add3A_30, %mul3A_301 : i32
        %dma_start3A_303 = arith.constant 0 : i32
        %dma_start3A_304 = tpu.memref_slice %arg3[%add3A_302, %dma_start3A_303] : memref<4096x4096xf32, #tpu.memory_space<hbm>> -> memref<8x4096xf32, #tpu.memory_space<hbm>>
        %dma_start3A_305 = arith.constant 0 : i32
        %dma_start3A_306 = tpu.memref_slice %arg3[%add3A_302, %dma_start3A_305] : memref<4096x4096xf32, #tpu.memory_space<hbm>> -> memref<8x4096xf32, #tpu.memory_space<hbm>>
        tpu.enqueue_dma source(%dma_start3A_306 : memref<8x4096xf32, #tpu.memory_space<hbm>>) target(%arg14 : memref<8x4096xf32, #tpu.memory_space<vmem>>) target_semaphore(%arg20 : memref<!tpu.dma_semaphore, #tpu.memory_space<semaphore_mem>>)
      } else {
      }
      %dma_wait3A_176 = arith.constant 0 : i32
      %dma_wait3A_177 = tpu.memref_slice %arg3[%add3A_30, %dma_wait3A_176] : memref<4096x4096xf32, #tpu.memory_space<hbm>> -> memref<8x4096xf32, #tpu.memory_space<hbm>>
      %dma_wait3A_178 = arith.constant 0 : i32
      %dma_wait3A_179 = tpu.memref_slice %arg3[%add3A_30, %dma_wait3A_178] : memref<4096x4096xf32, #tpu.memory_space<hbm>> -> memref<8x4096xf32, #tpu.memory_space<hbm>>
      tpu.wait_dma2 semaphore(%arg21 : memref<!tpu.dma_semaphore, #tpu.memory_space<semaphore_mem>>) src(%dma_wait3A_179 : memref<8x4096xf32, #tpu.memory_space<hbm>>) dst(%arg15 : memref<8x4096xf32, #tpu.memory_space<vmem>>)
      %add3A_180 = arith.constant 1 : i32
      %add3A_181 = arith.addi %mul3A_49, %add3A_180 : i32
      %broadcast_in_dim3A_182 = arith.constant 0.000000e+00 : f32
      %broadcast_in_dim3A_183 = vector.broadcast %broadcast_in_dim3A_182 : f32 to vector<16xf32>
      %scan3A_184 = arith.constant 0 : i32
      %scan3A_185 = arith.constant 64 : i32
      %scan3A_186 = arith.addi %scan3A_184, %scan3A_185 : i32
      %scan3A_187 = arith.constant 1 : i32
      %scan3A_188:8 = scf.for %scan3A_298 = %scan3A_184 to %scan3A_186 step %scan3A_187 iter_args(%scan3A_299 = %broadcast_in_dim3A_183, %scan3A_300 = %broadcast_in_dim3A_183, %scan3A_301 = %broadcast_in_dim3A_183, %scan3A_302 = %broadcast_in_dim3A_183, %scan3A_303 = %broadcast_in_dim3A_183, %scan3A_304 = %broadcast_in_dim3A_183, %scan3A_305 = %broadcast_in_dim3A_183, %scan3A_306 = %broadcast_in_dim3A_183) -> (vector<16xf32>, vector<16xf32>, vector<16xf32>, vector<16xf32>, vector<16xf32>, vector<16xf32>, vector<16xf32>, vector<16xf32>)  : i32 {
        %mul3A_307 = arith.constant 4 : i32
        %mul3A_308 = arith.muli %scan3A_298, %mul3A_307 : i32
        %add3A_309 = arith.constant 0 : i32
        %add3A_310 = arith.addi %mul3A_308, %add3A_309 : i32
        %mul3A_311 = arith.constant 16 : i32
        %mul3A_312 = arith.muli %add3A_310, %mul3A_311 : i32
        %get3A_313 = arith.index_cast %mul3A_312 : i32 to index
        %get3A_314 = tpu.vector_load %arg11[%get3A_313] {strides = array<i32>} : memref<4096xf32, #tpu.memory_space<vmem>>, vector<16xf32>,
        %get3A_315 = arith.constant 0 : i32
        %get3A_316 = arith.index_cast %get3A_315 : i32 to index
        %get3A_317 = arith.index_cast %mul3A_312 : i32 to index
        %get3A_318 = tpu.vector_load %arg15[%get3A_316, %get3A_317] {strides = array<i32>} : memref<8x4096xf32, #tpu.memory_space<vmem>>, vector<16xf32>,
        %mul3A_319 = arith.mulf %get3A_318, %get3A_314 : vector<16xf32>
        %add3A_320 = arith.addf %scan3A_299, %mul3A_319 : vector<16xf32>
        %get3A_321 = arith.constant 1 : i32
        %get3A_322 = arith.index_cast %get3A_321 : i32 to index
        %get3A_323 = arith.index_cast %mul3A_312 : i32 to index
        %get3A_324 = tpu.vector_load %arg15[%get3A_322, %get3A_323] {strides = array<i32>} : memref<8x4096xf32, #tpu.memory_space<vmem>>, vector<16xf32>,
        %mul3A_325 = arith.mulf %get3A_324, %get3A_314 : vector<16xf32>
        %add3A_326 = arith.addf %scan3A_300, %mul3A_325 : vector<16xf32>
        %get3A_327 = arith.constant 2 : i32
        %get3A_328 = arith.index_cast %get3A_327 : i32 to index
        %get3A_329 = arith.index_cast %mul3A_312 : i32 to index
        %get3A_330 = tpu.vector_load %arg15[%get3A_328, %get3A_329] {strides = array<i32>} : memref<8x4096xf32, #tpu.memory_space<vmem>>, vector<16xf32>,
        %mul3A_331 = arith.mulf %get3A_330, %get3A_314 : vector<16xf32>
        %add3A_332 = arith.addf %scan3A_301, %mul3A_331 : vector<16xf32>
        %get3A_333 = arith.constant 3 : i32
        %get3A_334 = arith.index_cast %get3A_333 : i32 to index
        %get3A_335 = arith.index_cast %mul3A_312 : i32 to index
        %get3A_336 = tpu.vector_load %arg15[%get3A_334, %get3A_335] {strides = array<i32>} : memref<8x4096xf32, #tpu.memory_space<vmem>>, vector<16xf32>,
        %mul3A_337 = arith.mulf %get3A_336, %get3A_314 : vector<16xf32>
        %add3A_338 = arith.addf %scan3A_302, %mul3A_337 : vector<16xf32>
        %get3A_339 = arith.constant 4 : i32
        %get3A_340 = arith.index_cast %get3A_339 : i32 to index
        %get3A_341 = arith.index_cast %mul3A_312 : i32 to index
        %get3A_342 = tpu.vector_load %arg15[%get3A_340, %get3A_341] {strides = array<i32>} : memref<8x4096xf32, #tpu.memory_space<vmem>>, vector<16xf32>,
        %mul3A_343 = arith.mulf %get3A_342, %get3A_314 : vector<16xf32>
        %add3A_344 = arith.addf %scan3A_303, %mul3A_343 : vector<16xf32>
        %get3A_345 = arith.constant 5 : i32
        %get3A_346 = arith.index_cast %get3A_345 : i32 to index
        %get3A_347 = arith.index_cast %mul3A_312 : i32 to index
        %get3A_348 = tpu.vector_load %arg15[%get3A_346, %get3A_347] {strides = array<i32>} : memref<8x4096xf32, #tpu.memory_space<vmem>>, vector<16xf32>,
        %mul3A_349 = arith.mulf %get3A_348, %get3A_314 : vector<16xf32>
        %add3A_350 = arith.addf %scan3A_304, %mul3A_349 : vector<16xf32>
        %get3A_351 = arith.constant 6 : i32
        %get3A_352 = arith.index_cast %get3A_351 : i32 to index
        %get3A_353 = arith.index_cast %mul3A_312 : i32 to index
        %get3A_354 = tpu.vector_load %arg15[%get3A_352, %get3A_353] {strides = array<i32>} : memref<8x4096xf32, #tpu.memory_space<vmem>>, vector<16xf32>,
        %mul3A_355 = arith.mulf %get3A_354, %get3A_314 : vector<16xf32>
        %add3A_356 = arith.addf %scan3A_305, %mul3A_355 : vector<16xf32>
        %get3A_357 = arith.constant 7 : i32
        %get3A_358 = arith.index_cast %get3A_357 : i32 to index
        %get3A_359 = arith.index_cast %mul3A_312 : i32 to index
        %get3A_360 = tpu.vector_load %arg15[%get3A_358, %get3A_359] {strides = array<i32>} : memref<8x4096xf32, #tpu.memory_space<vmem>>, vector<16xf32>,
        %mul3A_361 = arith.mulf %get3A_360, %get3A_314 : vector<16xf32>
        %add3A_362 = arith.addf %scan3A_306, %mul3A_361 : vector<16xf32>
        %mul3A_363 = arith.constant 4 : i32
        %mul3A_364 = arith.muli %scan3A_298, %mul3A_363 : i32
        %add3A_365 = arith.constant 1 : i32
        %add3A_366 = arith.addi %mul3A_364, %add3A_365 : i32
        %mul3A_367 = arith.constant 16 : i32
        %mul3A_368 = arith.muli %add3A_366, %mul3A_367 : i32
        %get3A_369 = arith.index_cast %mul3A_368 : i32 to index
        %get3A_370 = tpu.vector_load %arg11[%get3A_369] {strides = array<i32>} : memref<4096xf32, #tpu.memory_space<vmem>>, vector<16xf32>,
        %get3A_371 = arith.constant 0 : i32
        %get3A_372 = arith.index_cast %get3A_371 : i32 to index
        %get3A_373 = arith.index_cast %mul3A_368 : i32 to index
        %get3A_374 = tpu.vector_load %arg15[%get3A_372, %get3A_373] {strides = array<i32>} : memref<8x4096xf32, #tpu.memory_space<vmem>>, vector<16xf32>,
        %mul3A_375 = arith.mulf %get3A_374, %get3A_370 : vector<16xf32>
        %add3A_376 = arith.addf %add3A_320, %mul3A_375 : vector<16xf32>
        %get3A_377 = arith.constant 1 : i32
        %get3A_378 = arith.index_cast %get3A_377 : i32 to index
        %get3A_379 = arith.index_cast %mul3A_368 : i32 to index
        %get3A_380 = tpu.vector_load %arg15[%get3A_378, %get3A_379] {strides = array<i32>} : memref<8x4096xf32, #tpu.memory_space<vmem>>, vector<16xf32>,
        %mul3A_381 = arith.mulf %get3A_380, %get3A_370 : vector<16xf32>
        %add3A_382 = arith.addf %add3A_326, %mul3A_381 : vector<16xf32>
        %get3A_383 = arith.constant 2 : i32
        %get3A_384 = arith.index_cast %get3A_383 : i32 to index
        %get3A_385 = arith.index_cast %mul3A_368 : i32 to index
        %get3A_386 = tpu.vector_load %arg15[%get3A_384, %get3A_385] {strides = array<i32>} : memref<8x4096xf32, #tpu.memory_space<vmem>>, vector<16xf32>,
        %mul3A_387 = arith.mulf %get3A_386, %get3A_370 : vector<16xf32>
        %add3A_388 = arith.addf %add3A_332, %mul3A_387 : vector<16xf32>
        %get3A_389 = arith.constant 3 : i32
        %get3A_390 = arith.index_cast %get3A_389 : i32 to index
        %get3A_391 = arith.index_cast %mul3A_368 : i32 to index
        %get3A_392 = tpu.vector_load %arg15[%get3A_390, %get3A_391] {strides = array<i32>} : memref<8x4096xf32, #tpu.memory_space<vmem>>, vector<16xf32>,
        %mul3A_393 = arith.mulf %get3A_392, %get3A_370 : vector<16xf32>
        %add3A_394 = arith.addf %add3A_338, %mul3A_393 : vector<16xf32>
        %get3A_395 = arith.constant 4 : i32
        %get3A_396 = arith.index_cast %get3A_395 : i32 to index
        %get3A_397 = arith.index_cast %mul3A_368 : i32 to index
        %get3A_398 = tpu.vector_load %arg15[%get3A_396, %get3A_397] {strides = array<i32>} : memref<8x4096xf32, #tpu.memory_space<vmem>>, vector<16xf32>,
        %mul3A_399 = arith.mulf %get3A_398, %get3A_370 : vector<16xf32>
        %add3A_400 = arith.addf %add3A_344, %mul3A_399 : vector<16xf32>
        %get3A_401 = arith.constant 5 : i32
        %get3A_402 = arith.index_cast %get3A_401 : i32 to index
        %get3A_403 = arith.index_cast %mul3A_368 : i32 to index
        %get3A_404 = tpu.vector_load %arg15[%get3A_402, %get3A_403] {strides = array<i32>} : memref<8x4096xf32, #tpu.memory_space<vmem>>, vector<16xf32>,
        %mul3A_405 = arith.mulf %get3A_404, %get3A_370 : vector<16xf32>
        %add3A_406 = arith.addf %add3A_350, %mul3A_405 : vector<16xf32>
        %get3A_407 = arith.constant 6 : i32
        %get3A_408 = arith.index_cast %get3A_407 : i32 to index
        %get3A_409 = arith.index_cast %mul3A_368 : i32 to index
        %get3A_410 = tpu.vector_load %arg15[%get3A_408, %get3A_409] {strides = array<i32>} : memref<8x4096xf32, #tpu.memory_space<vmem>>, vector<16xf32>,
        %mul3A_411 = arith.mulf %get3A_410, %get3A_370 : vector<16xf32>
        %add3A_412 = arith.addf %add3A_356, %mul3A_411 : vector<16xf32>
        %get3A_413 = arith.constant 7 : i32
        %get3A_414 = arith.index_cast %get3A_413 : i32 to index
        %get3A_415 = arith.index_cast %mul3A_368 : i32 to index
        %get3A_416 = tpu.vector_load %arg15[%get3A_414, %get3A_415] {strides = array<i32>} : memref<8x4096xf32, #tpu.memory_space<vmem>>, vector<16xf32>,
        %mul3A_417 = arith.mulf %get3A_416, %get3A_370 : vector<16xf32>
        %add3A_418 = arith.addf %add3A_362, %mul3A_417 : vector<16xf32>
        %mul3A_419 = arith.constant 4 : i32
        %mul3A_420 = arith.muli %scan3A_298, %mul3A_419 : i32
        %add3A_421 = arith.constant 2 : i32
        %add3A_422 = arith.addi %mul3A_420, %add3A_421 : i32
        %mul3A_423 = arith.constant 16 : i32
        %mul3A_424 = arith.muli %add3A_422, %mul3A_423 : i32
        %get3A_425 = arith.index_cast %mul3A_424 : i32 to index
        %get3A_426 = tpu.vector_load %arg11[%get3A_425] {strides = array<i32>} : memref<4096xf32, #tpu.memory_space<vmem>>, vector<16xf32>,
        %get3A_427 = arith.constant 0 : i32
        %get3A_428 = arith.index_cast %get3A_427 : i32 to index
        %get3A_429 = arith.index_cast %mul3A_424 : i32 to index
        %get3A_430 = tpu.vector_load %arg15[%get3A_428, %get3A_429] {strides = array<i32>} : memref<8x4096xf32, #tpu.memory_space<vmem>>, vector<16xf32>,
        %mul3A_431 = arith.mulf %get3A_430, %get3A_426 : vector<16xf32>
        %add3A_432 = arith.addf %add3A_376, %mul3A_431 : vector<16xf32>
        %get3A_433 = arith.constant 1 : i32
        %get3A_434 = arith.index_cast %get3A_433 : i32 to index
        %get3A_435 = arith.index_cast %mul3A_424 : i32 to index
        %get3A_436 = tpu.vector_load %arg15[%get3A_434, %get3A_435] {strides = array<i32>} : memref<8x4096xf32, #tpu.memory_space<vmem>>, vector<16xf32>,
        %mul3A_437 = arith.mulf %get3A_436, %get3A_426 : vector<16xf32>
        %add3A_438 = arith.addf %add3A_382, %mul3A_437 : vector<16xf32>
        %get3A_439 = arith.constant 2 : i32
        %get3A_440 = arith.index_cast %get3A_439 : i32 to index
        %get3A_441 = arith.index_cast %mul3A_424 : i32 to index
        %get3A_442 = tpu.vector_load %arg15[%get3A_440, %get3A_441] {strides = array<i32>} : memref<8x4096xf32, #tpu.memory_space<vmem>>, vector<16xf32>,
        %mul3A_443 = arith.mulf %get3A_442, %get3A_426 : vector<16xf32>
        %add3A_444 = arith.addf %add3A_388, %mul3A_443 : vector<16xf32>
        %get3A_445 = arith.constant 3 : i32
        %get3A_446 = arith.index_cast %get3A_445 : i32 to index
        %get3A_447 = arith.index_cast %mul3A_424 : i32 to index
        %get3A_448 = tpu.vector_load %arg15[%get3A_446, %get3A_447] {strides = array<i32>} : memref<8x4096xf32, #tpu.memory_space<vmem>>, vector<16xf32>,
        %mul3A_449 = arith.mulf %get3A_448, %get3A_426 : vector<16xf32>
        %add3A_450 = arith.addf %add3A_394, %mul3A_449 : vector<16xf32>
        %get3A_451 = arith.constant 4 : i32
        %get3A_452 = arith.index_cast %get3A_451 : i32 to index
        %get3A_453 = arith.index_cast %mul3A_424 : i32 to index
        %get3A_454 = tpu.vector_load %arg15[%get3A_452, %get3A_453] {strides = array<i32>} : memref<8x4096xf32, #tpu.memory_space<vmem>>, vector<16xf32>,
        %mul3A_455 = arith.mulf %get3A_454, %get3A_426 : vector<16xf32>
        %add3A_456 = arith.addf %add3A_400, %mul3A_455 : vector<16xf32>
        %get3A_457 = arith.constant 5 : i32
        %get3A_458 = arith.index_cast %get3A_457 : i32 to index
        %get3A_459 = arith.index_cast %mul3A_424 : i32 to index
        %get3A_460 = tpu.vector_load %arg15[%get3A_458, %get3A_459] {strides = array<i32>} : memref<8x4096xf32, #tpu.memory_space<vmem>>, vector<16xf32>,
        %mul3A_461 = arith.mulf %get3A_460, %get3A_426 : vector<16xf32>
        %add3A_462 = arith.addf %add3A_406, %mul3A_461 : vector<16xf32>
        %get3A_463 = arith.constant 6 : i32
        %get3A_464 = arith.index_cast %get3A_463 : i32 to index
        %get3A_465 = arith.index_cast %mul3A_424 : i32 to index
        %get3A_466 = tpu.vector_load %arg15[%get3A_464, %get3A_465] {strides = array<i32>} : memref<8x4096xf32, #tpu.memory_space<vmem>>, vector<16xf32>,
        %mul3A_467 = arith.mulf %get3A_466, %get3A_426 : vector<16xf32>
        %add3A_468 = arith.addf %add3A_412, %mul3A_467 : vector<16xf32>
        %get3A_469 = arith.constant 7 : i32
        %get3A_470 = arith.index_cast %get3A_469 : i32 to index
        %get3A_471 = arith.index_cast %mul3A_424 : i32 to index
        %get3A_472 = tpu.vector_load %arg15[%get3A_470, %get3A_471] {strides = array<i32>} : memref<8x4096xf32, #tpu.memory_space<vmem>>, vector<16xf32>,
        %mul3A_473 = arith.mulf %get3A_472, %get3A_426 : vector<16xf32>
        %add3A_474 = arith.addf %add3A_418, %mul3A_473 : vector<16xf32>
        %mul3A_475 = arith.constant 4 : i32
        %mul3A_476 = arith.muli %scan3A_298, %mul3A_475 : i32
        %add3A_477 = arith.constant 3 : i32
        %add3A_478 = arith.addi %mul3A_476, %add3A_477 : i32
        %mul3A_479 = arith.constant 16 : i32
        %mul3A_480 = arith.muli %add3A_478, %mul3A_479 : i32
        %get3A_481 = arith.index_cast %mul3A_480 : i32 to index
        %get3A_482 = tpu.vector_load %arg11[%get3A_481] {strides = array<i32>} : memref<4096xf32, #tpu.memory_space<vmem>>, vector<16xf32>,
        %get3A_483 = arith.constant 0 : i32
        %get3A_484 = arith.index_cast %get3A_483 : i32 to index
        %get3A_485 = arith.index_cast %mul3A_480 : i32 to index
        %get3A_486 = tpu.vector_load %arg15[%get3A_484, %get3A_485] {strides = array<i32>} : memref<8x4096xf32, #tpu.memory_space<vmem>>, vector<16xf32>,
        %mul3A_487 = arith.mulf %get3A_486, %get3A_482 : vector<16xf32>
        %add3A_488 = arith.addf %add3A_432, %mul3A_487 : vector<16xf32>
        %get3A_489 = arith.constant 1 : i32
        %get3A_490 = arith.index_cast %get3A_489 : i32 to index
        %get3A_491 = arith.index_cast %mul3A_480 : i32 to index
        %get3A_492 = tpu.vector_load %arg15[%get3A_490, %get3A_491] {strides = array<i32>} : memref<8x4096xf32, #tpu.memory_space<vmem>>, vector<16xf32>,
        %mul3A_493 = arith.mulf %get3A_492, %get3A_482 : vector<16xf32>
        %add3A_494 = arith.addf %add3A_438, %mul3A_493 : vector<16xf32>
        %get3A_495 = arith.constant 2 : i32
        %get3A_496 = arith.index_cast %get3A_495 : i32 to index
        %get3A_497 = arith.index_cast %mul3A_480 : i32 to index
        %get3A_498 = tpu.vector_load %arg15[%get3A_496, %get3A_497] {strides = array<i32>} : memref<8x4096xf32, #tpu.memory_space<vmem>>, vector<16xf32>,
        %mul3A_499 = arith.mulf %get3A_498, %get3A_482 : vector<16xf32>
        %add3A_500 = arith.addf %add3A_444, %mul3A_499 : vector<16xf32>
        %get3A_501 = arith.constant 3 : i32
        %get3A_502 = arith.index_cast %get3A_501 : i32 to index
        %get3A_503 = arith.index_cast %mul3A_480 : i32 to index
        %get3A_504 = tpu.vector_load %arg15[%get3A_502, %get3A_503] {strides = array<i32>} : memref<8x4096xf32, #tpu.memory_space<vmem>>, vector<16xf32>,
        %mul3A_505 = arith.mulf %get3A_504, %get3A_482 : vector<16xf32>
        %add3A_506 = arith.addf %add3A_450, %mul3A_505 : vector<16xf32>
        %get3A_507 = arith.constant 4 : i32
        %get3A_508 = arith.index_cast %get3A_507 : i32 to index
        %get3A_509 = arith.index_cast %mul3A_480 : i32 to index
        %get3A_510 = tpu.vector_load %arg15[%get3A_508, %get3A_509] {strides = array<i32>} : memref<8x4096xf32, #tpu.memory_space<vmem>>, vector<16xf32>,
        %mul3A_511 = arith.mulf %get3A_510, %get3A_482 : vector<16xf32>
        %add3A_512 = arith.addf %add3A_456, %mul3A_511 : vector<16xf32>
        %get3A_513 = arith.constant 5 : i32
        %get3A_514 = arith.index_cast %get3A_513 : i32 to index
        %get3A_515 = arith.index_cast %mul3A_480 : i32 to index
        %get3A_516 = tpu.vector_load %arg15[%get3A_514, %get3A_515] {strides = array<i32>} : memref<8x4096xf32, #tpu.memory_space<vmem>>, vector<16xf32>,
        %mul3A_517 = arith.mulf %get3A_516, %get3A_482 : vector<16xf32>
        %add3A_518 = arith.addf %add3A_462, %mul3A_517 : vector<16xf32>
        %get3A_519 = arith.constant 6 : i32
        %get3A_520 = arith.index_cast %get3A_519 : i32 to index
        %get3A_521 = arith.index_cast %mul3A_480 : i32 to index
        %get3A_522 = tpu.vector_load %arg15[%get3A_520, %get3A_521] {strides = array<i32>} : memref<8x4096xf32, #tpu.memory_space<vmem>>, vector<16xf32>,
        %mul3A_523 = arith.mulf %get3A_522, %get3A_482 : vector<16xf32>
        %add3A_524 = arith.addf %add3A_468, %mul3A_523 : vector<16xf32>
        %get3A_525 = arith.constant 7 : i32
        %get3A_526 = arith.index_cast %get3A_525 : i32 to index
        %get3A_527 = arith.index_cast %mul3A_480 : i32 to index
        %get3A_528 = tpu.vector_load %arg15[%get3A_526, %get3A_527] {strides = array<i32>} : memref<8x4096xf32, #tpu.memory_space<vmem>>, vector<16xf32>,
        %mul3A_529 = arith.mulf %get3A_528, %get3A_482 : vector<16xf32>
        %add3A_530 = arith.addf %add3A_474, %mul3A_529 : vector<16xf32>
        scf.yield %add3A_488, %add3A_494, %add3A_500, %add3A_506, %add3A_512, %add3A_518, %add3A_524, %add3A_530 : vector<16xf32>, vector<16xf32>, vector<16xf32>, vector<16xf32>, vector<16xf32>, vector<16xf32>, vector<16xf32>, vector<16xf32>
      }
      %scan3A_189 = arith.constant 64 : i32
      %swap3A_190 = arith.constant 0 : i32
      %swap3A_191 = arith.index_cast %swap3A_190 : i32 to index
      %swap3A_192 = arith.constant 0 : index
      %swap3A_193 = tpu.vector_load %arg18[%swap3A_191, %swap3A_192] {strides = array<i32>} : memref<8x16xf32, #tpu.memory_space<vmem>>, vector<16xf32>,
      tpu.vector_store %arg18[%swap3A_191, %swap3A_192], %scan3A_188#0 {strides = array<i32>} : memref<8x16xf32, #tpu.memory_space<vmem>>, vector<16xf32>,
      %swap3A_194 = arith.constant 1 : i32
      %swap3A_195 = arith.index_cast %swap3A_194 : i32 to index
      %swap3A_196 = arith.constant 0 : index
      %swap3A_197 = tpu.vector_load %arg18[%swap3A_195, %swap3A_196] {strides = array<i32>} : memref<8x16xf32, #tpu.memory_space<vmem>>, vector<16xf32>,
      tpu.vector_store %arg18[%swap3A_195, %swap3A_196], %scan3A_188#1 {strides = array<i32>} : memref<8x16xf32, #tpu.memory_space<vmem>>, vector<16xf32>,
      %swap3A_198 = arith.constant 2 : i32
      %swap3A_199 = arith.index_cast %swap3A_198 : i32 to index
      %swap3A_200 = arith.constant 0 : index
      %swap3A_201 = tpu.vector_load %arg18[%swap3A_199, %swap3A_200] {strides = array<i32>} : memref<8x16xf32, #tpu.memory_space<vmem>>, vector<16xf32>,
      tpu.vector_store %arg18[%swap3A_199, %swap3A_200], %scan3A_188#2 {strides = array<i32>} : memref<8x16xf32, #tpu.memory_space<vmem>>, vector<16xf32>,
      %swap3A_202 = arith.constant 3 : i32
      %swap3A_203 = arith.index_cast %swap3A_202 : i32 to index
      %swap3A_204 = arith.constant 0 : index
      %swap3A_205 = tpu.vector_load %arg18[%swap3A_203, %swap3A_204] {strides = array<i32>} : memref<8x16xf32, #tpu.memory_space<vmem>>, vector<16xf32>,
      tpu.vector_store %arg18[%swap3A_203, %swap3A_204], %scan3A_188#3 {strides = array<i32>} : memref<8x16xf32, #tpu.memory_space<vmem>>, vector<16xf32>,
      %swap3A_206 = arith.constant 4 : i32
      %swap3A_207 = arith.index_cast %swap3A_206 : i32 to index
      %swap3A_208 = arith.constant 0 : index
      %swap3A_209 = tpu.vector_load %arg18[%swap3A_207, %swap3A_208] {strides = array<i32>} : memref<8x16xf32, #tpu.memory_space<vmem>>, vector<16xf32>,
      tpu.vector_store %arg18[%swap3A_207, %swap3A_208], %scan3A_188#4 {strides = array<i32>} : memref<8x16xf32, #tpu.memory_space<vmem>>, vector<16xf32>,
      %swap3A_210 = arith.constant 5 : i32
      %swap3A_211 = arith.index_cast %swap3A_210 : i32 to index
      %swap3A_212 = arith.constant 0 : index
      %swap3A_213 = tpu.vector_load %arg18[%swap3A_211, %swap3A_212] {strides = array<i32>} : memref<8x16xf32, #tpu.memory_space<vmem>>, vector<16xf32>,
      tpu.vector_store %arg18[%swap3A_211, %swap3A_212], %scan3A_188#5 {strides = array<i32>} : memref<8x16xf32, #tpu.memory_space<vmem>>, vector<16xf32>,
      %swap3A_214 = arith.constant 6 : i32
      %swap3A_215 = arith.index_cast %swap3A_214 : i32 to index
      %swap3A_216 = arith.constant 0 : index
      %swap3A_217 = tpu.vector_load %arg18[%swap3A_215, %swap3A_216] {strides = array<i32>} : memref<8x16xf32, #tpu.memory_space<vmem>>, vector<16xf32>,
      tpu.vector_store %arg18[%swap3A_215, %swap3A_216], %scan3A_188#6 {strides = array<i32>} : memref<8x16xf32, #tpu.memory_space<vmem>>, vector<16xf32>,
      %swap3A_218 = arith.constant 7 : i32
      %swap3A_219 = arith.index_cast %swap3A_218 : i32 to index
      %swap3A_220 = arith.constant 0 : index
      %swap3A_221 = tpu.vector_load %arg18[%swap3A_219, %swap3A_220] {strides = array<i32>} : memref<8x16xf32, #tpu.memory_space<vmem>>, vector<16xf32>,
      tpu.vector_store %arg18[%swap3A_219, %swap3A_220], %scan3A_188#7 {strides = array<i32>} : memref<8x16xf32, #tpu.memory_space<vmem>>, vector<16xf32>,
      %iota3A_222 = tpu.iota {dimensions = array<i32: 0>} : vector<16xi32>
      %and3A_223 = arith.constant 7 : i32
      %and3A_224 = vector.broadcast %and3A_223 : i32 to vector<16xi32>
      %and3A_225 = arith.andi %iota3A_222, %and3A_224 : vector<16xi32>
      %broadcast_in_dim3A_226 = arith.constant 0 : i32
      %broadcast_in_dim3A_227 = vector.broadcast %broadcast_in_dim3A_226 : i32 to vector<16xi32>
      %gather3A_228 = tpu.vector_load_idx %arg18[%and3A_225, %broadcast_in_dim3A_227] : memref<8x16xf32, #tpu.memory_space<vmem>>[vector<16xi32>, vector<16xi32>], vector<16xf32>,
      %add3A_229 = arith.addf %broadcast_in_dim3A_183, %gather3A_228 : vector<16xf32>
      %broadcast_in_dim3A_230 = arith.constant 1 : i32
      %broadcast_in_dim3A_231 = vector.broadcast %broadcast_in_dim3A_230 : i32 to vector<16xi32>
      %gather3A_232 = tpu.vector_load_idx %arg18[%and3A_225, %broadcast_in_dim3A_231] : memref<8x16xf32, #tpu.memory_space<vmem>>[vector<16xi32>, vector<16xi32>], vector<16xf32>,
      %add3A_233 = arith.addf %add3A_229, %gather3A_232 : vector<16xf32>
      %broadcast_in_dim3A_234 = arith.constant 2 : i32
      %broadcast_in_dim3A_235 = vector.broadcast %broadcast_in_dim3A_234 : i32 to vector<16xi32>
      %gather3A_236 = tpu.vector_load_idx %arg18[%and3A_225, %broadcast_in_dim3A_235] : memref<8x16xf32, #tpu.memory_space<vmem>>[vector<16xi32>, vector<16xi32>], vector<16xf32>,
      %add3A_237 = arith.addf %add3A_233, %gather3A_236 : vector<16xf32>
      %broadcast_in_dim3A_238 = arith.constant 3 : i32
      %broadcast_in_dim3A_239 = vector.broadcast %broadcast_in_dim3A_238 : i32 to vector<16xi32>
      %gather3A_240 = tpu.vector_load_idx %arg18[%and3A_225, %broadcast_in_dim3A_239] : memref<8x16xf32, #tpu.memory_space<vmem>>[vector<16xi32>, vector<16xi32>], vector<16xf32>,
      %add3A_241 = arith.addf %add3A_237, %gather3A_240 : vector<16xf32>
      %broadcast_in_dim3A_242 = arith.constant 4 : i32
      %broadcast_in_dim3A_243 = vector.broadcast %broadcast_in_dim3A_242 : i32 to vector<16xi32>
      %gather3A_244 = tpu.vector_load_idx %arg18[%and3A_225, %broadcast_in_dim3A_243] : memref<8x16xf32, #tpu.memory_space<vmem>>[vector<16xi32>, vector<16xi32>], vector<16xf32>,
      %add3A_245 = arith.addf %add3A_241, %gather3A_244 : vector<16xf32>
      %broadcast_in_dim3A_246 = arith.constant 5 : i32
      %broadcast_in_dim3A_247 = vector.broadcast %broadcast_in_dim3A_246 : i32 to vector<16xi32>
      %gather3A_248 = tpu.vector_load_idx %arg18[%and3A_225, %broadcast_in_dim3A_247] : memref<8x16xf32, #tpu.memory_space<vmem>>[vector<16xi32>, vector<16xi32>], vector<16xf32>,
      %add3A_249 = arith.addf %add3A_245, %gather3A_248 : vector<16xf32>
      %broadcast_in_dim3A_250 = arith.constant 6 : i32
      %broadcast_in_dim3A_251 = vector.broadcast %broadcast_in_dim3A_250 : i32 to vector<16xi32>
      %gather3A_252 = tpu.vector_load_idx %arg18[%and3A_225, %broadcast_in_dim3A_251] : memref<8x16xf32, #tpu.memory_space<vmem>>[vector<16xi32>, vector<16xi32>], vector<16xf32>,
      %add3A_253 = arith.addf %add3A_249, %gather3A_252 : vector<16xf32>
      %broadcast_in_dim3A_254 = arith.constant 7 : i32
      %broadcast_in_dim3A_255 = vector.broadcast %broadcast_in_dim3A_254 : i32 to vector<16xi32>
      %gather3A_256 = tpu.vector_load_idx %arg18[%and3A_225, %broadcast_in_dim3A_255] : memref<8x16xf32, #tpu.memory_space<vmem>>[vector<16xi32>, vector<16xi32>], vector<16xf32>,
      %add3A_257 = arith.addf %add3A_253, %gather3A_256 : vector<16xf32>
      %broadcast_in_dim3A_258 = arith.constant 8 : i32
      %broadcast_in_dim3A_259 = vector.broadcast %broadcast_in_dim3A_258 : i32 to vector<16xi32>
      %gather3A_260 = tpu.vector_load_idx %arg18[%and3A_225, %broadcast_in_dim3A_259] : memref<8x16xf32, #tpu.memory_space<vmem>>[vector<16xi32>, vector<16xi32>], vector<16xf32>,
      %add3A_261 = arith.addf %add3A_257, %gather3A_260 : vector<16xf32>
      %broadcast_in_dim3A_262 = arith.constant 9 : i32
      %broadcast_in_dim3A_263 = vector.broadcast %broadcast_in_dim3A_262 : i32 to vector<16xi32>
      %gather3A_264 = tpu.vector_load_idx %arg18[%and3A_225, %broadcast_in_dim3A_263] : memref<8x16xf32, #tpu.memory_space<vmem>>[vector<16xi32>, vector<16xi32>], vector<16xf32>,
      %add3A_265 = arith.addf %add3A_261, %gather3A_264 : vector<16xf32>
      %broadcast_in_dim3A_266 = arith.constant 10 : i32
      %broadcast_in_dim3A_267 = vector.broadcast %broadcast_in_dim3A_266 : i32 to vector<16xi32>
      %gather3A_268 = tpu.vector_load_idx %arg18[%and3A_225, %broadcast_in_dim3A_267] : memref<8x16xf32, #tpu.memory_space<vmem>>[vector<16xi32>, vector<16xi32>], vector<16xf32>,
      %add3A_269 = arith.addf %add3A_265, %gather3A_268 : vector<16xf32>
      %broadcast_in_dim3A_270 = arith.constant 11 : i32
      %broadcast_in_dim3A_271 = vector.broadcast %broadcast_in_dim3A_270 : i32 to vector<16xi32>
      %gather3A_272 = tpu.vector_load_idx %arg18[%and3A_225, %broadcast_in_dim3A_271] : memref<8x16xf32, #tpu.memory_space<vmem>>[vector<16xi32>, vector<16xi32>], vector<16xf32>,
      %add3A_273 = arith.addf %add3A_269, %gather3A_272 : vector<16xf32>
      %broadcast_in_dim3A_274 = arith.constant 12 : i32
      %broadcast_in_dim3A_275 = vector.broadcast %broadcast_in_dim3A_274 : i32 to vector<16xi32>
      %gather3A_276 = tpu.vector_load_idx %arg18[%and3A_225, %broadcast_in_dim3A_275] : memref<8x16xf32, #tpu.memory_space<vmem>>[vector<16xi32>, vector<16xi32>], vector<16xf32>,
      %add3A_277 = arith.addf %add3A_273, %gather3A_276 : vector<16xf32>
      %broadcast_in_dim3A_278 = arith.constant 13 : i32
      %broadcast_in_dim3A_279 = vector.broadcast %broadcast_in_dim3A_278 : i32 to vector<16xi32>
      %gather3A_280 = tpu.vector_load_idx %arg18[%and3A_225, %broadcast_in_dim3A_279] : memref<8x16xf32, #tpu.memory_space<vmem>>[vector<16xi32>, vector<16xi32>], vector<16xf32>,
      %add3A_281 = arith.addf %add3A_277, %gather3A_280 : vector<16xf32>
      %broadcast_in_dim3A_282 = arith.constant 14 : i32
      %broadcast_in_dim3A_283 = vector.broadcast %broadcast_in_dim3A_282 : i32 to vector<16xi32>
      %gather3A_284 = tpu.vector_load_idx %arg18[%and3A_225, %broadcast_in_dim3A_283] : memref<8x16xf32, #tpu.memory_space<vmem>>[vector<16xi32>, vector<16xi32>], vector<16xf32>,
      %add3A_285 = arith.addf %add3A_281, %gather3A_284 : vector<16xf32>
      %broadcast_in_dim3A_286 = arith.constant 15 : i32
      %broadcast_in_dim3A_287 = vector.broadcast %broadcast_in_dim3A_286 : i32 to vector<16xi32>
      %gather3A_288 = tpu.vector_load_idx %arg18[%and3A_225, %broadcast_in_dim3A_287] : memref<8x16xf32, #tpu.memory_space<vmem>>[vector<16xi32>, vector<16xi32>], vector<16xf32>,
      %add3A_289 = arith.addf %add3A_285, %gather3A_288 : vector<16xf32>
      %mul3A_290 = arith.constant 8 : i32
      %mul3A_291 = arith.muli %add3A_181, %mul3A_290 : i32
      %add3A_292 = vector.broadcast %mul3A_291 : i32 to vector<16xi32>
      %add3A_293 = arith.addi %add3A_292, %and3A_225 : vector<16xi32>
      %lt3A_294 = arith.constant 8 : i32
      %lt3A_295 = vector.broadcast %lt3A_294 : i32 to vector<16xi32>
      %lt3A_296 = arith.cmpi slt, %iota3A_222, %lt3A_295 : vector<16xi32>
      tpu.vector_store_idx %arg17[%add3A_293], %add3A_289 masked %lt3A_296 : memref<48xf32, #tpu.memory_space<vmem>>[vector<16xi32>], vector<16xf32>, vector<16xi1>
      %scan3A_297 = arith.constant 0 : i32
      scf.yield %scan3A_297 : i32
    }
    %scan3A_41 = arith.constant 3 : i32
    %mul3A_42 = arith.constant 128 : i32
    %mul3A_43 = arith.muli %add3A, %mul3A_42 : i32
    "tpu.region"() ({
      %run_scoped3A = tpu.sem_alloc : memref<!tpu.dma_semaphore, #tpu.memory_space<semaphore_mem>>
      %dma_start3A_46 = tpu.memref_slice %arg9[%mul3A_43] : memref<4096xf32, #tpu.memory_space<hbm>> -> memref<128xf32, #tpu.memory_space<hbm>>
      %dma_start3A_47 = tpu.memref_slice %arg9[%mul3A_43] : memref<4096xf32, #tpu.memory_space<hbm>> -> memref<128xf32, #tpu.memory_space<hbm>>
      tpu.enqueue_dma source(%arg16 : memref<128xf32, #tpu.memory_space<vmem>>) target(%dma_start3A_47 : memref<128xf32, #tpu.memory_space<hbm>>) target_semaphore(%run_scoped3A : memref<!tpu.dma_semaphore, #tpu.memory_space<semaphore_mem>>)
      %dma_wait3A = tpu.memref_slice %arg9[%mul3A_43] : memref<4096xf32, #tpu.memory_space<hbm>> -> memref<128xf32, #tpu.memory_space<hbm>>
      %dma_wait3A_48 = tpu.memref_slice %arg9[%mul3A_43] : memref<4096xf32, #tpu.memory_space<hbm>> -> memref<128xf32, #tpu.memory_space<hbm>>
      tpu.wait_dma2 semaphore(%run_scoped3A : memref<!tpu.dma_semaphore, #tpu.memory_space<semaphore_mem>>) src(%arg16 : memref<128xf32, #tpu.memory_space<vmem>>) dst(%dma_wait3A_48 : memref<128xf32, #tpu.memory_space<hbm>>)
      tpu.yield
    }) : () -> ()
    %mul3A_44 = arith.constant 48 : i32
    %mul3A_45 = arith.muli %add3A, %mul3A_44 : i32
    "tpu.region"() ({
      %run_scoped3A = tpu.sem_alloc : memref<!tpu.dma_semaphore, #tpu.memory_space<semaphore_mem>>
      %dma_start3A_46 = tpu.memref_slice %arg10[%mul3A_45] : memref<1536xf32, #tpu.memory_space<hbm>> -> memref<48xf32, #tpu.memory_space<hbm>>
      %dma_start3A_47 = tpu.memref_slice %arg10[%mul3A_45] : memref<1536xf32, #tpu.memory_space<hbm>> -> memref<48xf32, #tpu.memory_space<hbm>>
      tpu.enqueue_dma source(%arg17 : memref<48xf32, #tpu.memory_space<vmem>>) target(%dma_start3A_47 : memref<48xf32, #tpu.memory_space<hbm>>) target_semaphore(%run_scoped3A : memref<!tpu.dma_semaphore, #tpu.memory_space<semaphore_mem>>)
      %dma_wait3A = tpu.memref_slice %arg10[%mul3A_45] : memref<1536xf32, #tpu.memory_space<hbm>> -> memref<48xf32, #tpu.memory_space<hbm>>
      %dma_wait3A_48 = tpu.memref_slice %arg10[%mul3A_45] : memref<1536xf32, #tpu.memory_space<hbm>> -> memref<48xf32, #tpu.memory_space<hbm>>
      tpu.wait_dma2 semaphore(%run_scoped3A : memref<!tpu.dma_semaphore, #tpu.memory_space<semaphore_mem>>) src(%arg17 : memref<48xf32, #tpu.memory_space<vmem>>) dst(%dma_wait3A_48 : memref<48xf32, #tpu.memory_space<hbm>>)
      tpu.yield
    }) : () -> ()
    return
  }
}

module attributes {stable_mosaic.version = 14 : i64} {
  func.func @_tc3_kernel(%arg0: memref<1xf32, #tpu.memory_space<smem>>, %arg1: memref<9xf32, #tpu.memory_space<smem>>, %arg2: memref<32x128xf32, #tpu.memory_space<vmem>>, %arg3: memref<32x128xf32, #tpu.memory_space<vmem>>, %arg4: memref<12x128xf32, #tpu.memory_space<vmem>>, %arg5: memref<12x128xf32, #tpu.memory_space<vmem>>, %arg6: memref<12x128xf32, #tpu.memory_space<vmem>>, %arg7: memref<32x128xf32, #tpu.memory_space<vmem>>, %arg8: memref<32x128xf32, #tpu.memory_space<vmem>>, %arg9: memref<32x128xf32, #tpu.memory_space<vmem>>, %arg10: memref<32x128xf32, #tpu.memory_space<vmem>>, %arg11: memref<32x128xf32, #tpu.memory_space<vmem>>, %arg12: memref<32x128xf32, #tpu.memory_space<vmem>>, %arg13: memref<32x128xf32, #tpu.memory_space<vmem>>, %arg14: memref<32x128xf32, #tpu.memory_space<vmem>>, %arg15: memref<4xf32, #tpu.memory_space<smem>>) attributes {dimension_semantics = [], scalar_prefetch = 0 : i64, scratch_operands = 0 : i64, tpu.core_type = #tpu.core_type<tc>} {
    %get3A = arith.constant 0 : index
    %get3A_0 = memref.load %arg0[%get3A] : memref<1xf32, #tpu.memory_space<smem>>
    %get3A_1 = arith.constant 0 : index
    %get3A_2 = arith.constant 0 : index
    %get3A_3 = vector.load %arg8[%get3A_1, %get3A_2] : memref<32x128xf32, #tpu.memory_space<vmem>>, vector<32x128xf32>
    %get3A_4 = arith.constant 0 : index
    %get3A_5 = arith.constant 0 : index
    %get3A_6 = vector.load %arg9[%get3A_4, %get3A_5] : memref<32x128xf32, #tpu.memory_space<vmem>>, vector<32x128xf32>
    %div3A = arith.divf %get3A_3, %get3A_6 : vector<32x128xf32>
    %mul3A = vector.broadcast %get3A_0 : f32 to vector<32x128xf32>
    %mul3A_7 = arith.mulf %div3A, %mul3A : vector<32x128xf32>
    %get3A_8 = arith.constant 0 : index
    %get3A_9 = arith.constant 0 : index
    %get3A_10 = vector.load %arg2[%get3A_8, %get3A_9] : memref<32x128xf32, #tpu.memory_space<vmem>>, vector<32x128xf32>
    %get3A_11 = arith.constant 0 : index
    %get3A_12 = arith.constant 0 : index
    %get3A_13 = vector.load %arg3[%get3A_11, %get3A_12] : memref<32x128xf32, #tpu.memory_space<vmem>>, vector<32x128xf32>
    %get3A_14 = arith.constant 0 : index
    %get3A_15 = arith.constant 0 : index
    %get3A_16 = vector.load %arg7[%get3A_14, %get3A_15] : memref<32x128xf32, #tpu.memory_space<vmem>>, vector<32x128xf32>
    %sub3A = arith.subf %get3A_16, %get3A_13 : vector<32x128xf32>
    %add3A = arith.addf %sub3A, %get3A_10 : vector<32x128xf32>
    %max3A = arith.constant 0.000000e+00 : f32
    %max3A_17 = vector.broadcast %max3A : f32 to vector<32x128xf32>
    %max3A_18 = arith.maximumf %add3A, %max3A_17 : vector<32x128xf32>
    %neg3A = arith.constant 0.000000e+00 : f32
    %neg3A_19 = vector.broadcast %neg3A : f32 to vector<32x128xf32>
    %neg3A_20 = arith.subf %neg3A_19, %add3A : vector<32x128xf32>
    %max3A_21 = arith.constant 0.000000e+00 : f32
    %max3A_22 = vector.broadcast %max3A_21 : f32 to vector<32x128xf32>
    %max3A_23 = arith.maximumf %neg3A_20, %max3A_22 : vector<32x128xf32>
    %get3A_24 = arith.constant 0 : index
    %get3A_25 = arith.constant 0 : index
    %get3A_26 = vector.load %arg11[%get3A_24, %get3A_25] : memref<32x128xf32, #tpu.memory_space<vmem>>, vector<32x128xf32>
    %get3A_27 = arith.constant 0 : index
    %get3A_28 = arith.constant 0 : index
    %get3A_29 = vector.load %arg12[%get3A_27, %get3A_28] : memref<32x128xf32, #tpu.memory_space<vmem>>, vector<32x128xf32>
    %mul3A_30 = arith.mulf %max3A_18, %get3A_26 : vector<32x128xf32>
    %sub3A_31 = arith.subf %add3A, %mul3A_30 : vector<32x128xf32>
    %mul3A_32 = arith.mulf %max3A_23, %get3A_29 : vector<32x128xf32>
    %add3A_33 = arith.addf %sub3A_31, %mul3A_32 : vector<32x128xf32>
    %neg3A_34 = arith.constant 0.000000e+00 : f32
    %neg3A_35 = vector.broadcast %neg3A_34 : f32 to vector<32x128xf32>
    %neg3A_36 = arith.subf %neg3A_35, %mul3A_7 : vector<32x128xf32>
    %max3A_37 = arith.constant 0.000000e+00 : f32
    %max3A_38 = vector.broadcast %max3A_37 : f32 to vector<32x128xf32>
    %max3A_39 = arith.maximumf %neg3A_36, %max3A_38 : vector<32x128xf32>
    %get3A_40 = arith.constant 0 : index
    %get3A_41 = arith.constant 0 : index
    %get3A_42 = vector.load %arg10[%get3A_40, %get3A_41] : memref<32x128xf32, #tpu.memory_space<vmem>>, vector<32x128xf32>
    %mul3A_43 = arith.mulf %max3A_39, %get3A_42 : vector<32x128xf32>
    %mul3A_44 = arith.mulf %max3A_18, %get3A_26 : vector<32x128xf32>
    %mul3A_45 = arith.mulf %max3A_23, %get3A_29 : vector<32x128xf32>
    %sub3A_46 = arith.subf %mul3A_44, %mul3A_45 : vector<32x128xf32>
    %gt3A = arith.constant 0.000000e+00 : f32
    %gt3A_47 = vector.broadcast %gt3A : f32 to vector<32x128xf32>
    %gt3A_48 = arith.cmpf ogt, %sub3A_46, %gt3A_47 : vector<32x128xf32>
    %get3A_49 = arith.constant 0 : index
    %get3A_50 = arith.constant 0 : index
    %get3A_51 = vector.load %arg13[%get3A_49, %get3A_50] : memref<32x128xf32, #tpu.memory_space<vmem>>, vector<32x128xf32>
    %get3A_52 = arith.constant 0 : index
    %get3A_53 = arith.constant 0 : index
    %get3A_54 = vector.load %arg14[%get3A_52, %get3A_53] : memref<32x128xf32, #tpu.memory_space<vmem>>, vector<32x128xf32>
    %select_n3A = arith.select %gt3A_48, %get3A_51, %get3A_54 : vector<32x128xi1>, vector<32x128xf32>
    %get3A_55 = arith.constant 0 : index
    %get3A_56 = arith.constant 0 : index
    %get3A_57 = vector.load %arg5[%get3A_55, %get3A_56] : memref<12x128xf32, #tpu.memory_space<vmem>>, vector<12x128xf32>
    %get3A_58 = arith.constant 0 : index
    %get3A_59 = arith.constant 0 : index
    %get3A_60 = vector.load %arg4[%get3A_58, %get3A_59] : memref<12x128xf32, #tpu.memory_space<vmem>>, vector<12x128xf32>
    %sub3A_61 = arith.subf %get3A_57, %get3A_60 : vector<12x128xf32>
    %neg3A_62 = arith.constant 0.000000e+00 : f32
    %neg3A_63 = vector.broadcast %neg3A_62 : f32 to vector<12x128xf32>
    %neg3A_64 = arith.subf %neg3A_63, %sub3A_61 : vector<12x128xf32>
    %max3A_65 = arith.constant 0.000000e+00 : f32
    %max3A_66 = vector.broadcast %max3A_65 : f32 to vector<12x128xf32>
    %max3A_67 = arith.maximumf %neg3A_64, %max3A_66 : vector<12x128xf32>
    %get3A_68 = arith.constant 0 : index
    %get3A_69 = arith.constant 0 : index
    %get3A_70 = vector.load %arg6[%get3A_68, %get3A_69] : memref<12x128xf32, #tpu.memory_space<vmem>>, vector<12x128xf32>
    %mul3A_71 = arith.mulf %max3A_67, %get3A_70 : vector<12x128xf32>
    %add3A_72 = arith.addf %sub3A_61, %mul3A_71 : vector<12x128xf32>
    %get3A_73 = arith.constant 0 : index
    %get3A_74 = memref.load %arg1[%get3A_73] : memref<9xf32, #tpu.memory_space<smem>>
    %get3A_75 = arith.constant 7 : index
    %get3A_76 = memref.load %arg1[%get3A_75] : memref<9xf32, #tpu.memory_space<smem>>
    %abs3A = math.absf %add3A_72 : vector<12x128xf32>
    %reduce_max3A = vector.shape_cast %abs3A : vector<12x128xf32> to vector<1x12x128xf32>
    %reduce_max3A_77 = arith.constant dense<0xFF800000> : vector<1xf32>
    %reduce_max3A_78 = vector.multi_reduction <maximumf>, %reduce_max3A, %reduce_max3A_77 [1, 2] : vector<1x12x128xf32> to vector<1xf32>
    %reduce_max3A_79 = vector.shape_cast %reduce_max3A_78 : vector<1xf32> to vector<1x1x1xf32>
    %reduce_max3A_80 = vector.extract %reduce_max3A_79[0, 0, 0] : f32 from vector<1x1x1xf32>
    %max3A_81 = arith.maximumf %get3A_76, %reduce_max3A_80 : f32
    %get3A_82 = arith.constant 8 : index
    %get3A_83 = memref.load %arg1[%get3A_82] : memref<9xf32, #tpu.memory_space<smem>>
    %get3A_84 = arith.constant 0 : index
    %get3A_85 = arith.constant 0 : index
    %get3A_86 = vector.load %arg4[%get3A_84, %get3A_85] : memref<12x128xf32, #tpu.memory_space<vmem>>, vector<12x128xf32>
    %abs3A_87 = math.absf %get3A_86 : vector<12x128xf32>
    %reduce_max3A_88 = vector.shape_cast %abs3A_87 : vector<12x128xf32> to vector<1x12x128xf32>
    %reduce_max3A_89 = arith.constant dense<0xFF800000> : vector<1xf32>
    %reduce_max3A_90 = vector.multi_reduction <maximumf>, %reduce_max3A_88, %reduce_max3A_89 [1, 2] : vector<1x12x128xf32> to vector<1xf32>
    %reduce_max3A_91 = vector.shape_cast %reduce_max3A_90 : vector<1xf32> to vector<1x1x1xf32>
    %reduce_max3A_92 = vector.extract %reduce_max3A_91[0, 0, 0] : f32 from vector<1x1x1xf32>
    %max3A_93 = arith.maximumf %get3A_83, %reduce_max3A_92 : f32
    %max3A_94 = arith.maximumf %get3A_74, %max3A_81 : f32
    %get3A_95 = arith.constant 1 : index
    %get3A_96 = memref.load %arg1[%get3A_95] : memref<9xf32, #tpu.memory_space<smem>>
    %max3A_97 = arith.maximumf %max3A_93, %get3A_96 : f32
    %add3A_98 = arith.constant 1.000000e+00 : f32
    %add3A_99 = arith.addf %add3A_98, %max3A_97 : f32
    %div3A_100 = arith.divf %max3A_94, %add3A_99 : f32
    %abs3A_101 = math.absf %add3A_33 : vector<32x128xf32>
    %reduce_max3A_102 = vector.shape_cast %abs3A_101 : vector<32x128xf32> to vector<1x32x128xf32>
    %reduce_max3A_103 = arith.constant dense<0xFF800000> : vector<1xf32>
    %reduce_max3A_104 = vector.multi_reduction <maximumf>, %reduce_max3A_102, %reduce_max3A_103 [1, 2] : vector<1x32x128xf32> to vector<1xf32>
    %reduce_max3A_105 = vector.shape_cast %reduce_max3A_104 : vector<1xf32> to vector<1x1x1xf32>
    %reduce_max3A_106 = vector.extract %reduce_max3A_105[0, 0, 0] : f32 from vector<1x1x1xf32>
    %abs3A_107 = math.absf %mul3A_43 : vector<32x128xf32>
    %reduce_max3A_108 = vector.shape_cast %abs3A_107 : vector<32x128xf32> to vector<1x32x128xf32>
    %reduce_max3A_109 = arith.constant dense<0xFF800000> : vector<1xf32>
    %reduce_max3A_110 = vector.multi_reduction <maximumf>, %reduce_max3A_108, %reduce_max3A_109 [1, 2] : vector<1x32x128xf32> to vector<1xf32>
    %reduce_max3A_111 = vector.shape_cast %reduce_max3A_110 : vector<1xf32> to vector<1x1x1xf32>
    %reduce_max3A_112 = vector.extract %reduce_max3A_111[0, 0, 0] : f32 from vector<1x1x1xf32>
    %max3A_113 = arith.maximumf %reduce_max3A_106, %reduce_max3A_112 : f32
    %abs3A_114 = math.absf %get3A_13 : vector<32x128xf32>
    %reduce_max3A_115 = vector.shape_cast %abs3A_114 : vector<32x128xf32> to vector<1x32x128xf32>
    %reduce_max3A_116 = arith.constant dense<0xFF800000> : vector<1xf32>
    %reduce_max3A_117 = vector.multi_reduction <maximumf>, %reduce_max3A_115, %reduce_max3A_116 [1, 2] : vector<1x32x128xf32> to vector<1xf32>
    %reduce_max3A_118 = vector.shape_cast %reduce_max3A_117 : vector<1xf32> to vector<1x1x1xf32>
    %reduce_max3A_119 = vector.extract %reduce_max3A_118[0, 0, 0] : f32 from vector<1x1x1xf32>
    %get3A_120 = arith.constant 2 : index
    %get3A_121 = memref.load %arg1[%get3A_120] : memref<9xf32, #tpu.memory_space<smem>>
    %get3A_122 = arith.constant 3 : index
    %get3A_123 = memref.load %arg1[%get3A_122] : memref<9xf32, #tpu.memory_space<smem>>
    %max3A_124 = arith.maximumf %reduce_max3A_119, %get3A_123 : f32
    %max3A_125 = arith.maximumf %get3A_121, %max3A_124 : f32
    %add3A_126 = arith.constant 1.000000e+00 : f32
    %add3A_127 = arith.addf %add3A_126, %max3A_125 : f32
    %div3A_128 = arith.divf %max3A_113, %add3A_127 : f32
    %get3A_129 = arith.constant 4 : index
    %get3A_130 = memref.load %arg1[%get3A_129] : memref<9xf32, #tpu.memory_space<smem>>
    %get3A_131 = arith.constant 5 : index
    %get3A_132 = memref.load %arg1[%get3A_131] : memref<9xf32, #tpu.memory_space<smem>>
    %get3A_133 = arith.constant 6 : index
    %get3A_134 = memref.load %arg1[%get3A_133] : memref<9xf32, #tpu.memory_space<smem>>
    %mul3A_135 = arith.mulf %sub3A_46, %select_n3A : vector<32x128xf32>
    %reduce_sum3A = vector.shape_cast %mul3A_135 : vector<32x128xf32> to vector<1x32x128xf32>
    %reduce_sum3A_136 = arith.constant dense<0.000000e+00> : vector<1xf32>
    %reduce_sum3A_137 = vector.multi_reduction <add>, %reduce_sum3A, %reduce_sum3A_136 [1, 2] : vector<1x32x128xf32> to vector<1xf32>
    %reduce_sum3A_138 = vector.shape_cast %reduce_sum3A_137 : vector<1xf32> to vector<1x1x1xf32>
    %reduce_sum3A_139 = vector.extract %reduce_sum3A_138[0, 0, 0] : f32 from vector<1x1x1xf32>
    %add3A_140 = arith.addf %get3A_130, %get3A_132 : f32
    %sub3A_141 = arith.subf %add3A_140, %get3A_134 : f32
    %sub3A_142 = arith.subf %sub3A_141, %reduce_sum3A_139 : f32
    %abs3A_143 = math.absf %sub3A_142 : f32
    %mul3A_144 = arith.constant 5.000000e-01 : f32
    %mul3A_145 = arith.mulf %mul3A_144, %get3A_130 : f32
    %sub3A_146 = arith.subf %get3A_134, %mul3A_145 : f32
    %abs3A_147 = math.absf %sub3A_146 : f32
    %mul3A_148 = arith.constant 5.000000e-01 : f32
    %mul3A_149 = arith.mulf %mul3A_148, %get3A_130 : f32
    %add3A_150 = arith.addf %mul3A_149, %get3A_132 : f32
    %abs3A_151 = math.absf %add3A_150 : f32
    %max3A_152 = arith.maximumf %abs3A_147, %abs3A_151 : f32
    %add3A_153 = arith.constant 1.000000e+00 : f32
    %add3A_154 = arith.addf %add3A_153, %max3A_152 : f32
    %div3A_155 = arith.divf %abs3A_143, %add3A_154 : f32
    %max3A_156 = arith.maximumf %div3A_128, %div3A_155 : f32
    %max3A_157 = arith.maximumf %div3A_100, %max3A_156 : f32
    %swap3A = arith.constant 0 : index
    %swap3A_158 = memref.load %arg15[%swap3A] : memref<4xf32, #tpu.memory_space<smem>>
    memref.store %max3A_157, %arg15[%swap3A] : memref<4xf32, #tpu.memory_space<smem>>
    %swap3A_159 = arith.constant 1 : index
    %swap3A_160 = memref.load %arg15[%swap3A_159] : memref<4xf32, #tpu.memory_space<smem>>
    memref.store %div3A_100, %arg15[%swap3A_159] : memref<4xf32, #tpu.memory_space<smem>>
    %swap3A_161 = arith.constant 2 : index
    %swap3A_162 = memref.load %arg15[%swap3A_161] : memref<4xf32, #tpu.memory_space<smem>>
    memref.store %div3A_128, %arg15[%swap3A_161] : memref<4xf32, #tpu.memory_space<smem>>
    %swap3A_163 = arith.constant 3 : index
    %swap3A_164 = memref.load %arg15[%swap3A_163] : memref<4xf32, #tpu.memory_space<smem>>
    memref.store %div3A_155, %arg15[%swap3A_163] : memref<4xf32, #tpu.memory_space<smem>>
    return
  }
}

module attributes {stable_mosaic.version = 14 : i64} {
  func.func @_tcs_kernel(%arg0: memref<1xf32, #tpu.memory_space<smem>>, %arg1: memref<4096x4096xf32, #tpu.memory_space<any>>, %arg2: memref<4096x4096xf32, #tpu.memory_space<any>>, %arg3: memref<4096x1xf32, #tpu.memory_space<vmem>>, %arg4: memref<4096x1xf32, #tpu.memory_space<vmem>>, %arg5: memref<32x128xf32, #tpu.memory_space<vmem>>, %arg6: memref<32x128xf32, #tpu.memory_space<vmem>>, %arg7: memref<32x128xf32, #tpu.memory_space<vmem>>, %arg8: memref<32x128xf32, #tpu.memory_space<vmem>>, %arg9: memref<32x128xf32, #tpu.memory_space<vmem>>, %arg10: memref<32x128xf32, #tpu.memory_space<vmem>>, %arg11: memref<32x128xf32, #tpu.memory_space<vmem>>, %arg12: memref<32x128xf32, #tpu.memory_space<vmem>>, %arg13: memref<32x128xf32, #tpu.memory_space<vmem>>, %arg14: memref<32x128xf32, #tpu.memory_space<vmem>>, %arg15: memref<32x128xf32, #tpu.memory_space<vmem>>, %arg16: memref<32x128xf32, #tpu.memory_space<vmem>>, %arg17: memref<9xf32, #tpu.memory_space<smem>>, %arg18: memref<4x256x4096xf32, #tpu.memory_space<vmem>>, %arg19: memref<9xf32, #tpu.memory_space<smem>>, %arg20: memref<4x!tpu.dma_semaphore, #tpu.memory_space<semaphore_mem>>) attributes {dimension_semantics = [], scalar_prefetch = 0 : i64, scratch_operands = 3 : i64, tpu.core_type = #tpu.core_type<tc>} {
    %get3A = arith.constant 0 : index
    %get3A_0 = memref.load %arg0[%get3A] : memref<1xf32, #tpu.memory_space<smem>>
    %get3A_1 = arith.constant 0 : index
    %get3A_2 = arith.constant 0 : index
    %get3A_3 = vector.load %arg3[%get3A_1, %get3A_2] : memref<4096x1xf32, #tpu.memory_space<vmem>>, vector<4096x1xf32>
    %get3A_4 = arith.constant 0 : index
    %get3A_5 = arith.constant 0 : index
    %get3A_6 = vector.load %arg4[%get3A_4, %get3A_5] : memref<4096x1xf32, #tpu.memory_space<vmem>>, vector<4096x1xf32>
    %div3A = arith.divf %get3A_3, %get3A_6 : vector<4096x1xf32>
    %mul3A = vector.broadcast %get3A_0 : f32 to vector<4096x1xf32>
    %mul3A_7 = arith.mulf %div3A, %mul3A : vector<4096x1xf32>
    %dma_start3A = arith.constant 0 : i32
    %dma_start3A_8 = arith.constant 0 : i32
    %dma_start3A_9 = tpu.memref_slice %arg20[%dma_start3A_8] : memref<4x!tpu.dma_semaphore, #tpu.memory_space<semaphore_mem>> -> memref<1x!tpu.dma_semaphore, #tpu.memory_space<semaphore_mem>>
    %dma_start3A_10 = tpu.memref_squeeze %dma_start3A_9 : memref<1x!tpu.dma_semaphore, #tpu.memory_space<semaphore_mem>> -> memref<!tpu.dma_semaphore, #tpu.memory_space<semaphore_mem>>
    %dma_start3A_11 = arith.constant 0 : i32
    %dma_start3A_12 = arith.constant 0 : i32
    %dma_start3A_13 = tpu.memref_slice %arg18[%dma_start3A, %dma_start3A_11, %dma_start3A_12] : memref<4x256x4096xf32, #tpu.memory_space<vmem>> -> memref<1x256x4096xf32, #tpu.memory_space<vmem>>
    %dma_start3A_14 = tpu.memref_squeeze %dma_start3A_13 : memref<1x256x4096xf32, #tpu.memory_space<vmem>> -> memref<256x4096xf32, #tpu.memory_space<vmem>>
    %dma_start3A_15 = arith.constant 0 : i32
    %dma_start3A_16 = arith.constant 0 : i32
    %dma_start3A_17 = tpu.memref_slice %arg1[%dma_start3A_15, %dma_start3A_16] : memref<4096x4096xf32, #tpu.memory_space<any>> -> memref<256x4096xf32, #tpu.memory_space<any>>
    tpu.enqueue_dma source(%dma_start3A_17 : memref<256x4096xf32, #tpu.memory_space<any>>) target(%dma_start3A_14 : memref<256x4096xf32, #tpu.memory_space<vmem>>) target_semaphore(%dma_start3A_10 : memref<!tpu.dma_semaphore, #tpu.memory_space<semaphore_mem>>)
    %dma_start3A_18 = arith.constant 1 : i32
    %dma_start3A_19 = arith.constant 1 : i32
    %dma_start3A_20 = tpu.memref_slice %arg20[%dma_start3A_19] : memref<4x!tpu.dma_semaphore, #tpu.memory_space<semaphore_mem>> -> memref<1x!tpu.dma_semaphore, #tpu.memory_space<semaphore_mem>>
    %dma_start3A_21 = tpu.memref_squeeze %dma_start3A_20 : memref<1x!tpu.dma_semaphore, #tpu.memory_space<semaphore_mem>> -> memref<!tpu.dma_semaphore, #tpu.memory_space<semaphore_mem>>
    %dma_start3A_22 = arith.constant 0 : i32
    %dma_start3A_23 = arith.constant 0 : i32
    %dma_start3A_24 = tpu.memref_slice %arg18[%dma_start3A_18, %dma_start3A_22, %dma_start3A_23] : memref<4x256x4096xf32, #tpu.memory_space<vmem>> -> memref<1x256x4096xf32, #tpu.memory_space<vmem>>
    %dma_start3A_25 = tpu.memref_squeeze %dma_start3A_24 : memref<1x256x4096xf32, #tpu.memory_space<vmem>> -> memref<256x4096xf32, #tpu.memory_space<vmem>>
    %dma_start3A_26 = arith.constant 256 : i32
    %dma_start3A_27 = arith.constant 0 : i32
    %dma_start3A_28 = tpu.memref_slice %arg1[%dma_start3A_26, %dma_start3A_27] : memref<4096x4096xf32, #tpu.memory_space<any>> -> memref<256x4096xf32, #tpu.memory_space<any>>
    tpu.enqueue_dma source(%dma_start3A_28 : memref<256x4096xf32, #tpu.memory_space<any>>) target(%dma_start3A_25 : memref<256x4096xf32, #tpu.memory_space<vmem>>) target_semaphore(%dma_start3A_21 : memref<!tpu.dma_semaphore, #tpu.memory_space<semaphore_mem>>)
    %dma_start3A_29 = arith.constant 2 : i32
    %dma_start3A_30 = arith.constant 2 : i32
    %dma_start3A_31 = tpu.memref_slice %arg20[%dma_start3A_30] : memref<4x!tpu.dma_semaphore, #tpu.memory_space<semaphore_mem>> -> memref<1x!tpu.dma_semaphore, #tpu.memory_space<semaphore_mem>>
    %dma_start3A_32 = tpu.memref_squeeze %dma_start3A_31 : memref<1x!tpu.dma_semaphore, #tpu.memory_space<semaphore_mem>> -> memref<!tpu.dma_semaphore, #tpu.memory_space<semaphore_mem>>
    %dma_start3A_33 = arith.constant 0 : i32
    %dma_start3A_34 = arith.constant 0 : i32
    %dma_start3A_35 = tpu.memref_slice %arg18[%dma_start3A_29, %dma_start3A_33, %dma_start3A_34] : memref<4x256x4096xf32, #tpu.memory_space<vmem>> -> memref<1x256x4096xf32, #tpu.memory_space<vmem>>
    %dma_start3A_36 = tpu.memref_squeeze %dma_start3A_35 : memref<1x256x4096xf32, #tpu.memory_space<vmem>> -> memref<256x4096xf32, #tpu.memory_space<vmem>>
    %dma_start3A_37 = arith.constant 512 : i32
    %dma_start3A_38 = arith.constant 0 : i32
    %dma_start3A_39 = tpu.memref_slice %arg1[%dma_start3A_37, %dma_start3A_38] : memref<4096x4096xf32, #tpu.memory_space<any>> -> memref<256x4096xf32, #tpu.memory_space<any>>
    tpu.enqueue_dma source(%dma_start3A_39 : memref<256x4096xf32, #tpu.memory_space<any>>) target(%dma_start3A_36 : memref<256x4096xf32, #tpu.memory_space<vmem>>) target_semaphore(%dma_start3A_32 : memref<!tpu.dma_semaphore, #tpu.memory_space<semaphore_mem>>)
    %dma_start3A_40 = arith.constant 3 : i32
    %dma_start3A_41 = arith.constant 3 : i32
    %dma_start3A_42 = tpu.memref_slice %arg20[%dma_start3A_41] : memref<4x!tpu.dma_semaphore, #tpu.memory_space<semaphore_mem>> -> memref<1x!tpu.dma_semaphore, #tpu.memory_space<semaphore_mem>>
    %dma_start3A_43 = tpu.memref_squeeze %dma_start3A_42 : memref<1x!tpu.dma_semaphore, #tpu.memory_space<semaphore_mem>> -> memref<!tpu.dma_semaphore, #tpu.memory_space<semaphore_mem>>
    %dma_start3A_44 = arith.constant 0 : i32
    %dma_start3A_45 = arith.constant 0 : i32
    %dma_start3A_46 = tpu.memref_slice %arg18[%dma_start3A_40, %dma_start3A_44, %dma_start3A_45] : memref<4x256x4096xf32, #tpu.memory_space<vmem>> -> memref<1x256x4096xf32, #tpu.memory_space<vmem>>
    %dma_start3A_47 = tpu.memref_squeeze %dma_start3A_46 : memref<1x256x4096xf32, #tpu.memory_space<vmem>> -> memref<256x4096xf32, #tpu.memory_space<vmem>>
    %dma_start3A_48 = arith.constant 768 : i32
    %dma_start3A_49 = arith.constant 0 : i32
    %dma_start3A_50 = tpu.memref_slice %arg1[%dma_start3A_48, %dma_start3A_49] : memref<4096x4096xf32, #tpu.memory_space<any>> -> memref<256x4096xf32, #tpu.memory_space<any>>
    tpu.enqueue_dma source(%dma_start3A_50 : memref<256x4096xf32, #tpu.memory_space<any>>) target(%dma_start3A_47 : memref<256x4096xf32, #tpu.memory_space<vmem>>) target_semaphore(%dma_start3A_43 : memref<!tpu.dma_semaphore, #tpu.memory_space<semaphore_mem>>)
    %swap3A = arith.constant 0.000000e+00 : f32
    %swap3A_51 = arith.constant 0 : index
    %swap3A_52 = memref.load %arg19[%swap3A_51] : memref<9xf32, #tpu.memory_space<smem>>
    memref.store %swap3A, %arg19[%swap3A_51] : memref<9xf32, #tpu.memory_space<smem>>
    %swap3A_53 = arith.constant 0.000000e+00 : f32
    %swap3A_54 = arith.constant 1 : index
    %swap3A_55 = memref.load %arg19[%swap3A_54] : memref<9xf32, #tpu.memory_space<smem>>
    memref.store %swap3A_53, %arg19[%swap3A_54] : memref<9xf32, #tpu.memory_space<smem>>
    %swap3A_56 = arith.constant 0.000000e+00 : f32
    %swap3A_57 = arith.constant 2 : index
    %swap3A_58 = memref.load %arg19[%swap3A_57] : memref<9xf32, #tpu.memory_space<smem>>
    memref.store %swap3A_56, %arg19[%swap3A_57] : memref<9xf32, #tpu.memory_space<smem>>
    %swap3A_59 = arith.constant 0.000000e+00 : f32
    %swap3A_60 = arith.constant 3 : index
    %swap3A_61 = memref.load %arg19[%swap3A_60] : memref<9xf32, #tpu.memory_space<smem>>
    memref.store %swap3A_59, %arg19[%swap3A_60] : memref<9xf32, #tpu.memory_space<smem>>
    %swap3A_62 = arith.constant 0.000000e+00 : f32
    %swap3A_63 = arith.constant 4 : index
    %swap3A_64 = memref.load %arg19[%swap3A_63] : memref<9xf32, #tpu.memory_space<smem>>
    memref.store %swap3A_62, %arg19[%swap3A_63] : memref<9xf32, #tpu.memory_space<smem>>
    %swap3A_65 = arith.constant 0.000000e+00 : f32
    %swap3A_66 = arith.constant 5 : index
    %swap3A_67 = memref.load %arg19[%swap3A_66] : memref<9xf32, #tpu.memory_space<smem>>
    memref.store %swap3A_65, %arg19[%swap3A_66] : memref<9xf32, #tpu.memory_space<smem>>
    %swap3A_68 = arith.constant 0.000000e+00 : f32
    %swap3A_69 = arith.constant 6 : index
    %swap3A_70 = memref.load %arg19[%swap3A_69] : memref<9xf32, #tpu.memory_space<smem>>
    memref.store %swap3A_68, %arg19[%swap3A_69] : memref<9xf32, #tpu.memory_space<smem>>
    %swap3A_71 = arith.constant 0.000000e+00 : f32
    %swap3A_72 = arith.constant 7 : index
    %swap3A_73 = memref.load %arg19[%swap3A_72] : memref<9xf32, #tpu.memory_space<smem>>
    memref.store %swap3A_71, %arg19[%swap3A_72] : memref<9xf32, #tpu.memory_space<smem>>
    %swap3A_74 = arith.constant 0.000000e+00 : f32
    %swap3A_75 = arith.constant 8 : index
    %swap3A_76 = memref.load %arg19[%swap3A_75] : memref<9xf32, #tpu.memory_space<smem>>
    memref.store %swap3A_74, %arg19[%swap3A_75] : memref<9xf32, #tpu.memory_space<smem>>
    %scan3A = arith.constant 0 : i32
    %scan3A_77 = arith.constant 26 : i32
    %scan3A_78 = arith.addi %scan3A, %scan3A_77 : i32
    %scan3A_79 = arith.constant 1 : i32
    scf.for %scan3A_117 = %scan3A to %scan3A_78 step %scan3A_79  : i32 {
      %rem3A = arith.constant 4 : i32
      %rem3A_118 = arith.remsi %scan3A_117, %rem3A : i32
      %dma_wait3A = tpu.memref_slice %arg20[%rem3A_118] : memref<4x!tpu.dma_semaphore, #tpu.memory_space<semaphore_mem>> -> memref<1x!tpu.dma_semaphore, #tpu.memory_space<semaphore_mem>>
      %dma_wait3A_119 = tpu.memref_squeeze %dma_wait3A : memref<1x!tpu.dma_semaphore, #tpu.memory_space<semaphore_mem>> -> memref<!tpu.dma_semaphore, #tpu.memory_space<semaphore_mem>>
      %dma_wait3A_120 = arith.constant 0 : i32
      %dma_wait3A_121 = arith.constant 0 : i32
      %dma_wait3A_122 = tpu.memref_slice %arg18[%rem3A_118, %dma_wait3A_120, %dma_wait3A_121] : memref<4x256x4096xf32, #tpu.memory_space<vmem>> -> memref<1x256x4096xf32, #tpu.memory_space<vmem>>
      %dma_wait3A_123 = tpu.memref_squeeze %dma_wait3A_122 : memref<1x256x4096xf32, #tpu.memory_space<vmem>> -> memref<256x4096xf32, #tpu.memory_space<vmem>>
      %dma_wait3A_124 = arith.constant 0 : i32
      %dma_wait3A_125 = arith.constant 0 : i32
      %dma_wait3A_126 = tpu.memref_slice %arg1[%dma_wait3A_124, %dma_wait3A_125] : memref<4096x4096xf32, #tpu.memory_space<any>> -> memref<256x4096xf32, #tpu.memory_space<any>>
      tpu.wait_dma2 semaphore(%dma_wait3A_119 : memref<!tpu.dma_semaphore, #tpu.memory_space<semaphore_mem>>) src(%dma_wait3A_126 : memref<256x4096xf32, #tpu.memory_space<any>>) dst(%dma_wait3A_123 : memref<256x4096xf32, #tpu.memory_space<vmem>>)
      %get3A_127 = arith.index_cast %rem3A_118 : i32 to index
      %get3A_128 = arith.constant 0 : index
      %get3A_129 = arith.constant 0 : index
      %get3A_130 = vector.load %arg18[%get3A_127, %get3A_128, %get3A_129] : memref<4x256x4096xf32, #tpu.memory_space<vmem>>, vector<1x256x4096xf32>
      %reshape3A = vector.shape_cast %get3A_130 : vector<1x256x4096xf32> to vector<256x4096xf32>
      %dot_general3A = arith.constant dense<0.000000e+00> : vector<256x1xf32>
      %dot_general3A_131 = tpu.matmul %reshape3A, %mul3A_7, %dot_general3A {dimension_numbers = #tpu.dot_dimension_numbers<[1], [0], [0], [1], [0, 0, 1, 1], [], []>, transpose_lhs_hint = false} : vector<256x4096xf32>, vector<4096x1xf32>, vector<256x1xf32> -> vector<256x1xf32>
      %reshape3A_132 = vector.shape_cast %dot_general3A_131 : vector<256x1xf32> to vector<2x128xf32>
      %rem3A_133 = arith.constant 16 : i32
      %rem3A_134 = arith.remsi %scan3A_117, %rem3A_133 : i32
      %mul3A_135 = arith.constant 2 : i32
      %mul3A_136 = arith.muli %rem3A_134, %mul3A_135 : i32
      %lt3A = arith.constant 16 : i32
      %lt3A_137 = arith.cmpi slt, %scan3A_117, %lt3A : i32
      %convert_element_type3A = arith.extui %lt3A_137 : i1 to i32
      %cond3A = arith.constant 0 : i32
      %cond3A_138 = arith.cmpi ne, %convert_element_type3A, %cond3A : i32
      scf.if %cond3A_138 {
        %swap3A_149 = arith.index_cast %mul3A_136 : i32 to index
        %swap3A_150 = arith.constant 0 : index
        %swap3A_151 = vector.load %arg16[%swap3A_149, %swap3A_150] : memref<32x128xf32, #tpu.memory_space<vmem>>, vector<2x128xf32>
        tpu.vector_store %arg16[%swap3A_149, %swap3A_150], %reshape3A_132 {strides = array<i32>} : memref<32x128xf32, #tpu.memory_space<vmem>>, vector<2x128xf32>,
        %get3A_152 = arith.index_cast %mul3A_136 : i32 to index
        %get3A_153 = arith.constant 0 : index
        %get3A_154 = vector.load %arg5[%get3A_152, %get3A_153] : memref<32x128xf32, #tpu.memory_space<vmem>>, vector<2x128xf32>
        %get3A_155 = arith.index_cast %mul3A_136 : i32 to index
        %get3A_156 = arith.constant 0 : index
        %get3A_157 = vector.load %arg6[%get3A_155, %get3A_156] : memref<32x128xf32, #tpu.memory_space<vmem>>, vector<2x128xf32>
        %div3A_158 = arith.divf %get3A_154, %get3A_157 : vector<2x128xf32>
        %mul3A_159 = vector.broadcast %get3A_0 : f32 to vector<2x128xf32>
        %mul3A_160 = arith.mulf %div3A_158, %mul3A_159 : vector<2x128xf32>
        %get3A_161 = arith.index_cast %mul3A_136 : i32 to index
        %get3A_162 = arith.constant 0 : index
        %get3A_163 = vector.load %arg7[%get3A_161, %get3A_162] : memref<32x128xf32, #tpu.memory_space<vmem>>, vector<2x128xf32>
        %get3A_164 = arith.index_cast %mul3A_136 : i32 to index
        %get3A_165 = arith.constant 0 : index
        %get3A_166 = vector.load %arg8[%get3A_164, %get3A_165] : memref<32x128xf32, #tpu.memory_space<vmem>>, vector<2x128xf32>
        %div3A_167 = arith.divf %get3A_163, %get3A_166 : vector<2x128xf32>
        %mul3A_168 = vector.broadcast %get3A_0 : f32 to vector<2x128xf32>
        %mul3A_169 = arith.mulf %div3A_167, %mul3A_168 : vector<2x128xf32>
        %get3A_170 = arith.index_cast %mul3A_136 : i32 to index
        %get3A_171 = arith.constant 0 : index
        %get3A_172 = vector.load %arg9[%get3A_170, %get3A_171] : memref<32x128xf32, #tpu.memory_space<vmem>>, vector<2x128xf32>
        %get3A_173 = arith.index_cast %mul3A_136 : i32 to index
        %get3A_174 = arith.constant 0 : index
        %get3A_175 = vector.load %arg10[%get3A_173, %get3A_174] : memref<32x128xf32, #tpu.memory_space<vmem>>, vector<2x128xf32>
        %get3A_176 = arith.index_cast %mul3A_136 : i32 to index
        %get3A_177 = arith.constant 0 : index
        %get3A_178 = vector.load %arg14[%get3A_176, %get3A_177] : memref<32x128xf32, #tpu.memory_space<vmem>>, vector<2x128xf32>
        %sub3A = arith.subf %get3A_178, %mul3A_160 : vector<2x128xf32>
        %max3A = arith.constant 0.000000e+00 : f32
        %max3A_179 = vector.broadcast %max3A : f32 to vector<2x128xf32>
        %max3A_180 = arith.maximumf %sub3A, %max3A_179 : vector<2x128xf32>
        %get3A_181 = arith.index_cast %mul3A_136 : i32 to index
        %get3A_182 = arith.constant 0 : index
        %get3A_183 = vector.load %arg12[%get3A_181, %get3A_182] : memref<32x128xf32, #tpu.memory_space<vmem>>, vector<2x128xf32>
        %mul3A_184 = arith.mulf %max3A_180, %get3A_183 : vector<2x128xf32>
        %get3A_185 = arith.index_cast %mul3A_136 : i32 to index
        %get3A_186 = arith.constant 0 : index
        %get3A_187 = vector.load %arg15[%get3A_185, %get3A_186] : memref<32x128xf32, #tpu.memory_space<vmem>>, vector<2x128xf32>
        %sub3A_188 = arith.subf %mul3A_160, %get3A_187 : vector<2x128xf32>
        %max3A_189 = arith.constant 0.000000e+00 : f32
        %max3A_190 = vector.broadcast %max3A_189 : f32 to vector<2x128xf32>
        %max3A_191 = arith.maximumf %sub3A_188, %max3A_190 : vector<2x128xf32>
        %get3A_192 = arith.index_cast %mul3A_136 : i32 to index
        %get3A_193 = arith.constant 0 : index
        %get3A_194 = vector.load %arg13[%get3A_192, %get3A_193] : memref<32x128xf32, #tpu.memory_space<vmem>>, vector<2x128xf32>
        %mul3A_195 = arith.mulf %max3A_191, %get3A_194 : vector<2x128xf32>
        %add3A_196 = arith.addf %mul3A_184, %mul3A_195 : vector<2x128xf32>
        %get3A_197 = arith.constant 0 : index
        %get3A_198 = memref.load %arg19[%get3A_197] : memref<9xf32, #tpu.memory_space<smem>>
        %abs3A = math.absf %add3A_196 : vector<2x128xf32>
        %reduce_max3A = vector.shape_cast %abs3A : vector<2x128xf32> to vector<1x2x128xf32>
        %reduce_max3A_199 = arith.constant dense<0xFF800000> : vector<1xf32>
        %reduce_max3A_200 = vector.multi_reduction <maximumf>, %reduce_max3A, %reduce_max3A_199 [1, 2] : vector<1x2x128xf32> to vector<1xf32>
        %reduce_max3A_201 = vector.shape_cast %reduce_max3A_200 : vector<1xf32> to vector<1x1x1xf32>
        %reduce_max3A_202 = vector.extract %reduce_max3A_201[0, 0, 0] : f32 from vector<1x1x1xf32>
        %max3A_203 = arith.maximumf %get3A_198, %reduce_max3A_202 : f32
        %swap3A_204 = arith.constant 0 : index
        %swap3A_205 = memref.load %arg19[%swap3A_204] : memref<9xf32, #tpu.memory_space<smem>>
        memref.store %max3A_203, %arg19[%swap3A_204] : memref<9xf32, #tpu.memory_space<smem>>
        %get3A_206 = arith.constant 1 : index
        %get3A_207 = memref.load %arg19[%get3A_206] : memref<9xf32, #tpu.memory_space<smem>>
        %abs3A_208 = math.absf %get3A_172 : vector<2x128xf32>
        %reduce_max3A_209 = vector.shape_cast %abs3A_208 : vector<2x128xf32> to vector<1x2x128xf32>
        %reduce_max3A_210 = arith.constant dense<0xFF800000> : vector<1xf32>
        %reduce_max3A_211 = vector.multi_reduction <maximumf>, %reduce_max3A_209, %reduce_max3A_210 [1, 2] : vector<1x2x128xf32> to vector<1xf32>
        %reduce_max3A_212 = vector.shape_cast %reduce_max3A_211 : vector<1xf32> to vector<1x1x1xf32>
        %reduce_max3A_213 = vector.extract %reduce_max3A_212[0, 0, 0] : f32 from vector<1x1x1xf32>
        %max3A_214 = arith.maximumf %get3A_207, %reduce_max3A_213 : f32
        %swap3A_215 = arith.constant 1 : index
        %swap3A_216 = memref.load %arg19[%swap3A_215] : memref<9xf32, #tpu.memory_space<smem>>
        memref.store %max3A_214, %arg19[%swap3A_215] : memref<9xf32, #tpu.memory_space<smem>>
        %get3A_217 = arith.constant 2 : index
        %get3A_218 = memref.load %arg19[%get3A_217] : memref<9xf32, #tpu.memory_space<smem>>
        %abs3A_219 = math.absf %reshape3A_132 : vector<2x128xf32>
        %reduce_max3A_220 = vector.shape_cast %abs3A_219 : vector<2x128xf32> to vector<1x2x128xf32>
        %reduce_max3A_221 = arith.constant dense<0xFF800000> : vector<1xf32>
        %reduce_max3A_222 = vector.multi_reduction <maximumf>, %reduce_max3A_220, %reduce_max3A_221 [1, 2] : vector<1x2x128xf32> to vector<1xf32>
        %reduce_max3A_223 = vector.shape_cast %reduce_max3A_222 : vector<1xf32> to vector<1x1x1xf32>
        %reduce_max3A_224 = vector.extract %reduce_max3A_223[0, 0, 0] : f32 from vector<1x1x1xf32>
        %max3A_225 = arith.maximumf %get3A_218, %reduce_max3A_224 : f32
        %swap3A_226 = arith.constant 2 : index
        %swap3A_227 = memref.load %arg19[%swap3A_226] : memref<9xf32, #tpu.memory_space<smem>>
        memref.store %max3A_225, %arg19[%swap3A_226] : memref<9xf32, #tpu.memory_space<smem>>
        %get3A_228 = arith.constant 3 : index
        %get3A_229 = memref.load %arg19[%get3A_228] : memref<9xf32, #tpu.memory_space<smem>>
        %abs3A_230 = math.absf %get3A_175 : vector<2x128xf32>
        %reduce_max3A_231 = vector.shape_cast %abs3A_230 : vector<2x128xf32> to vector<1x2x128xf32>
        %reduce_max3A_232 = arith.constant dense<0xFF800000> : vector<1xf32>
        %reduce_max3A_233 = vector.multi_reduction <maximumf>, %reduce_max3A_231, %reduce_max3A_232 [1, 2] : vector<1x2x128xf32> to vector<1xf32>
        %reduce_max3A_234 = vector.shape_cast %reduce_max3A_233 : vector<1xf32> to vector<1x1x1xf32>
        %reduce_max3A_235 = vector.extract %reduce_max3A_234[0, 0, 0] : f32 from vector<1x1x1xf32>
        %max3A_236 = arith.maximumf %get3A_229, %reduce_max3A_235 : f32
        %swap3A_237 = arith.constant 3 : index
        %swap3A_238 = memref.load %arg19[%swap3A_237] : memref<9xf32, #tpu.memory_space<smem>>
        memref.store %max3A_236, %arg19[%swap3A_237] : memref<9xf32, #tpu.memory_space<smem>>
        %get3A_239 = arith.constant 4 : index
        %get3A_240 = memref.load %arg19[%get3A_239] : memref<9xf32, #tpu.memory_space<smem>>
        %mul3A_241 = arith.mulf %mul3A_160, %reshape3A_132 : vector<2x128xf32>
        %reduce_sum3A = vector.shape_cast %mul3A_241 : vector<2x128xf32> to vector<1x2x128xf32>
        %reduce_sum3A_242 = arith.constant dense<0.000000e+00> : vector<1xf32>
        %reduce_sum3A_243 = vector.multi_reduction <add>, %reduce_sum3A, %reduce_sum3A_242 [1, 2] : vector<1x2x128xf32> to vector<1xf32>
        %reduce_sum3A_244 = vector.shape_cast %reduce_sum3A_243 : vector<1xf32> to vector<1x1x1xf32>
        %reduce_sum3A_245 = vector.extract %reduce_sum3A_244[0, 0, 0] : f32 from vector<1x1x1xf32>
        %add3A_246 = arith.addf %get3A_240, %reduce_sum3A_245 : f32
        %swap3A_247 = arith.constant 4 : index
        %swap3A_248 = memref.load %arg19[%swap3A_247] : memref<9xf32, #tpu.memory_space<smem>>
        memref.store %add3A_246, %arg19[%swap3A_247] : memref<9xf32, #tpu.memory_space<smem>>
        %get3A_249 = arith.constant 5 : index
        %get3A_250 = memref.load %arg19[%get3A_249] : memref<9xf32, #tpu.memory_space<smem>>
        %mul3A_251 = arith.mulf %get3A_175, %mul3A_160 : vector<2x128xf32>
        %reduce_sum3A_252 = vector.shape_cast %mul3A_251 : vector<2x128xf32> to vector<1x2x128xf32>
        %reduce_sum3A_253 = arith.constant dense<0.000000e+00> : vector<1xf32>
        %reduce_sum3A_254 = vector.multi_reduction <add>, %reduce_sum3A_252, %reduce_sum3A_253 [1, 2] : vector<1x2x128xf32> to vector<1xf32>
        %reduce_sum3A_255 = vector.shape_cast %reduce_sum3A_254 : vector<1xf32> to vector<1x1x1xf32>
        %reduce_sum3A_256 = vector.extract %reduce_sum3A_255[0, 0, 0] : f32 from vector<1x1x1xf32>
        %add3A_257 = arith.addf %get3A_250, %reduce_sum3A_256 : f32
        %swap3A_258 = arith.constant 5 : index
        %swap3A_259 = memref.load %arg19[%swap3A_258] : memref<9xf32, #tpu.memory_space<smem>>
        memref.store %add3A_257, %arg19[%swap3A_258] : memref<9xf32, #tpu.memory_space<smem>>
        %get3A_260 = arith.constant 6 : index
        %get3A_261 = memref.load %arg19[%get3A_260] : memref<9xf32, #tpu.memory_space<smem>>
        %mul3A_262 = arith.mulf %get3A_172, %mul3A_169 : vector<2x128xf32>
        %reduce_sum3A_263 = vector.shape_cast %mul3A_262 : vector<2x128xf32> to vector<1x2x128xf32>
        %reduce_sum3A_264 = arith.constant dense<0.000000e+00> : vector<1xf32>
        %reduce_sum3A_265 = vector.multi_reduction <add>, %reduce_sum3A_263, %reduce_sum3A_264 [1, 2] : vector<1x2x128xf32> to vector<1xf32>
        %reduce_sum3A_266 = vector.shape_cast %reduce_sum3A_265 : vector<1xf32> to vector<1x1x1xf32>
        %reduce_sum3A_267 = vector.extract %reduce_sum3A_266[0, 0, 0] : f32 from vector<1x1x1xf32>
        %add3A_268 = arith.addf %get3A_261, %reduce_sum3A_267 : f32
        %swap3A_269 = arith.constant 6 : index
        %swap3A_270 = memref.load %arg19[%swap3A_269] : memref<9xf32, #tpu.memory_space<smem>>
        memref.store %add3A_268, %arg19[%swap3A_269] : memref<9xf32, #tpu.memory_space<smem>>
      } else {
      }
      %ge3A = arith.constant 16 : i32
      %ge3A_139 = arith.cmpi sge, %scan3A_117, %ge3A : i32
      %convert_element_type3A_140 = arith.extui %ge3A_139 : i1 to i32
      %cond3A_141 = arith.constant 0 : i32
      %cond3A_142 = arith.cmpi ne, %convert_element_type3A_140, %cond3A_141 : i32
      scf.if %cond3A_142 {
        %sub3A = arith.constant 16 : i32
        %sub3A_149 = arith.subi %scan3A_117, %sub3A : i32
        %max3A = arith.constant 0 : i32
        %max3A_150 = arith.maxsi %sub3A_149, %max3A : i32
        %mul3A_151 = arith.constant 2 : i32
        %mul3A_152 = arith.muli %max3A_150, %mul3A_151 : i32
        %get3A_153 = arith.index_cast %mul3A_152 : i32 to index
        %get3A_154 = arith.constant 0 : index
        %get3A_155 = vector.load %arg9[%get3A_153, %get3A_154] : memref<32x128xf32, #tpu.memory_space<vmem>>, vector<2x128xf32>
        %sub3A_156 = arith.subf %get3A_155, %reshape3A_132 : vector<2x128xf32>
        %neg3A = arith.constant 0.000000e+00 : f32
        %neg3A_157 = vector.broadcast %neg3A : f32 to vector<2x128xf32>
        %neg3A_158 = arith.subf %neg3A_157, %sub3A_156 : vector<2x128xf32>
        %max3A_159 = arith.constant 0.000000e+00 : f32
        %max3A_160 = vector.broadcast %max3A_159 : f32 to vector<2x128xf32>
        %max3A_161 = arith.maximumf %neg3A_158, %max3A_160 : vector<2x128xf32>
        %get3A_162 = arith.index_cast %mul3A_152 : i32 to index
        %get3A_163 = arith.constant 0 : index
        %get3A_164 = vector.load %arg11[%get3A_162, %get3A_163] : memref<32x128xf32, #tpu.memory_space<vmem>>, vector<2x128xf32>
        %mul3A_165 = arith.mulf %max3A_161, %get3A_164 : vector<2x128xf32>
        %add3A_166 = arith.addf %sub3A_156, %mul3A_165 : vector<2x128xf32>
        %get3A_167 = arith.constant 7 : index
        %get3A_168 = memref.load %arg19[%get3A_167] : memref<9xf32, #tpu.memory_space<smem>>
        %abs3A = math.absf %add3A_166 : vector<2x128xf32>
        %reduce_max3A = vector.shape_cast %abs3A : vector<2x128xf32> to vector<1x2x128xf32>
        %reduce_max3A_169 = arith.constant dense<0xFF800000> : vector<1xf32>
        %reduce_max3A_170 = vector.multi_reduction <maximumf>, %reduce_max3A, %reduce_max3A_169 [1, 2] : vector<1x2x128xf32> to vector<1xf32>
        %reduce_max3A_171 = vector.shape_cast %reduce_max3A_170 : vector<1xf32> to vector<1x1x1xf32>
        %reduce_max3A_172 = vector.extract %reduce_max3A_171[0, 0, 0] : f32 from vector<1x1x1xf32>
        %max3A_173 = arith.maximumf %get3A_168, %reduce_max3A_172 : f32
        %swap3A_174 = arith.constant 7 : index
        %swap3A_175 = memref.load %arg19[%swap3A_174] : memref<9xf32, #tpu.memory_space<smem>>
        memref.store %max3A_173, %arg19[%swap3A_174] : memref<9xf32, #tpu.memory_space<smem>>
        %get3A_176 = arith.constant 8 : index
        %get3A_177 = memref.load %arg19[%get3A_176] : memref<9xf32, #tpu.memory_space<smem>>
        %abs3A_178 = math.absf %reshape3A_132 : vector<2x128xf32>
        %reduce_max3A_179 = vector.shape_cast %abs3A_178 : vector<2x128xf32> to vector<1x2x128xf32>
        %reduce_max3A_180 = arith.constant dense<0xFF800000> : vector<1xf32>
        %reduce_max3A_181 = vector.multi_reduction <maximumf>, %reduce_max3A_179, %reduce_max3A_180 [1, 2] : vector<1x2x128xf32> to vector<1xf32>
        %reduce_max3A_182 = vector.shape_cast %reduce_max3A_181 : vector<1xf32> to vector<1x1x1xf32>
        %reduce_max3A_183 = vector.extract %reduce_max3A_182[0, 0, 0] : f32 from vector<1x1x1xf32>
        %max3A_184 = arith.maximumf %get3A_177, %reduce_max3A_183 : f32
        %swap3A_185 = arith.constant 8 : index
        %swap3A_186 = memref.load %arg19[%swap3A_185] : memref<9xf32, #tpu.memory_space<smem>>
        memref.store %max3A_184, %arg19[%swap3A_185] : memref<9xf32, #tpu.memory_space<smem>>
      } else {
      }
      %add3A = arith.constant 4 : i32
      %add3A_143 = arith.addi %scan3A_117, %add3A : i32
      %lt3A_144 = arith.constant 26 : i32
      %lt3A_145 = arith.cmpi slt, %add3A_143, %lt3A_144 : i32
      %convert_element_type3A_146 = arith.extui %lt3A_145 : i1 to i32
      %cond3A_147 = arith.constant 0 : i32
      %cond3A_148 = arith.cmpi ne, %convert_element_type3A_146, %cond3A_147 : i32
      scf.if %cond3A_148 {
        %add3A_149 = arith.constant 4 : i32
        %add3A_150 = arith.addi %scan3A_117, %add3A_149 : i32
        %mul3A_151 = arith.constant 256 : i32
        %mul3A_152 = arith.muli %add3A_150, %mul3A_151 : i32
        %sub3A = arith.constant 16 : i32
        %sub3A_153 = arith.subi %add3A_150, %sub3A : i32
        %max3A = arith.constant 0 : i32
        %max3A_154 = arith.maxsi %sub3A_153, %max3A : i32
        %mul3A_155 = arith.constant 256 : i32
        %mul3A_156 = arith.muli %max3A_154, %mul3A_155 : i32
        %lt3A_157 = arith.constant 16 : i32
        %lt3A_158 = arith.cmpi slt, %add3A_150, %lt3A_157 : i32
        %convert_element_type3A_159 = arith.extui %lt3A_158 : i1 to i32
        %cond3A_160 = arith.constant 0 : i32
        %cond3A_161 = arith.cmpi ne, %convert_element_type3A_159, %cond3A_160 : i32
        scf.if %cond3A_161 {
          %dma_start3A_167 = tpu.memref_slice %arg20[%rem3A_118] : memref<4x!tpu.dma_semaphore, #tpu.memory_space<semaphore_mem>> -> memref<1x!tpu.dma_semaphore, #tpu.memory_space<semaphore_mem>>
          %dma_start3A_168 = tpu.memref_squeeze %dma_start3A_167 : memref<1x!tpu.dma_semaphore, #tpu.memory_space<semaphore_mem>> -> memref<!tpu.dma_semaphore, #tpu.memory_space<semaphore_mem>>
          %dma_start3A_169 = arith.constant 0 : i32
          %dma_start3A_170 = arith.constant 0 : i32
          %dma_start3A_171 = tpu.memref_slice %arg18[%rem3A_118, %dma_start3A_169, %dma_start3A_170] : memref<4x256x4096xf32, #tpu.memory_space<vmem>> -> memref<1x256x4096xf32, #tpu.memory_space<vmem>>
          %dma_start3A_172 = tpu.memref_squeeze %dma_start3A_171 : memref<1x256x4096xf32, #tpu.memory_space<vmem>> -> memref<256x4096xf32, #tpu.memory_space<vmem>>
          %dma_start3A_173 = arith.constant 0 : i32
          %dma_start3A_174 = tpu.memref_slice %arg1[%mul3A_152, %dma_start3A_173] : memref<4096x4096xf32, #tpu.memory_space<any>> -> memref<256x4096xf32, #tpu.memory_space<any>>
          tpu.enqueue_dma source(%dma_start3A_174 : memref<256x4096xf32, #tpu.memory_space<any>>) target(%dma_start3A_172 : memref<256x4096xf32, #tpu.memory_space<vmem>>) target_semaphore(%dma_start3A_168 : memref<!tpu.dma_semaphore, #tpu.memory_space<semaphore_mem>>)
        } else {
        }
        %ge3A_162 = arith.constant 16 : i32
        %ge3A_163 = arith.cmpi sge, %add3A_150, %ge3A_162 : i32
        %convert_element_type3A_164 = arith.extui %ge3A_163 : i1 to i32
        %cond3A_165 = arith.constant 0 : i32
        %cond3A_166 = arith.cmpi ne, %convert_element_type3A_164, %cond3A_165 : i32
        scf.if %cond3A_166 {
          %dma_start3A_167 = tpu.memref_slice %arg20[%rem3A_118] : memref<4x!tpu.dma_semaphore, #tpu.memory_space<semaphore_mem>> -> memref<1x!tpu.dma_semaphore, #tpu.memory_space<semaphore_mem>>
          %dma_start3A_168 = tpu.memref_squeeze %dma_start3A_167 : memref<1x!tpu.dma_semaphore, #tpu.memory_space<semaphore_mem>> -> memref<!tpu.dma_semaphore, #tpu.memory_space<semaphore_mem>>
          %dma_start3A_169 = arith.constant 0 : i32
          %dma_start3A_170 = arith.constant 0 : i32
          %dma_start3A_171 = tpu.memref_slice %arg18[%rem3A_118, %dma_start3A_169, %dma_start3A_170] : memref<4x256x4096xf32, #tpu.memory_space<vmem>> -> memref<1x256x4096xf32, #tpu.memory_space<vmem>>
          %dma_start3A_172 = tpu.memref_squeeze %dma_start3A_171 : memref<1x256x4096xf32, #tpu.memory_space<vmem>> -> memref<256x4096xf32, #tpu.memory_space<vmem>>
          %dma_start3A_173 = arith.constant 0 : i32
          %dma_start3A_174 = tpu.memref_slice %arg2[%mul3A_156, %dma_start3A_173] : memref<4096x4096xf32, #tpu.memory_space<any>> -> memref<256x4096xf32, #tpu.memory_space<any>>
          tpu.enqueue_dma source(%dma_start3A_174 : memref<256x4096xf32, #tpu.memory_space<any>>) target(%dma_start3A_172 : memref<256x4096xf32, #tpu.memory_space<vmem>>) target_semaphore(%dma_start3A_168 : memref<!tpu.dma_semaphore, #tpu.memory_space<semaphore_mem>>)
        } else {
        }
      } else {
      }
    }
    %scan3A_80 = arith.constant 26 : i32
    %get3A_81 = arith.constant 0 : index
    %get3A_82 = memref.load %arg19[%get3A_81] : memref<9xf32, #tpu.memory_space<smem>>
    %swap3A_83 = arith.constant 0 : index
    %swap3A_84 = memref.load %arg17[%swap3A_83] : memref<9xf32, #tpu.memory_space<smem>>
    memref.store %get3A_82, %arg17[%swap3A_83] : memref<9xf32, #tpu.memory_space<smem>>
    %get3A_85 = arith.constant 1 : index
    %get3A_86 = memref.load %arg19[%get3A_85] : memref<9xf32, #tpu.memory_space<smem>>
    %swap3A_87 = arith.constant 1 : index
    %swap3A_88 = memref.load %arg17[%swap3A_87] : memref<9xf32, #tpu.memory_space<smem>>
    memref.store %get3A_86, %arg17[%swap3A_87] : memref<9xf32, #tpu.memory_space<smem>>
    %get3A_89 = arith.constant 2 : index
    %get3A_90 = memref.load %arg19[%get3A_89] : memref<9xf32, #tpu.memory_space<smem>>
    %swap3A_91 = arith.constant 2 : index
    %swap3A_92 = memref.load %arg17[%swap3A_91] : memref<9xf32, #tpu.memory_space<smem>>
    memref.store %get3A_90, %arg17[%swap3A_91] : memref<9xf32, #tpu.memory_space<smem>>
    %get3A_93 = arith.constant 3 : index
    %get3A_94 = memref.load %arg19[%get3A_93] : memref<9xf32, #tpu.memory_space<smem>>
    %swap3A_95 = arith.constant 3 : index
    %swap3A_96 = memref.load %arg17[%swap3A_95] : memref<9xf32, #tpu.memory_space<smem>>
    memref.store %get3A_94, %arg17[%swap3A_95] : memref<9xf32, #tpu.memory_space<smem>>
    %get3A_97 = arith.constant 4 : index
    %get3A_98 = memref.load %arg19[%get3A_97] : memref<9xf32, #tpu.memory_space<smem>>
    %swap3A_99 = arith.constant 4 : index
    %swap3A_100 = memref.load %arg17[%swap3A_99] : memref<9xf32, #tpu.memory_space<smem>>
    memref.store %get3A_98, %arg17[%swap3A_99] : memref<9xf32, #tpu.memory_space<smem>>
    %get3A_101 = arith.constant 5 : index
    %get3A_102 = memref.load %arg19[%get3A_101] : memref<9xf32, #tpu.memory_space<smem>>
    %swap3A_103 = arith.constant 5 : index
    %swap3A_104 = memref.load %arg17[%swap3A_103] : memref<9xf32, #tpu.memory_space<smem>>
    memref.store %get3A_102, %arg17[%swap3A_103] : memref<9xf32, #tpu.memory_space<smem>>
    %get3A_105 = arith.constant 6 : index
    %get3A_106 = memref.load %arg19[%get3A_105] : memref<9xf32, #tpu.memory_space<smem>>
    %swap3A_107 = arith.constant 6 : index
    %swap3A_108 = memref.load %arg17[%swap3A_107] : memref<9xf32, #tpu.memory_space<smem>>
    memref.store %get3A_106, %arg17[%swap3A_107] : memref<9xf32, #tpu.memory_space<smem>>
    %get3A_109 = arith.constant 7 : index
    %get3A_110 = memref.load %arg19[%get3A_109] : memref<9xf32, #tpu.memory_space<smem>>
    %swap3A_111 = arith.constant 7 : index
    %swap3A_112 = memref.load %arg17[%swap3A_111] : memref<9xf32, #tpu.memory_space<smem>>
    memref.store %get3A_110, %arg17[%swap3A_111] : memref<9xf32, #tpu.memory_space<smem>>
    %get3A_113 = arith.constant 8 : index
    %get3A_114 = memref.load %arg19[%get3A_113] : memref<9xf32, #tpu.memory_space<smem>>
    %swap3A_115 = arith.constant 8 : index
    %swap3A_116 = memref.load %arg17[%swap3A_115] : memref<9xf32, #tpu.memory_space<smem>>
    memref.store %get3A_114, %arg17[%swap3A_115] : memref<9xf32, #tpu.memory_space<smem>>
    return
  }
}

</mosaic_0001>

<sc_bundles>
// kernel: kernel.5.cloned.1.call-start
scs
__scs_entry_jumppad:
0x0: {  	(pc) =	sbr.rel $0x88, $3  }
0x1: {  	(tag) =	ssettag $0x0;
	lr =	simm.s32 $0x1  }
0x2: {  	[smem:$0x3F92] =	sst lr;
	_ =	strace $0xD0000000  }
0x3: {  	_ = 	snop  }
0x4: {  	_ = 	snop  }
0x5: {  	_ = 	snop  }
0x6: {  	_ = 	snop  }
0x7: {  	_ = 	snop  }
__scs_overlays_trampoline_lowered:
0x8: {  	[smem:$0x3FA1] =	sst s0  }
0x9: {  	[smem:$0x3FA2] =	sst s1  }
0xa: {  	[smem:$0x3FA3] =	sst s2  }
0xb: {  	[smem:$0x3FA4] =	sst s3  }
0xc: {  	[smem:$0x3FA5] =	sst s4  }
0xd: {  	[smem:$0x3FA6] =	sst s5  }
0xe: {  	[smem:$0x3FA7] =	sst s6  }
0xf: {  	[smem:$0x3FA8] =	sst s7  }
0x10: {  	[smem:$0x3FA9] =	sst s8  }
0x11: {  	[smem:$0x3FAA] =	sst s9;
	s0 =	simm.s32 @!p0 $0x0  }
0x12: {  	s1 =	sld [smem:$0x3F90];
	s0 =	simm.s32 @p0 $0x1  }
0x13: {  	[smem:$0x3FAB] =	sst s0;
	s0 =	simm.s32 @!p1 $0x0  }
0x14: {  	s2 =	sld [smem:$0x3F8F];
	s0 =	simm.s32 @p1 $0x1  }
0x15: {  	[smem:$0x3FAC] =	sst s0;
	s0 =	simm.s32 @!p2 $0x0  }
0x16: {  	s3 =	sld [smem:$0x3FDB];
	s0 =	simm.s32 @p2 $0x1  }
0x17: {  	s4 =	simm.s32 $0x1BF5;
	[smem:$0x3FAE] =	sst s0  }
0x18: {  	s0 =	sld [smem:$0x3F91];
	_ =	swait.ge [sflag:s4], $0x0  }
0x19: {  	s7 =	sld [smem:$0x3F92]  }
0x1a: {  	s8 =	sadd.s32 $0xFFFFE003, lr  }
0x1b: {  	s9 =	sadd.s32 $0xFFFFFEF7, lr;
	s5 =	simm.s32 $0xFFFFFFFF;
	p2 =	slt.u32 s8, $0xFFFFF086  }
0x1c: {  	p1 =	slt.u32 s9, $0xF7A;
	s5 =	simm.s32 @!p2 $0x0  }
0x1d: {  	s5 =	simm.s32 @p1 $0x1;
	p0 =	seq.s32 s7, s2  }
0x1e: {  	s7 =	smul.u32 @!p0 $0xF7A, s2;
	p2 =	seq.s32 @!p0 s5, $0x0  }
0x1f: {  	s9 =	smul.u32 $0xF7A, s1;
	s8 =	simm.s32 @!p0 $0x1BF5;
	p2 =	por !p2, p0  }
0x20: {  	[sflag:s8] =	ssyncset.s32 @!p0 $0xFFFFF086;
	s6 =	sadd.s32 @!p0 s3, s7;
	s7 =	simm.s32 @!p0 $0x108  }
0x21: {  	s3 =	sadd.s32 s3, s9;
	s6 =	sadd.s32 @!p0 $0x88, s6;
	s7 =	simm.s32 @p2 $0x1082  }
0x22: {  	[simem:s7], [sflag:s8] =	dma.local @!p0 [hbm:s6], $0xF7A  }
0x23: {  	s9 =	sor.u32 $0xD0000000, s2;
	s6 =	simm.s32 $0x108;
	_ =	swait.ge @!p0 [sflag:s8], $0x0  }
0x24: {  	s3 =	sadd.s32 $0x88, s3;
	s6 =	simm.s32 @!p1 $0x1082;
	[sflag:s4] =	ssyncset.s32 $0xFFFFF086  }
0x25: {  	[simem:s6], [sflag:s4] =	dma.local [hbm:s3], $0xF7A  }
0x26: {  	[smem:$0x3F92] =	sst s1;
	(tag) =	ssettag s2;
	_ =	strace s9  }
0x27: {  	s1 =	sld [smem:$0x3FA2]  }
0x28: {  	s2 =	sld [smem:$0x3FA3]  }
0x29: {  	s4 =	sld [smem:$0x3FA5]  }
0x2a: {  	p0 =	seq.s32 s5, $0x0;
	s5 =	sld [smem:$0x3FA6]  }
0x2b: {  	s6 =	sld [smem:$0x3FA7]  }
0x2c: {  	s7 =	sld [smem:$0x3FA8]  }
0x2d: {  	s3 =	simm.s32 $0x108;
	s8 =	sld [smem:$0x3FA9]  }
0x2e: {  	s3 =	simm.s32 @!p0 $0x1082;
	s9 =	sld [smem:$0x3FAA]  }
0x2f: {  	lr =	sadd.s32 s0, s3;
	s0 =	sld [smem:$0x3FA1]  }
0x30: {  	s3 =	sld [smem:$0x3FA4]  }
0x31: {  	[smem:$0x3FAD] =	sst s10  }
0x32: {  	s10 =	sld [smem:$0x3FAB];
	_ =	sdelay $0x3  }
0x33: {  	p0 =	seq.s32 s10, $0x1;
	s10 =	sld [smem:$0x3FAD];
	_ =	sdelay $0x3  }
0x34: {  	[smem:$0x3FAD] =	sst s10  }
0x35: {  	s10 =	sld [smem:$0x3FAC];
	_ =	sdelay $0x3  }
0x36: {  	p1 =	seq.s32 s10, $0x1;
	s10 =	sld [smem:$0x3FAD];
	_ =	sdelay $0x3  }
0x37: {  	[smem:$0x3FAD] =	sst s10  }
0x38: {  	s10 =	sld [smem:$0x3FAE]  }
0x39: {  	_ = 	snop;
	(pc) =	sbr.ind lr, $3  }
0x3a: {  	_ = 	snop  }
0x3b: {  	_ = 	snop  }
0x3c: {  	p2 =	seq.s32 s10, $0x1;
	s10 =	sld [smem:$0x3FAD]  }
0x3d: {  	_ =	shalt  }
0x3e: {  	_ =	shalt  }
0x3f: {  	_ =	shalt  }
0x40: {  	_ =	shalt  }
0x41: {  	_ =	shalt  }
0x42: {  	_ =	shalt  }
0x43: {  	_ =	shalt  }
0x44: {  	_ =	shalt  }
0x45: {  	_ =	shalt  }
0x46: {  	_ =	shalt  }
0x47: {  	_ =	shalt  }
0x48: {  	_ =	shalt  }
0x49: {  	_ =	shalt  }
0x4a: {  	_ =	shalt  }
0x4b: {  	_ =	shalt  }
0x4c: {  	_ =	shalt  }
0x4d: {  	_ =	shalt  }
0x4e: {  	_ =	shalt  }
0x4f: {  	_ =	shalt  }
0x50: {  	_ =	shalt  }
0x51: {  	_ =	shalt  }
0x52: {  	_ =	shalt  }
0x53: {  	_ =	shalt  }
0x54: {  	_ =	shalt  }
0x55: {  	_ =	shalt  }
0x56: {  	_ =	shalt  }
0x57: {  	_ =	shalt  }
0x58: {  	_ =	shalt  }
0x59: {  	_ =	shalt  }
0x5a: {  	_ =	shalt  }
0x5b: {  	_ =	shalt  }
0x5c: {  	_ =	shalt  }
0x5d: {  	_ =	shalt  }
0x5e: {  	_ =	shalt  }
0x5f: {  	_ =	shalt  }
0x60: {  	_ =	shalt  }
0x61: {  	_ =	shalt  }
0x62: {  	_ =	shalt  }
0x63: {  	_ =	shalt  }
0x64: {  	_ =	shalt  }
0x65: {  	_ =	shalt  }
0x66: {  	_ =	shalt  }
0x67: {  	_ =	shalt  }
0x68: {  	_ =	shalt  }
0x69: {  	_ =	shalt  }
0x6a: {  	_ =	shalt  }
0x6b: {  	_ =	shalt  }
0x6c: {  	_ =	shalt  }
0x6d: {  	_ =	shalt  }
0x6e: {  	_ =	shalt  }
0x6f: {  	_ =	shalt  }
0x70: {  	_ =	shalt  }
0x71: {  	_ =	shalt  }
0x72: {  	_ =	shalt  }
0x73: {  	_ =	shalt  }
0x74: {  	_ =	shalt  }
0x75: {  	_ =	shalt  }
0x76: {  	_ =	shalt  }
0x77: {  	_ =	shalt  }
0x78: {  	_ =	shalt  }
0x79: {  	_ =	shalt  }
0x7a: {  	_ =	shalt  }
0x7b: {  	_ =	shalt  }
0x7c: {  	_ =	shalt  }
0x7d: {  	_ =	shalt  }
0x7e: {  	_ =	shalt  }
0x7f: {  	_ =	shalt  }
0x80: {  	_ =	shalt  }
0x81: {  	_ =	shalt  }
0x82: {  	_ =	shalt  }
0x83: {  	_ =	shalt  }
0x84: {  	_ =	shalt  }
0x85: {  	_ =	shalt  }
0x86: {  	_ =	shalt  }
0x87: {  	_ =	shalt  }
.Lfunc_end0:
.L_simem_size_0:
called_computation_lowered:
.L_overlay_start_0:
0x88: {  	s2 =	sld [smem:$0x3FD9]  }
0x89: {  	s3 =	sld [smem:$0x3FFE];
	_ =	sdelay $0x1  }
0x8a: {  	s1 =	srdreg.scid  }
0x8b: {  	s0 =	sand.u32 $0x1, s1  }
0x8c: {  	s14 =	sshll.u32 s0, $0xA;
	s2 =	sadd.s32 s3, s2  }
0x8d: {  	s2 =	sadd.s32 s2, s14  }
0x8e: {  	[smem:$0x3FB9] =	sst s2  }
0x8f: {  	_ = 	snop  }
0x90: {  	s2 =	sld [smem:$0x3FC8]  }
0x91: {  	s15 =	sld [smem:$0x3FC7]  }
0x92: {  	s4 =	sld [smem:$0x3FC4]  }
0x93: {  	s5 =	sld [smem:$0x3FD0]  }
0x94: {  	s6 =	sld [smem:$0x3FC3]  }
0x95: {  	s7 =	sld [smem:$0x3FBD]  }
0x96: {  	s9 =	simm.s32 $0xA;
	s10 =	simm.s32 $0x10;
	s8 =	sld [smem:$0x3FBC]  }
0x97: {  	[smem:s10], [sflag:s9] =	dma.local [hbm:s5], $0x1  }
0x98: {  	_ =	swait.eq [sflag:s9], $0x1  }
0x99: {  	[sflag:s9] =	ssyncset.done $0x0  }
0x9a: {  	[sflag:s9] =	ssyncadd.s32 $0xFFFFFFFF  }
0x9b: {  	s16 =	sld [smem:$0x12];
	(tm) =	ssettm $0x1  }
0x9c: {  	s17 =	sld [smem:$0x3FFB];
	_ =	sdelay $0x3  }
0x9d: {  	_ =	strace s17  }
0x9e: {  	s9 =	sld [smem:$0x3FFC];
	_ =	sdelay $0x3  }
0x9f: {  	_ =	strace s9  }
0xa0: {  	s9 =	sld [smem:$0x3FFD];
	_ =	sdelay $0x3  }
0xa1: {  	_ =	strace s9  }
0xa2: {  	_ =	strace $0x8FFFFFFF  }
0xa3: {  	s18 =	sld [smem:$0x3FDB];
	_ =	sdelay $0x1  }
0xa4: {  	s19 =	simm.s32 $_scs_section_size  }
0xa5: {  	s11 =	simm.s32 $_size__tile_overlayer_lowered;
	s12 =	simm.s32 $_tile_overlayer_lowered  }
0xa6: {  	s22 =	simm.s32 $0x1BFF;
	s21 =	sshll.u32 s12, $0x1;
	s9 =	sadd.s32 s19, s18  }
0xa7: {  	s13 =	simm.s32 $0x0;
	s20 =	sshll.u32 s11, $0x1;
	s11 =	sadd.s32 s21, s9  }
0xa8: {  	[timem:s13], [sflag:s22] =	dma.local [hbm:s11], s20  }
0xa9: {  	_ =	swait.ge [sflag:s22], s20  }
0xaa: {  	s10 =	ssub.s32 $0x0, s20;
	[sflag:s22] =	ssyncset.done $0x0  }
0xab: {  	[sflag:s22] =	ssyncadd.s32 s10;
	_ =	sdelay $0x1  }
0xac: {  	s23 =	simm.s32 $0x1B8B  }
0xad: {  	_ =	swait.ge [sflag:s23], $0x1  }
0xae: {  	[sflag:s23] =	ssyncset.done $0x0  }
0xaf: {  	s25 =	simm.s32 $0x1B8E;
	s24 =	sld [smem:$0x3FFE];
	[sflag:s23] =	ssyncadd.s32 $0xFFFFFFFF  }
0xb0: {  	s26 =	simm.s32 $execute0_lowered;
	[smem:$0x3FD2] =	sst s25  }
0xb1: {  	s11 =	sshll.u32 s26, $0x1;
	_ =	strace $0x80000046;
	[dreg:$0x1] =	wrdreg $0xFFFFFFFF  }
0xb2: {  	s28 =	simm.s32 $_size_execute0_lowered;
	s9 =	sadd.s32 s9, s11;
	[dreg:$0x0] =	wrdreg $0x0  }
0xb3: {  	s11 =	sshll.u32 s28, $0x1;
	[dreg:$0x2] =	wrdreg s9  }
0xb4: {  	[dreg:$0x3] =	wrdreg s11  }
0xb5: {  	[dreg:$0x4] =	wrdreg $0xC0  }
0xb6: {  	_ =	task [dreg:s13], $0x5FFFF  }
0xb7: {  	[dreg:$0x1] =	wrdreg $0xFFFFFFFF  }
0xb8: {  	[dreg:$0x0] =	wrdreg $0x60  }
0xb9: {  	[dreg:$0x2] =	wrdreg s15  }
0xba: {  	[dreg:$0x3] =	wrdreg s2  }
0xbb: {  	[dreg:$0x4] =	wrdreg s4  }
0xbc: {  	[dreg:$0x5] =	wrdreg s6  }
0xbd: {  	[dreg:$0x6] =	wrdreg s7  }
0xbe: {  	[dreg:$0x7] =	wrdreg s8  }
0xbf: {  	[dreg:$0x8] =	wrdreg s16  }
0xc0: {  	[dreg:$0x9] =	wrdreg s24  }
0xc1: {  	[dreg:$0xa] =	wrdreg $0x9  }
0xc2: {  	_ =	task.clear_ibuf [dreg:s13], $0xBFFFF;
	_ =	strace $0x90000046  }
0xc3: {  	s29 =	simm.s32 $0x9;
	_ =	strace $0x80000048  }
0xc4: {  	_ =	swait.ge [sflag:s29], $0x1  }
0xc5: {  	[sflag:s29] =	ssyncadd.s32 $0xFFFFFFFF  }
0xc6: {  	_ =	strace $0x90000048  }
0xc7: {  	_ =	sfence  }
0xc8: {  	s30 =	sld [smem:$0x0];
	_ =	sdelay $0x2  }
0xc9: {  	s31 =	sshll.u32 s1, $0xD;
	s1 =	sshrl.u32 s1, $0x2  }
0xca: {  	s3 =	sand.u32 $0x4000, s31;
	s1 =	sadd.s32 s1, s30  }
0xcb: {  	s0 =	sor.u32 s3, s0;
	s1 =	sshll.u32 s1, $0x11  }
0xcc: {  	s0 =	sor.u32 s1, s0  }
0xcd: {  	s0 =	sadd.s32 $0x8F2B, s0  }
0xce: {  	[sflag:s0] =	ssyncadd.remote.s32 $0x1  }
0xcf: {  	_ =	sfence.sel $0xFFFF  }
0xd0: {  	[dreg:$0x0] =	wrdreg $0xFFFFFFFF;
	(pc) =	sbr.abs _section_cstart, $3  }
0xd1: {  	[dreg:$0x1] =	wrdreg $0xFFFFFFFF  }
0xd2: {  	_ =	task.clear_ibuf [dreg:s13], $0x2FFFF;
	_ =	strace $0x9FFFFFFF  }
0xd3: {  	(tm) =	ssettm $0x7FFFFFFF  }
tec
execute0_lowered:
.L_overlay_start_1:
0x0: {  	(tag) =	ssettag $0x1  }
0x1: {  	s1 =	rddreg [dreg:$0x0]  }
0x2: {  	s0 =	rddreg [dreg:$0x1];
	s2 =	srdreg.scid  }
0x3: {  	s3 =	stileid.u32;
	s4 =	rddreg [dreg:$0x7]  }
0x4: {  	s8 =	simm.s32 $0x0;
	s18 =	simm.s32 $0x3;
	s22 =	simm.s32 $0xB000  }
0x5: {  	s23 =	simm.s32 $0x1;
	s24 =	simm.s32 $0x13100;
	s25 =	simm.s32 $0x13000  }
0x6: {  	v0 =	vlaneseq.u32;
	s26 =	simm.s32 $0x2;
	s28 =	simm.s32 $0x13080;
	s29 =	simm.s32 $0x0  }
0x7: {  	s2 =	sand.u32 $0x1, s2;
	s3 =	sshll.u32 s3, $0x1;
	[smem:$0x7FF] =	sst s8;
	v0 =	vand.u32 $0x7, v0  }
0x8: {  	s3 =	sor.u32 s2, s3;
	_ =	strace $0x80000047;
	s2 =	ssub.s32 $0x2, s2;
	v1 =	vmul.u32 $0x80, v0  }
0x9: {  	s5 =	smul.u32 $0x30, s3;
	s6 =	sshll.u32 s3, $0x4;
	s30 =	sshrl.u32 s2, $0x1  }
0xa: {  	s3 =	sshll.u32 s3, $0x10;
	s6 =	sadd.s32 s6, s4;
	s2 =	ssub.s32 s2, s30;
	v2 =	vor.u32 $0x1, v1;
	v3 =	vor.u32 $0x2, v1;
	v4 =	vor.u32 $0x3, v1  }
0xb: {  	s10 =	sadd.s32 s1, s3;
	v5 =	vor.u32 $0x4, v1;
	v6 =	vor.u32 $0x5, v1;
	v7 =	vor.u32 $0x6, v1;
	s7 =	sshrl.u32 s5, $0x3;
	s9 =	sadd.s32 $0xA00, s5  }
0xc: {  	v8 =	vor.u32 $0x7, v1;
	v9 =	vor.u32 $0x8, v1;
	v10 =	vor.u32 $0x9, v1;
	s11 =	sadd.s32 $0x2000, s10;
	s13 =	sadd.s32 $0x3000, s6;
	s31 =	sshll.u32 s9, $0x9  }
0xd: {  	v11 =	vor.u32 $0xA, v1;
	v12 =	vor.u32 $0xB, v1;
	v13 =	vor.u32 $0xC, v1;
	s15 =	smax.u32 s2, $0x1;
	s4 =	sadd.s32 s7, s4;
	s12 =	sadd.s32 s0, s31  }
0xe: {  	v14 =	vor.u32 $0xD, v1;
	v15 =	vor.u32 $0xE, v1;
	v16 =	vor.u32 $0xF, v1;
	s5 =	simm.s32 $0x2000;
	s14 =	sadd.s32 $0x3200, s4;
	s16 =	sadd.s32 $0x2000, s12  }
.LBB2_1:
0xf: {  	s1 =	rddreg [dreg:$0x6];
	s2 =	simm.s32 $0x13500  }
0x10: {  	[tilespmem:s2], [sflag:$0x3] =	stream.linear.gather [hbm4b:s1+s8], $0x80, $0x38;
	[tilespmem:$0x13580] =	vst v63  }
0x11: {  	_ =	swait.ge [sflag:s18], $0x80  }
0x12: {  	[sflag:s18] =	ssyncset.done $0x0  }
0x13: {  	[sflag:s18] =	ssyncadd.s32 $0xFFFFFF80  }
0x14: {  	s30 =	rddreg [dreg:$0x2]  }
0x15: {  	v17 =	vld [tilespmem:$0x13500];
	[tilespmem:s8], [sflag:$0x3] =	stream.linear.gather [hbm4b:s30+s8], $0x1000, $0x38  }
0x16: {  	_ =	swait.ge [sflag:s18], $0x1000  }
0x17: {  	[sflag:s18] =	ssyncset.done $0x0  }
0x18: {  	[sflag:s18] =	ssyncadd.s32 $0xFFFFF000  }
0x19: {  	s31 =	rddreg [dreg:$0x4]  }
0x1a: {  	[tilespmem:s5], [sflag:$0x3] =	stream.linear.gather [hbm4b:s31+s8], $0x1000, $0x38;
	[tilespmem:$0x13580] =	vst v63  }
0x1b: {  	_ =	swait.ge [sflag:s18], $0x1000  }
0x1c: {  	[sflag:s18] =	ssyncset.done $0x0  }
0x1d: {  	s2 =	simm.s32 $0x0;
	[sflag:s18] =	ssyncadd.s32 $0xFFFFF000  }
0x1e: {  	v18 =	vld [tilespmem:s2+$0x2000];
	_ =	sdelay $0x4  }
0x1f: {  	(erf) = vrcp.f32 v18;
	_ =	sdelay $0x2  }
0x20: {  	s1 =	simm.s32 $0x10  }
0x21: {  	s3 =	simm.s32 $0x80;
	v18 =	vld [tilespmem:s1+$0x2000]  }
.LBB2_2:
0x22: {  	p0 =	sne.s32 s3, $0x3FC0;
	v19 =	vld [tilespmem:s2+$0x0];
	_ =	sdelay $0x3  }
0x23: {  	v20 =	vpop (erf)  }
.Ltmp0:
0x24: {  	(erf) = vrcp.f32 v18;
	v18 =	vmul.f32 v20, v19;
	(pc) =	sbr.rel @p0 .LBB2_2-.Ltmp0, $4  }
0x25: {  	_ = 	snop  }
0x26: {  	v19 =	vmul.f32 v18, v17  }
0x27: {  	s4 =	sshra.s32 s3, $0x2  }
0x28: {  	s3 =	sadd.s32 $0x40, s3;
	v18 =	vld [tilespmem:s4+$0x2000];
	[tilespmem:s2+$0x0] =	vst v19;
	s2 =	smov.u32 s1;
	s1 =	smov.u32 s4  }
0x29: {  	v19 =	vld [tilespmem:s2+$0x0];
	_ =	sdelay $0x3  }
0x2a: {  	v20 =	vpop (erf)  }
0x2b: {  	(erf) = vrcp.f32 v18;
	v18 =	vmul.f32 v20, v19;
	_ =	sdelay $0x1  }
0x2c: {  	v18 =	vmul.f32 v18, v17;
	_ =	sdelay $0x1  }
0x2d: {  	[tilespmem:s2+$0x0] =	vst v18  }
0x2e: {  	v18 =	vld [tilespmem:s1+$0x0];
	_ =	sdelay $0x3  }
0x2f: {  	v19 =	vpop (erf)  }
0x30: {  	v18 =	vmul.f32 v19, v18;
	_ =	sdelay $0x1  }
0x31: {  	v18 =	vmul.f32 v18, v17;
	_ =	sdelay $0x1  }
0x32: {  	s21 =	simm.s32 $0x0;
	s30 =	rddreg [dreg:$0x3];
	s3 =	simm.s32 $0x1000;
	[tilespmem:s1+$0x0] =	vst v18  }
0x33: {  	[tilespmem:s3], [sflag:$0x3] =	stream.linear.gather [hbm4b:s30+s21], $0x1000, $0x38;
	[tilespmem:$0x13580] =	vst v63  }
0x34: {  	_ =	swait.ge [sflag:s18], $0x1000  }
0x35: {  	[sflag:s18] =	ssyncset.done $0x0  }
0x36: {  	[sflag:s18] =	ssyncadd.s32 $0xFFFFF000  }
0x37: {  	s31 =	rddreg [dreg:$0x5]  }
0x38: {  	[tilespmem:s5], [sflag:$0x3] =	stream.linear.gather [hbm4b:s31+s21], $0x1000, $0x38;
	[tilespmem:$0x13580] =	vst v63  }
0x39: {  	_ =	swait.ge [sflag:s18], $0x1000  }
0x3a: {  	[sflag:s18] =	ssyncset.done $0x0  }
0x3b: {  	s2 =	simm.s32 $0x0;
	[sflag:s18] =	ssyncadd.s32 $0xFFFFF000  }
0x3c: {  	v18 =	vld [tilespmem:s2+$0x2000];
	_ =	sdelay $0x4  }
0x3d: {  	(erf) = vrcp.f32 v18;
	_ =	sdelay $0x2  }
0x3e: {  	s1 =	simm.s32 $0x10  }
0x3f: {  	s3 =	simm.s32 $0x80;
	v18 =	vld [tilespmem:s1+$0x2000]  }
.LBB2_4:
0x40: {  	p0 =	sne.s32 s3, $0x3FC0;
	v19 =	vld [tilespmem:s2+$0x1000];
	_ =	sdelay $0x3  }
0x41: {  	v20 =	vpop (erf)  }
.Ltmp1:
0x42: {  	(erf) = vrcp.f32 v18;
	v18 =	vmul.f32 v20, v19;
	(pc) =	sbr.rel @p0 .LBB2_4-.Ltmp1, $4  }
0x43: {  	_ = 	snop  }
0x44: {  	v19 =	vmul.f32 v18, v17  }
0x45: {  	s4 =	sshra.s32 s3, $0x2  }
0x46: {  	s3 =	sadd.s32 $0x40, s3;
	v18 =	vld [tilespmem:s4+$0x2000];
	[tilespmem:s2+$0x1000] =	vst v19;
	s2 =	smov.u32 s1;
	s1 =	smov.u32 s4  }
0x47: {  	v19 =	vld [tilespmem:s2+$0x1000];
	_ =	sdelay $0x3  }
0x48: {  	v20 =	vpop (erf)  }
0x49: {  	(erf) = vrcp.f32 v18;
	v18 =	vmul.f32 v20, v19;
	_ =	sdelay $0x1  }
0x4a: {  	v18 =	vmul.f32 v18, v17;
	_ =	sdelay $0x1  }
0x4b: {  	[tilespmem:s2+$0x1000] =	vst v18  }
0x4c: {  	v18 =	vld [tilespmem:s1+$0x1000];
	_ =	sdelay $0x3  }
0x4d: {  	v19 =	vpop (erf)  }
0x4e: {  	v18 =	vmul.f32 v19, v18;
	_ =	sdelay $0x1  }
0x4f: {  	v17 =	vmul.f32 v18, v17;
	_ =	sdelay $0x1  }
0x50: {  	s30 =	simm.s32 $0x0;
	s21 =	simm.s32 $0x3000;
	s31 =	simm.s32 $0x0;
	[tilespmem:s1+$0x1000] =	vst v17  }
0x51: {  	[tilespmem:s21], [sflag:$0x1] =	stream.linear.gather [hbm4b:s10+s30], $0x8000, $0x38;
	[tilespmem:$0x13580] =	vst v63  }
.LBB2_6:
0x52: {  	s2 =	sshll.u32 s31, $0x4  }
0x53: {  	s6 =	sor.u32 $0x8, s2  }
0x54: {  	s1 =	sshll.u32 s6, $0x9  }
0x55: {  	s1 =	sadd.s32 s1, s10  }
0x56: {  	[tilespmem:s22], [sflag:$0x2] =	stream.linear.gather [hbm4b:s1+s30], $0x8000, $0x38;
	[tilespmem:$0x13580] =	vst v63  }
0x57: {  	_ =	swait.ge [sflag:s23], $0x8000  }
0x58: {  	s3 =	sand.u32 $0x7C00, s30;
	s4 =	sand.u32 $0x40, s30;
	[sflag:s23] =	ssyncset.done $0x0  }
0x59: {  	s3 =	sadd.s32 $0x3000, s3;
	s1 =	simm.s32 $0x1000;
	[sflag:s23] =	ssyncadd.s32 $0xFFFF8000  }
0x5a: {  	s5 =	sor.u32 s4, s3;
	v20 =	vld [tilespmem:s1+$0x0]  }
0x5b: {  	v21 =	vld [tilespmem:s5+$0x0]  }
0x5c: {  	s7 =	sand.u32 $0xF80, s30;
	v22 =	vld [tilespmem:s5+$0x80]  }
0x5d: {  	s7 =	sor.u32 $0x1000, s7;
	s17 =	sor.u32 $0x30, s4;
	v23 =	vld [tilespmem:s5+$0x100]  }
0x5e: {  	s21 =	sor.u32 s17, s7;
	v24 =	vld [tilespmem:s5+$0x180]  }
0x5f: {  	s17 =	sor.u32 s17, s3;
	v17 =	vld [tilespmem:s21+$0x0]  }
0x60: {  	v25 =	vld [tilespmem:s17+$0x0]  }
0x61: {  	v26 =	vld [tilespmem:s17+$0x80]  }
0x62: {  	s19 =	sor.u32 $0x20, s4;
	v27 =	vld [tilespmem:s17+$0x100]  }
0x63: {  	s20 =	sor.u32 s19, s7;
	s4 =	sor.u32 $0x10, s4;
	v28 =	vld [tilespmem:s17+$0x180]  }
0x64: {  	s7 =	sor.u32 s4, s7;
	v18 =	vld [tilespmem:s20+$0x0]  }
0x65: {  	s21 =	sor.u32 s19, s3;
	v19 =	vld [tilespmem:s7+$0x0]  }
0x66: {  	v33 =	vld [tilespmem:s21+$0x0]  }
0x67: {  	v34 =	vld [tilespmem:s21+$0x80]  }
0x68: {  	v41 =	vld [tilespmem:s21+$0x100]  }
0x69: {  	p0 =	por $0x0, $0x0;
	s3 =	sor.u32 s4, s3;
	s4 =	simm.s32 $0x1;
	v42 =	vld [tilespmem:s21+$0x180]  }
0x6a: {  	v44 =	vld [tilespmem:s3+$0x0];
	s4 =	simm.s32 @!p0 $0x0  }
0x6b: {  	v45 =	vld [tilespmem:s3+$0x80];
	s4 =	sshll.u32 s4, $0x6;
	v39 =	vmul.f32 v21, v20;
	v40 =	vmul.f32 v22, v20  }
0x6c: {  	s17 =	sadd.s32 $0x0, s4;
	v21 =	vld [tilespmem:s3+$0x100];
	v37 =	vmul.f32 v23, v20;
	v38 =	vmul.f32 v24, v20  }
0x6d: {  	s4 =	sor.u32 $0x200, s17;
	v22 =	vld [tilespmem:s3+$0x180];
	v31 =	vmul.f32 v25, v17;
	v32 =	vmul.f32 v26, v17  }
0x6e: {  	s5 =	sor.u32 $0x280, s17;
	v30 =	vmul.f32 v27, v17;
	v29 =	vmul.f32 v28, v17;
	v43 =	vld [tilespmem:s4+$0x3000];
	v25 =	vimm.f32 $0.0e+00  }
0x6f: {  	s7 =	sor.u32 $0x300, s17;
	v50 =	vld [tilespmem:s5+$0x3000];
	v26 =	vimm.f32 $0.0e+00;
	v27 =	vimm.f32 $0.0e+00;
	v35 =	vmul.f32 v33, v18  }
0x70: {  	s19 =	sor.u32 $0x380, s17;
	v47 =	vld [tilespmem:s7+$0x3000];
	s5 =	sadd.s32 $0x30, s17;
	v28 =	vimm.f32 $0.0e+00;
	v36 =	vmul.f32 v34, v18;
	v33 =	vmul.f32 v41, v18  }
0x71: {  	v48 =	vld [tilespmem:s19+$0x3000];
	v23 =	vimm.f32 $0.0e+00;
	v34 =	vmul.f32 v42, v18;
	v44 =	vmul.f32 v44, v19;
	s20 =	sor.u32 $0x200, s5  }
0x72: {  	s7 =	sadd.s32 $0x20, s17;
	v24 =	vimm.f32 $0.0e+00;
	v45 =	vmul.f32 v45, v19;
	s21 =	sor.u32 $0x280, s5;
	v46 =	vld [tilespmem:s20+$0x3000];
	v41 =	vmul.f32 v21, v19  }
0x73: {  	s3 =	simm.s32 $0x200;
	s4 =	simm.s32 $0x0;
	s20 =	sor.u32 $0x200, s7;
	v49 =	vld [tilespmem:s21+$0x3000];
	v42 =	vmul.f32 v22, v19;
	v22 =	vimm.f32 $0.0e+00;
	v21 =	vimm.f32 $0.0e+00  }
.LBB2_7:
0x74: {  	p1 =	sne.s32 s3, $0x7E00;
	v43 =	vmul.f32 v43, v20;
	v50 =	vmul.f32 v50, v20;
	s17 =	sadd.s32 $0x10, s17;
	v51 =	vld [tilespmem:s20+$0x3000];
	s20 =	sor.u32 $0x280, s7  }
0x75: {  	v25 =	vadd.f32 v39, v25;
	v26 =	vadd.f32 v40, v26;
	v39 =	vmul.f32 v47, v20;
	s19 =	sor.u32 $0x200, s17;
	v40 =	vld [tilespmem:s20+$0x3000]  }
0x76: {  	v27 =	vadd.f32 v37, v27;
	v28 =	vadd.f32 v38, v28;
	v37 =	vmul.f32 v48, v20;
	v20 =	vld [tilespmem:s19+$0x3000];
	s19 =	sor.u32 $0x280, s17  }
0x77: {  	v25 =	vadd.f32 v44, v25;
	v26 =	vadd.f32 v45, v26;
	v38 =	vld [tilespmem:s19+$0x3000];
	s19 =	sor.u32 $0x300, s17;
	v44 =	vmul.f32 v46, v17  }
0x78: {  	v27 =	vadd.f32 v41, v27;
	v28 =	vadd.f32 v42, v28;
	s17 =	sor.u32 $0x380, s17;
	v41 =	vld [tilespmem:s19+$0x3000];
	v42 =	vmul.f32 v49, v17  }
0x79: {  	v25 =	vadd.f32 v35, v25;
	v26 =	vadd.f32 v36, v26;
	v45 =	vld [tilespmem:s17+$0x3000];
	v35 =	vmul.f32 v51, v18;
	s17 =	sor.u32 $0x300, s7  }
0x7a: {  	v27 =	vadd.f32 v33, v27;
	v28 =	vadd.f32 v34, v28;
	s7 =	sor.u32 $0x380, s7;
	v33 =	vmul.f32 v40, v18;
	v34 =	vld [tilespmem:s17+$0x3000]  }
0x7b: {  	v25 =	vadd.f32 v31, v25;
	v26 =	vadd.f32 v32, v26;
	v36 =	vmul.f32 v20, v19;
	v40 =	vld [tilespmem:s7+$0x3000];
	s7 =	sor.u32 $0x300, s5  }
0x7c: {  	s4 =	sadd.s32 $0x40, s4;
	s17 =	sand.u32 $0x7C00, s3;
	v27 =	vadd.f32 v30, v27;
	v28 =	vadd.f32 v29, v28;
	v31 =	vmul.f32 v38, v19;
	v29 =	vld [tilespmem:s7+$0x3000];
	s7 =	sor.u32 $0x380, s5  }
0x7d: {  	s1 =	sadd.s32 $0x40, s1;
	v23 =	vadd.f32 v43, v23;
	v24 =	vadd.f32 v50, v24;
	s19 =	sand.u32 $0x40, s4;
	s5 =	sadd.s32 $0x3000, s17;
	v30 =	vmul.f32 v41, v19;
	v32 =	vld [tilespmem:s7+$0x3000]  }
0x7e: {  	v22 =	vadd.f32 v39, v22;
	v21 =	vadd.f32 v37, v21;
	s7 =	sor.u32 s19, s5;
	v20 =	vld [tilespmem:s1+$0x0];
	v19 =	vmul.f32 v45, v19  }
0x7f: {  	v23 =	vadd.f32 v36, v23;
	v24 =	vadd.f32 v31, v24;
	v37 =	vld [tilespmem:s7+$0x0];
	v31 =	vmul.f32 v34, v18  }
0x80: {  	s17 =	sand.u32 $0xF80, s4;
	v22 =	vadd.f32 v30, v22;
	v34 =	vld [tilespmem:s7+$0x80];
	v19 =	vadd.f32 v19, v21;
	v18 =	vmul.f32 v40, v18  }
0x81: {  	s20 =	sor.u32 $0x30, s19;
	s17 =	sor.u32 $0x1000, s17;
	v21 =	vadd.f32 v35, v23;
	v24 =	vadd.f32 v33, v24;
	v30 =	vld [tilespmem:s7+$0x100];
	v29 =	vmul.f32 v29, v17  }
0x82: {  	v22 =	vadd.f32 v31, v22;
	v33 =	vld [tilespmem:s7+$0x180];
	s7 =	sor.u32 s20, s17;
	v18 =	vadd.f32 v18, v19;
	v19 =	vmul.f32 v32, v17  }
0x83: {  	v23 =	vadd.f32 v44, v21;
	v24 =	vadd.f32 v42, v24;
	v17 =	vld [tilespmem:s7+$0x0];
	s7 =	sor.u32 s20, s5  }
0x84: {  	v22 =	vadd.f32 v29, v22;
	v31 =	vld [tilespmem:s7+$0x0];
	v21 =	vadd.f32 v19, v18  }
0x85: {  	v29 =	vld [tilespmem:s7+$0x80]  }
0x86: {  	s20 =	sor.u32 $0x20, s19;
	v35 =	vld [tilespmem:s7+$0x100]  }
0x87: {  	s21 =	sor.u32 s20, s17;
	v36 =	vld [tilespmem:s7+$0x180]  }
0x88: {  	s7 =	sor.u32 s20, s5;
	v18 =	vld [tilespmem:s21+$0x0]  }
0x89: {  	v41 =	vld [tilespmem:s7+$0x0]  }
0x8a: {  	v42 =	vld [tilespmem:s7+$0x80]  }
0x8b: {  	s19 =	sor.u32 $0x10, s19;
	v44 =	vld [tilespmem:s7+$0x100]  }
0x8c: {  	s17 =	sor.u32 s19, s17;
	v45 =	vld [tilespmem:s7+$0x180]  }
0x8d: {  	p0 =	por !p0, !p0;
	s5 =	sor.u32 s19, s5;
	s7 =	simm.s32 $0x1;
	v19 =	vld [tilespmem:s17+$0x0]  }
0x8e: {  	s7 =	simm.s32 @!p0 $0x0;
	v46 =	vld [tilespmem:s5+$0x0]  }
0x8f: {  	s7 =	sshll.u32 s7, $0x6;
	v49 =	vld [tilespmem:s5+$0x80]  }
0x90: {  	v39 =	vmul.f32 v37, v20;
	v40 =	vmul.f32 v34, v20;
	s17 =	sadd.s32 s7, s3;
	v51 =	vld [tilespmem:s5+$0x100]  }
0x91: {  	v37 =	vmul.f32 v30, v20;
	v38 =	vmul.f32 v33, v20;
	s7 =	sor.u32 $0x200, s17;
	v52 =	vld [tilespmem:s5+$0x180]  }
0x92: {  	v31 =	vmul.f32 v31, v17;
	v32 =	vmul.f32 v29, v17;
	s5 =	sor.u32 $0x280, s17;
	v43 =	vld [tilespmem:s7+$0x3000]  }
.Ltmp2:
0x93: {  	v30 =	vmul.f32 v35, v17;
	v29 =	vmul.f32 v36, v17;
	v50 =	vld [tilespmem:s5+$0x3000];
	s5 =	sor.u32 $0x300, s17;
	(pc) =	sbr.rel @p1 .LBB2_7-.Ltmp2, $4  }
0x94: {  	v35 =	vmul.f32 v41, v18;
	v36 =	vmul.f32 v42, v18;
	s7 =	sor.u32 $0x380, s17;
	v47 =	vld [tilespmem:s5+$0x3000];
	s5 =	sadd.s32 $0x30, s17  }
0x95: {  	v33 =	vmul.f32 v44, v18;
	v34 =	vmul.f32 v45, v18;
	v48 =	vld [tilespmem:s7+$0x3000];
	s19 =	sor.u32 $0x200, s5  }
0x96: {  	v44 =	vmul.f32 v46, v19;
	v45 =	vmul.f32 v49, v19;
	s7 =	sadd.s32 $0x20, s17;
	v46 =	vld [tilespmem:s19+$0x3000];
	s19 =	sor.u32 $0x280, s5  }
0x97: {  	s3 =	sadd.s32 $0x200, s3;
	v41 =	vmul.f32 v51, v19;
	v42 =	vmul.f32 v52, v19;
	s20 =	sor.u32 $0x200, s7;
	v49 =	vld [tilespmem:s19+$0x3000]  }
0x98: {  	v25 =	vadd.f32 v39, v25;
	v26 =	vadd.f32 v40, v26  }
0x99: {  	v43 =	vmul.f32 v43, v20;
	s1 =	sadd.s32 $0x10, s17;
	v51 =	vld [tilespmem:s20+$0x3000];
	s3 =	sor.u32 $0x280, s7;
	v27 =	vadd.f32 v37, v27;
	v28 =	vadd.f32 v38, v28  }
0x9a: {  	v50 =	vmul.f32 v50, v20;
	s4 =	sor.u32 $0x200, s1;
	v60 =	vld [tilespmem:s3+$0x3000];
	v25 =	vadd.f32 v44, v25;
	v26 =	vadd.f32 v45, v26  }
0x9b: {  	v59 =	vmul.f32 v47, v20;
	s19 =	sor.u32 $0x280, s1;
	v61 =	vld [tilespmem:s4+$0x3000];
	v27 =	vadd.f32 v41, v27;
	v28 =	vadd.f32 v42, v28  }
0x9c: {  	s20 =	sor.u32 $0x300, s1;
	v62 =	vld [tilespmem:s19+$0x3000];
	v23 =	vadd.f32 v43, v23;
	v24 =	vadd.f32 v50, v24  }
0x9d: {  	s1 =	sor.u32 $0x380, s1;
	v20 =	vmul.f32 v48, v20;
	v47 =	vld [tilespmem:s20+$0x3000];
	v22 =	vadd.f32 v59, v22;
	v25 =	vadd.f32 v35, v25  }
0x9e: {  	s21 =	sor.u32 $0x300, s7;
	v48 =	vmul.f32 v49, v17;
	v26 =	vadd.f32 v36, v26;
	v49 =	vld [tilespmem:s1+$0x3000];
	v27 =	vadd.f32 v33, v27  }
0x9f: {  	v54 =	vld [tilespmem:s21+$0x3000];
	s3 =	sor.u32 $0x380, s7;
	v63 =	vmul.f32 v46, v17;
	v28 =	vadd.f32 v34, v28;
	v20 =	vadd.f32 v20, v21  }
0xa0: {  	v55 =	vld [tilespmem:s3+$0x3000];
	s4 =	sor.u32 $0x300, s5;
	v52 =	vmul.f32 v51, v18;
	v25 =	vadd.f32 v31, v25;
	v31 =	vmul.f32 v61, v19  }
0xa1: {  	s5 =	sor.u32 $0x380, s5;
	v27 =	vadd.f32 v30, v27;
	v28 =	vadd.f32 v29, v28;
	v29 =	vld [tilespmem:s4+$0x3000];
	v30 =	vmul.f32 v62, v19  }
0xa2: {  	v57 =	vld [tilespmem:s5+$0x3000];
	v53 =	vmul.f32 v60, v18;
	v56 =	vmul.f32 v47, v19;
	v23 =	vadd.f32 v31, v23  }
0xa3: {  	v26 =	vadd.f32 v32, v26;
	v19 =	vmul.f32 v49, v19;
	v21 =	vadd.f32 v30, v24  }
0xa4: {  	[tilespmem:$0x13100] =	vst v25;
	v24 =	vmul.f32 v54, v18;
	v22 =	vadd.f32 v56, v22;
	v23 =	vadd.f32 v52, v23  }
0xa5: {  	[tilespmem:$0x13180] =	vst v26;
	v18 =	vmul.f32 v55, v18;
	v19 =	vadd.f32 v19, v20;
	v20 =	vadd.f32 v53, v21  }
0xa6: {  	[tilespmem:$0x13200] =	vst v27;
	v21 =	vmul.f32 v29, v17;
	v22 =	vadd.f32 v24, v22;
	v23 =	vadd.f32 v63, v23  }
0xa7: {  	[tilespmem:$0x13280] =	vst v28;
	v17 =	vmul.f32 v57, v17;
	v18 =	vadd.f32 v18, v19;
	v19 =	vadd.f32 v48, v20  }
0xa8: {  	v20 =	vadd.f32 v21, v22;
	[tilespmem:$0x13300] =	vst v23  }
0xa9: {  	v17 =	vadd.f32 v17, v18;
	[tilespmem:$0x13380] =	vst v19  }
0xaa: {  	[tilespmem:$0x13400] =	vst v20  }
0xab: {  	[tilespmem:$0x13480] =	vst v17  }
0xac: {  	v17 =	vld.idx.msk [tilespmem:v1+s24+$0x0], $0xffff;
	_ =	sdelay $0x1  }
0xad: {  	v18 =	vld.idx.msk [tilespmem:v2+s24+$0x0], $0xffff;
	_ =	sdelay $0x1  }
0xae: {  	v19 =	vld.idx.msk [tilespmem:v3+s24+$0x0], $0xffff  }
0xaf: {  	v17 =	vadd.f32 $0.0e+00, v17  }
0xb0: {  	v20 =	vld.idx.msk [tilespmem:v4+s24+$0x0], $0xffff  }
0xb1: {  	v17 =	vadd.f32 v18, v17  }
0xb2: {  	v18 =	vld.idx.msk [tilespmem:v5+s24+$0x0], $0xffff  }
0xb3: {  	v17 =	vadd.f32 v19, v17  }
0xb4: {  	v19 =	vld.idx.msk [tilespmem:v6+s24+$0x0], $0xffff  }
0xb5: {  	v17 =	vadd.f32 v20, v17  }
0xb6: {  	v20 =	vld.idx.msk [tilespmem:v7+s24+$0x0], $0xffff  }
0xb7: {  	v17 =	vadd.f32 v18, v17  }
0xb8: {  	v18 =	vld.idx.msk [tilespmem:v8+s24+$0x0], $0xffff  }
0xb9: {  	v17 =	vadd.f32 v19, v17  }
0xba: {  	v19 =	vld.idx.msk [tilespmem:v9+s24+$0x0], $0xffff  }
0xbb: {  	v17 =	vadd.f32 v20, v17  }
0xbc: {  	v20 =	vld.idx.msk [tilespmem:v10+s24+$0x0], $0xffff  }
0xbd: {  	v17 =	vadd.f32 v18, v17  }
0xbe: {  	v18 =	vld.idx.msk [tilespmem:v11+s24+$0x0], $0xffff  }
0xbf: {  	v17 =	vadd.f32 v19, v17  }
0xc0: {  	v19 =	vld.idx.msk [tilespmem:v12+s24+$0x0], $0xffff  }
0xc1: {  	v17 =	vadd.f32 v20, v17  }
0xc2: {  	v20 =	vld.idx.msk [tilespmem:v13+s24+$0x0], $0xffff  }
0xc3: {  	v17 =	vadd.f32 v18, v17  }
0xc4: {  	v18 =	vld.idx.msk [tilespmem:v14+s24+$0x0], $0xffff  }
0xc5: {  	v17 =	vadd.f32 v19, v17  }
0xc6: {  	v19 =	vld.idx.msk [tilespmem:v15+s24+$0x0], $0xffff  }
0xc7: {  	v17 =	vadd.f32 v20, v17  }
0xc8: {  	v20 =	vld.idx.msk [tilespmem:v16+s24+$0x0], $0xffff  }
0xc9: {  	v17 =	vadd.f32 v18, v17  }
0xca: {  	v18 =	vor.u32 s2, v0  }
0xcb: {  	v17 =	vadd.f32 v19, v17;
	_ =	sdelay $0x1  }
0xcc: {  	p0 =	seq.s32 s31, $0x7;
	v17 =	vadd.f32 v20, v17  }
0xcd: {  	s1 =	sshll.u32 @!p0 s31, $0xD  }
0xce: {  	s3 =	simm.s32 @!p0 $0x3000;
	s1 =	sadd.s32 @!p0 s1, s11;
	s2 =	simm.s32 @!p0 $0x0;
	[tilespmem:v18+s25+$0x0] =	vst.idx.msk $0xff, v17  }
0xcf: {  	[tilespmem:s3], [sflag:$0x1] =	stream.linear.gather @!p0 [hbm4b:s1+s2], $0x8000, $0x38;
	[tilespmem:$0x13580] =	vst v63  }
0xd0: {  	s2 =	simm.s32 $0x0;
	_ =	swait.ge [sflag:s26], $0x8000  }
0xd1: {  	s1 =	simm.s32 $0x1000;
	s7 =	sand.u32 $0x7C00, s2;
	[sflag:s26] =	ssyncset.done $0x0  }
0xd2: {  	s4 =	sand.u32 $0x40, s2;
	s3 =	sadd.s32 $0xB000, s7;
	[sflag:s26] =	ssyncadd.s32 $0xFFFF8000  }
0xd3: {  	s17 =	sor.u32 s4, s3;
	v20 =	vld [tilespmem:s1+$0x0]  }
0xd4: {  	v21 =	vld [tilespmem:s17+$0x0]  }
0xd5: {  	s19 =	sand.u32 $0xF80, s2;
	v22 =	vld [tilespmem:s17+$0x80]  }
0xd6: {  	s7 =	sor.u32 $0x1000, s19;
	s20 =	sor.u32 $0x30, s4;
	v23 =	vld [tilespmem:s17+$0x100]  }
0xd7: {  	s21 =	sor.u32 s20, s7;
	v24 =	vld [tilespmem:s17+$0x180]  }
0xd8: {  	v17 =	vld [tilespmem:s21+$0x0];
	s17 =	sor.u32 s20, s3  }
0xd9: {  	v25 =	vld [tilespmem:s17+$0x0]  }
0xda: {  	v26 =	vld [tilespmem:s17+$0x80]  }
0xdb: {  	s20 =	sor.u32 $0x20, s4;
	v27 =	vld [tilespmem:s17+$0x100]  }
0xdc: {  	s19 =	sor.u32 s20, s7;
	v28 =	vld [tilespmem:s17+$0x180]  }
0xdd: {  	s21 =	sor.u32 s20, s3;
	v18 =	vld [tilespmem:s19+$0x0]  }
0xde: {  	v58 =	vld [tilespmem:s21+$0x0]  }
0xdf: {  	v59 =	vld [tilespmem:s21+$0x80]  }
0xe0: {  	s4 =	sor.u32 $0x10, s4;
	v60 =	vld [tilespmem:s21+$0x100]  }
0xe1: {  	s7 =	sor.u32 s4, s7;
	v61 =	vld [tilespmem:s21+$0x180]  }
0xe2: {  	p0 =	por $0x0, $0x0;
	s3 =	sor.u32 s4, s3;
	s4 =	simm.s32 $0x1;
	v19 =	vld [tilespmem:s7+$0x0]  }
0xe3: {  	v62 =	vld [tilespmem:s3+$0x0];
	s4 =	simm.s32 @!p0 $0x0  }
0xe4: {  	v63 =	vld [tilespmem:s3+$0x80];
	s4 =	sshll.u32 s4, $0x6;
	v39 =	vmul.f32 v21, v20  }
0xe5: {  	s7 =	sadd.s32 $0x0, s4;
	v40 =	vmul.f32 v22, v20;
	v21 =	vld [tilespmem:s3+$0x100];
	v37 =	vmul.f32 v23, v20  }
0xe6: {  	v38 =	vmul.f32 v24, v20;
	v22 =	vld [tilespmem:s3+$0x180];
	s4 =	sor.u32 $0x200, s7;
	v24 =	vimm.f32 $0.0e+00;
	v31 =	vmul.f32 v25, v17  }
0xe7: {  	s5 =	sor.u32 $0x280, s7;
	v23 =	vimm.f32 $0.0e+00;
	v32 =	vmul.f32 v26, v17;
	v30 =	vmul.f32 v27, v17;
	v43 =	vld [tilespmem:s4+$0xB000]  }
0xe8: {  	s17 =	sor.u32 $0x300, s7;
	v29 =	vmul.f32 v28, v17;
	v50 =	vld [tilespmem:s5+$0xB000];
	v25 =	vimm.f32 $0.0e+00;
	v35 =	vmul.f32 v58, v18  }
0xe9: {  	s19 =	sor.u32 $0x380, s7;
	v47 =	vld [tilespmem:s17+$0xB000];
	s4 =	sadd.s32 $0x30, s7;
	v26 =	vimm.f32 $0.0e+00;
	v36 =	vmul.f32 v59, v18;
	v33 =	vmul.f32 v60, v18  }
0xea: {  	v48 =	vld [tilespmem:s19+$0xB000];
	v27 =	vimm.f32 $0.0e+00;
	v34 =	vmul.f32 v61, v18;
	v44 =	vmul.f32 v62, v19;
	s20 =	sor.u32 $0x200, s4  }
0xeb: {  	s5 =	sadd.s32 $0x20, s7;
	v28 =	vimm.f32 $0.0e+00;
	v45 =	vmul.f32 v63, v19;
	s21 =	sor.u32 $0x280, s4;
	v46 =	vld [tilespmem:s20+$0xB000];
	v41 =	vmul.f32 v21, v19  }
0xec: {  	s3 =	simm.s32 $0x200;
	s17 =	sor.u32 $0x200, s5;
	v49 =	vld [tilespmem:s21+$0xB000];
	v42 =	vmul.f32 v22, v19;
	v22 =	vimm.f32 $0.0e+00;
	v21 =	vimm.f32 $0.0e+00  }
.LBB2_9:
0xed: {  	p1 =	sne.s32 s3, $0x7E00;
	v43 =	vmul.f32 v43, v20;
	v50 =	vmul.f32 v50, v20;
	s7 =	sadd.s32 $0x10, s7;
	v51 =	vld [tilespmem:s17+$0xB000];
	s17 =	sor.u32 $0x280, s5  }
0xee: {  	v25 =	vadd.f32 v39, v25;
	v26 =	vadd.f32 v40, v26;
	v39 =	vmul.f32 v47, v20;
	s19 =	sor.u32 $0x200, s7;
	v40 =	vld [tilespmem:s17+$0xB000]  }
0xef: {  	v27 =	vadd.f32 v37, v27;
	v28 =	vadd.f32 v38, v28;
	s17 =	sor.u32 $0x280, s7;
	v37 =	vmul.f32 v48, v20;
	v20 =	vld [tilespmem:s19+$0xB000]  }
0xf0: {  	v25 =	vadd.f32 v44, v25;
	v26 =	vadd.f32 v45, v26;
	v38 =	vld [tilespmem:s17+$0xB000];
	s17 =	sor.u32 $0x300, s7;
	v44 =	vmul.f32 v46, v17  }
0xf1: {  	v27 =	vadd.f32 v41, v27;
	v28 =	vadd.f32 v42, v28;
	s7 =	sor.u32 $0x380, s7;
	v41 =	vld [tilespmem:s17+$0xB000];
	v42 =	vmul.f32 v49, v17  }
0xf2: {  	v25 =	vadd.f32 v35, v25;
	v26 =	vadd.f32 v36, v26;
	v45 =	vld [tilespmem:s7+$0xB000];
	v35 =	vmul.f32 v51, v18;
	s7 =	sor.u32 $0x300, s5  }
0xf3: {  	v27 =	vadd.f32 v33, v27;
	v28 =	vadd.f32 v34, v28;
	s5 =	sor.u32 $0x380, s5;
	v33 =	vmul.f32 v40, v18;
	v34 =	vld [tilespmem:s7+$0xB000]  }
0xf4: {  	v25 =	vadd.f32 v31, v25;
	v26 =	vadd.f32 v32, v26;
	v36 =	vmul.f32 v20, v19;
	v40 =	vld [tilespmem:s5+$0xB000];
	s5 =	sor.u32 $0x300, s4  }
0xf5: {  	s2 =	sadd.s32 $0x40, s2;
	s7 =	sand.u32 $0x7C00, s3;
	v27 =	vadd.f32 v30, v27;
	v28 =	vadd.f32 v29, v28;
	v31 =	vmul.f32 v38, v19;
	v29 =	vld [tilespmem:s5+$0xB000];
	s5 =	sor.u32 $0x380, s4  }
0xf6: {  	s1 =	sadd.s32 $0x40, s1;
	v24 =	vadd.f32 v43, v24;
	v23 =	vadd.f32 v50, v23;
	s17 =	sand.u32 $0x40, s2;
	s4 =	sadd.s32 $0xB000, s7;
	v30 =	vmul.f32 v41, v19;
	v32 =	vld [tilespmem:s5+$0xB000]  }
0xf7: {  	v22 =	vadd.f32 v39, v22;
	v21 =	vadd.f32 v37, v21;
	s5 =	sor.u32 s17, s4;
	v20 =	vld [tilespmem:s1+$0x0];
	v19 =	vmul.f32 v45, v19  }
0xf8: {  	v24 =	vadd.f32 v36, v24;
	v23 =	vadd.f32 v31, v23;
	v37 =	vld [tilespmem:s5+$0x0];
	v31 =	vmul.f32 v34, v18  }
0xf9: {  	s7 =	sand.u32 $0xF80, s2;
	v22 =	vadd.f32 v30, v22;
	v34 =	vld [tilespmem:s5+$0x80];
	v19 =	vadd.f32 v19, v21;
	v18 =	vmul.f32 v40, v18  }
0xfa: {  	s19 =	sor.u32 $0x30, s17;
	s7 =	sor.u32 $0x1000, s7;
	v21 =	vadd.f32 v35, v24;
	v23 =	vadd.f32 v33, v23;
	v30 =	vld [tilespmem:s5+$0x100];
	v29 =	vmul.f32 v29, v17  }
0xfb: {  	v22 =	vadd.f32 v31, v22;
	v33 =	vld [tilespmem:s5+$0x180];
	s5 =	sor.u32 s19, s7;
	v18 =	vadd.f32 v18, v19;
	v19 =	vmul.f32 v32, v17  }
0xfc: {  	v24 =	vadd.f32 v44, v21;
	v23 =	vadd.f32 v42, v23;
	v17 =	vld [tilespmem:s5+$0x0];
	s5 =	sor.u32 s19, s4  }
0xfd: {  	v22 =	vadd.f32 v29, v22;
	v31 =	vld [tilespmem:s5+$0x0];
	v21 =	vadd.f32 v19, v18  }
0xfe: {  	v29 =	vld [tilespmem:s5+$0x80]  }
0xff: {  	s19 =	sor.u32 $0x20, s17;
	v35 =	vld [tilespmem:s5+$0x100]  }
0x100: {  	s20 =	sor.u32 s19, s7;
	v36 =	vld [tilespmem:s5+$0x180]  }
0x101: {  	s5 =	sor.u32 s19, s4;
	v18 =	vld [tilespmem:s20+$0x0]  }
0x102: {  	v41 =	vld [tilespmem:s5+$0x0]  }
0x103: {  	v42 =	vld [tilespmem:s5+$0x80]  }
0x104: {  	s17 =	sor.u32 $0x10, s17;
	v44 =	vld [tilespmem:s5+$0x100]  }
0x105: {  	s7 =	sor.u32 s17, s7;
	v45 =	vld [tilespmem:s5+$0x180]  }
0x106: {  	p0 =	por !p0, !p0;
	s4 =	sor.u32 s17, s4;
	s5 =	simm.s32 $0x1;
	v19 =	vld [tilespmem:s7+$0x0]  }
0x107: {  	s5 =	simm.s32 @!p0 $0x0;
	v46 =	vld [tilespmem:s4+$0x0]  }
0x108: {  	s5 =	sshll.u32 s5, $0x6;
	v49 =	vld [tilespmem:s4+$0x80]  }
0x109: {  	v39 =	vmul.f32 v37, v20;
	v40 =	vmul.f32 v34, v20;
	s7 =	sadd.s32 s5, s3;
	v51 =	vld [tilespmem:s4+$0x100]  }
0x10a: {  	v37 =	vmul.f32 v30, v20;
	v38 =	vmul.f32 v33, v20;
	s5 =	sor.u32 $0x200, s7;
	v52 =	vld [tilespmem:s4+$0x180]  }
0x10b: {  	v31 =	vmul.f32 v31, v17;
	v32 =	vmul.f32 v29, v17;
	s4 =	sor.u32 $0x280, s7;
	v43 =	vld [tilespmem:s5+$0xB000]  }
.Ltmp3:
0x10c: {  	v30 =	vmul.f32 v35, v17;
	v29 =	vmul.f32 v36, v17;
	v50 =	vld [tilespmem:s4+$0xB000];
	s4 =	sor.u32 $0x300, s7;
	(pc) =	sbr.rel @p1 .LBB2_9-.Ltmp3, $4  }
0x10d: {  	v35 =	vmul.f32 v41, v18;
	v36 =	vmul.f32 v42, v18;
	s5 =	sor.u32 $0x380, s7;
	v47 =	vld [tilespmem:s4+$0xB000];
	s4 =	sadd.s32 $0x30, s7  }
0x10e: {  	v33 =	vmul.f32 v44, v18;
	v34 =	vmul.f32 v45, v18;
	v48 =	vld [tilespmem:s5+$0xB000];
	s17 =	sor.u32 $0x200, s4  }
0x10f: {  	v44 =	vmul.f32 v46, v19;
	v45 =	vmul.f32 v49, v19;
	s5 =	sadd.s32 $0x20, s7;
	s19 =	sor.u32 $0x280, s4;
	v46 =	vld [tilespmem:s17+$0xB000]  }
0x110: {  	s3 =	sadd.s32 $0x200, s3;
	v41 =	vmul.f32 v51, v19;
	v42 =	vmul.f32 v52, v19;
	s17 =	sor.u32 $0x200, s5;
	v49 =	vld [tilespmem:s19+$0xB000]  }
0x111: {  	s1 =	sadd.s32 $0x10, s7;
	v51 =	vld [tilespmem:s17+$0xB000];
	s2 =	sor.u32 $0x280, s5;
	v25 =	vadd.f32 v39, v25;
	v26 =	vadd.f32 v40, v26  }
0x112: {  	v43 =	vmul.f32 v43, v20;
	v27 =	vadd.f32 v37, v27;
	v28 =	vadd.f32 v38, v28;
	s3 =	sor.u32 $0x200, s1;
	v55 =	vld [tilespmem:s2+$0xB000]  }
0x113: {  	v50 =	vmul.f32 v50, v20;
	s7 =	sor.u32 $0x300, s1;
	v57 =	vld [tilespmem:s3+$0xB000];
	v25 =	vadd.f32 v44, v25;
	v26 =	vadd.f32 v45, v26  }
0x114: {  	v54 =	vmul.f32 v47, v20;
	s3 =	sor.u32 $0x280, s1;
	v27 =	vadd.f32 v41, v27;
	v28 =	vadd.f32 v42, v28;
	v60 =	vld [tilespmem:s7+$0xB000]  }
0x115: {  	v56 =	vmul.f32 v48, v20;
	s1 =	sor.u32 $0x380, s1;
	v24 =	vadd.f32 v43, v24;
	v23 =	vadd.f32 v50, v23;
	v58 =	vld [tilespmem:s3+$0xB000]  }
0x116: {  	s17 =	sor.u32 $0x300, s5;
	v59 =	vmul.f32 v46, v17;
	v62 =	vld [tilespmem:s1+$0xB000];
	v22 =	vadd.f32 v54, v22;
	v25 =	vadd.f32 v35, v25  }
0x117: {  	s19 =	sor.u32 $0x380, s5;
	v46 =	vld [tilespmem:s17+$0xB000];
	v61 =	vmul.f32 v49, v17;
	v26 =	vadd.f32 v36, v26;
	v27 =	vadd.f32 v33, v27  }
0x118: {  	s20 =	sor.u32 $0x300, s4;
	v48 =	vld [tilespmem:s19+$0xB000];
	v28 =	vadd.f32 v34, v28;
	v20 =	vadd.f32 v56, v21;
	v63 =	vmul.f32 v51, v18  }
0x119: {  	v51 =	vld [tilespmem:s20+$0xB000];
	v45 =	vmul.f32 v55, v18;
	v25 =	vadd.f32 v31, v25;
	v47 =	vmul.f32 v57, v19  }
0x11a: {  	s21 =	sor.u32 $0x380, s4;
	v26 =	vadd.f32 v32, v26;
	v27 =	vadd.f32 v30, v27;
	v52 =	vmul.f32 v60, v19  }
0x11b: {  	v53 =	vld [tilespmem:s21+$0xB000];
	v28 =	vadd.f32 v29, v28;
	v49 =	vmul.f32 v58, v19;
	v24 =	vadd.f32 v47, v24  }
0x11c: {  	v19 =	vmul.f32 v62, v19;
	v55 =	vmul.f32 v46, v18;
	v22 =	vadd.f32 v52, v22  }
0x11d: {  	[tilespmem:$0x13100] =	vst v25;
	v18 =	vmul.f32 v48, v18;
	v54 =	vadd.f32 v49, v23;
	v24 =	vadd.f32 v63, v24  }
0x11e: {  	[tilespmem:$0x13180] =	vst v26;
	v19 =	vadd.f32 v19, v20;
	v57 =	vmul.f32 v51, v17;
	v22 =	vadd.f32 v55, v22  }
0x11f: {  	[tilespmem:$0x13200] =	vst v27;
	v56 =	vadd.f32 v45, v54;
	v58 =	vadd.f32 v59, v24  }
0x120: {  	[tilespmem:$0x13280] =	vst v28;
	v17 =	vmul.f32 v53, v17;
	v18 =	vadd.f32 v18, v19;
	v59 =	vadd.f32 v57, v22  }
0x121: {  	v19 =	vadd.f32 v61, v56;
	[tilespmem:$0x13300] =	vst v58  }
0x122: {  	v17 =	vadd.f32 v17, v18;
	[tilespmem:$0x13400] =	vst v59  }
0x123: {  	[tilespmem:$0x13380] =	vst v19  }
0x124: {  	[tilespmem:$0x13480] =	vst v17  }
0x125: {  	v17 =	vld.idx.msk [tilespmem:v1+s24+$0x0], $0xffff;
	_ =	sdelay $0x1  }
0x126: {  	v18 =	vld.idx.msk [tilespmem:v2+s24+$0x0], $0xffff;
	_ =	sdelay $0x1  }
0x127: {  	v19 =	vld.idx.msk [tilespmem:v3+s24+$0x0], $0xffff  }
0x128: {  	v17 =	vadd.f32 $0.0e+00, v17  }
0x129: {  	v20 =	vld.idx.msk [tilespmem:v4+s24+$0x0], $0xffff  }
0x12a: {  	v17 =	vadd.f32 v18, v17  }
0x12b: {  	v18 =	vld.idx.msk [tilespmem:v5+s24+$0x0], $0xffff  }
0x12c: {  	v17 =	vadd.f32 v19, v17  }
0x12d: {  	v19 =	vld.idx.msk [tilespmem:v6+s24+$0x0], $0xffff  }
0x12e: {  	v17 =	vadd.f32 v20, v17  }
0x12f: {  	v60 =	vld.idx.msk [tilespmem:v7+s24+$0x0], $0xffff  }
0x130: {  	v17 =	vadd.f32 v18, v17  }
0x131: {  	v18 =	vld.idx.msk [tilespmem:v8+s24+$0x0], $0xffff  }
0x132: {  	v17 =	vadd.f32 v19, v17  }
0x133: {  	v19 =	vld.idx.msk [tilespmem:v9+s24+$0x0], $0xffff  }
0x134: {  	v17 =	vadd.f32 v60, v17  }
0x135: {  	v61 =	vld.idx.msk [tilespmem:v10+s24+$0x0], $0xffff  }
0x136: {  	v17 =	vadd.f32 v18, v17  }
0x137: {  	v18 =	vld.idx.msk [tilespmem:v11+s24+$0x0], $0xffff  }
0x138: {  	v17 =	vadd.f32 v19, v17  }
0x139: {  	v19 =	vld.idx.msk [tilespmem:v12+s24+$0x0], $0xffff  }
0x13a: {  	v17 =	vadd.f32 v61, v17  }
0x13b: {  	v62 =	vld.idx.msk [tilespmem:v13+s24+$0x0], $0xffff  }
0x13c: {  	v17 =	vadd.f32 v18, v17  }
0x13d: {  	v18 =	vld.idx.msk [tilespmem:v14+s24+$0x0], $0xffff  }
0x13e: {  	v17 =	vadd.f32 v19, v17  }
0x13f: {  	v19 =	vld.idx.msk [tilespmem:v15+s24+$0x0], $0xffff  }
0x140: {  	v17 =	vadd.f32 v62, v17  }
0x141: {  	v63 =	vld.idx.msk [tilespmem:v16+s24+$0x0], $0xffff  }
0x142: {  	s31 =	sadd.s32 $0x1, s31;
	v17 =	vadd.f32 v18, v17  }
0x143: {  	p0 =	sne.s32 s31, $0x8;
	v18 =	vor.u32 s6, v0  }
.Ltmp4:
0x144: {  	v17 =	vadd.f32 v19, v17;
	(pc) =	sbr.rel @p0 .LBB2_6-.Ltmp4, $3  }
0x145: {  	_ = 	snop  }
0x146: {  	v17 =	vadd.f32 v63, v17;
	_ =	sdelay $0x1  }
0x147: {  	[tilespmem:v18+s25+$0x0] =	vst.idx.msk $0xff, v17  }
0x148: {  	s30 =	simm.s32 $0x0;
	s1 =	simm.s32 $0x3000;
	s31 =	simm.s32 $0x0  }
0x149: {  	[tilespmem:s1], [sflag:$0x1] =	stream.linear.gather [hbm4b:s12+s30], $0x8000, $0x38;
	[tilespmem:$0x13580] =	vst v63  }
.LBB2_12:
0x14a: {  	s2 =	sshll.u32 s31, $0x4  }
0x14b: {  	s6 =	sor.u32 $0x8, s2  }
0x14c: {  	s1 =	sadd.s32 s9, s6  }
0x14d: {  	s1 =	sshll.u32 s1, $0x9  }
0x14e: {  	s1 =	sadd.s32 s0, s1  }
0x14f: {  	[tilespmem:s22], [sflag:$0x2] =	stream.linear.gather [hbm4b:s1+s30], $0x8000, $0x38;
	[tilespmem:$0x13580] =	vst v63  }
0x150: {  	_ =	swait.ge [sflag:s23], $0x8000  }
0x151: {  	s7 =	sand.u32 $0x7C00, s30;
	[sflag:s23] =	ssyncset.done $0x0  }
0x152: {  	s3 =	sand.u32 $0x40, s30;
	s1 =	sadd.s32 $0x3000, s7;
	[sflag:s23] =	ssyncadd.s32 $0xFFFF8000  }
0x153: {  	s4 =	sor.u32 s3, s1;
	v20 =	vld [tilespmem:s30+$0x0]  }
0x154: {  	v21 =	vld [tilespmem:s4+$0x0]  }
0x155: {  	v22 =	vld [tilespmem:s4+$0x80]  }
0x156: {  	s5 =	sand.u32 $0xF80, s30;
	s7 =	sor.u32 $0x30, s3;
	v23 =	vld [tilespmem:s4+$0x100]  }
0x157: {  	s17 =	sor.u32 s7, s5;
	v24 =	vld [tilespmem:s4+$0x180]  }
0x158: {  	s19 =	sor.u32 s7, s1;
	v17 =	vld [tilespmem:s17+$0x0]  }
0x159: {  	v25 =	vld [tilespmem:s19+$0x0]  }
0x15a: {  	v26 =	vld [tilespmem:s19+$0x80]  }
0x15b: {  	s20 =	sor.u32 $0x20, s3;
	v27 =	vld [tilespmem:s19+$0x100]  }
0x15c: {  	s21 =	sor.u32 s20, s1;
	v28 =	vld [tilespmem:s19+$0x180]  }
0x15d: {  	v33 =	vld [tilespmem:s21+$0x0]  }
0x15e: {  	v34 =	vld [tilespmem:s21+$0x80]  }
0x15f: {  	s3 =	sor.u32 $0x10, s3;
	v42 =	vld [tilespmem:s21+$0x100]  }
0x160: {  	s1 =	sor.u32 s3, s1;
	v43 =	vld [tilespmem:s21+$0x180]  }
0x161: {  	p0 =	por $0x0, $0x0;
	v44 =	vld [tilespmem:s1+$0x0]  }
0x162: {  	s17 =	sor.u32 s20, s5;
	s5 =	sor.u32 s3, s5;
	s3 =	simm.s32 $0x1;
	v45 =	vld [tilespmem:s1+$0x80]  }
0x163: {  	v18 =	vld [tilespmem:s17+$0x0];
	s3 =	simm.s32 @!p0 $0x0  }
0x164: {  	v19 =	vld [tilespmem:s5+$0x0];
	s3 =	sshll.u32 s3, $0x6;
	v39 =	vmul.f32 v21, v20;
	v40 =	vmul.f32 v22, v20  }
0x165: {  	s17 =	sadd.s32 $0x0, s3;
	v21 =	vld [tilespmem:s1+$0x100];
	v37 =	vmul.f32 v23, v20;
	v38 =	vmul.f32 v24, v20  }
0x166: {  	s4 =	sor.u32 $0x200, s17;
	v22 =	vld [tilespmem:s1+$0x180];
	v31 =	vmul.f32 v25, v17;
	v32 =	vmul.f32 v26, v17  }
0x167: {  	s5 =	sor.u32 $0x280, s17;
	v30 =	vmul.f32 v27, v17;
	v29 =	vmul.f32 v28, v17;
	v41 =	vld [tilespmem:s4+$0x3000];
	v25 =	vimm.f32 $0.0e+00  }
0x168: {  	s7 =	sor.u32 $0x300, s17;
	v50 =	vld [tilespmem:s5+$0x3000];
	v26 =	vimm.f32 $0.0e+00;
	v27 =	vimm.f32 $0.0e+00;
	v35 =	vmul.f32 v33, v18  }
0x169: {  	s19 =	sor.u32 $0x380, s17;
	v47 =	vld [tilespmem:s7+$0x3000];
	s5 =	sadd.s32 $0x30, s17;
	v28 =	vimm.f32 $0.0e+00;
	v36 =	vmul.f32 v34, v18;
	v33 =	vmul.f32 v42, v18  }
0x16a: {  	v48 =	vld [tilespmem:s19+$0x3000];
	v24 =	vimm.f32 $0.0e+00;
	v34 =	vmul.f32 v43, v18;
	v42 =	vmul.f32 v44, v19;
	s20 =	sor.u32 $0x200, s5  }
0x16b: {  	s3 =	simm.s32 $0x0;
	s7 =	sadd.s32 $0x20, s17;
	v23 =	vimm.f32 $0.0e+00;
	v43 =	vmul.f32 v45, v19;
	s21 =	sor.u32 $0x280, s5;
	v46 =	vld [tilespmem:s20+$0x3000];
	v44 =	vmul.f32 v21, v19  }
0x16c: {  	s1 =	simm.s32 $0x200;
	s4 =	simm.s32 $0x0;
	s20 =	sor.u32 $0x200, s7;
	v49 =	vld [tilespmem:s21+$0x3000];
	v45 =	vmul.f32 v22, v19;
	v22 =	vimm.f32 $0.0e+00;
	v21 =	vimm.f32 $0.0e+00  }
.LBB2_13:
0x16d: {  	p1 =	sne.s32 s1, $0x7E00;
	v41 =	vmul.f32 v41, v20;
	v50 =	vmul.f32 v50, v20;
	s17 =	sadd.s32 $0x10, s17;
	v51 =	vld [tilespmem:s20+$0x3000];
	s19 =	sor.u32 $0x280, s7  }
0x16e: {  	v25 =	vadd.f32 v39, v25;
	v26 =	vadd.f32 v40, v26;
	v39 =	vmul.f32 v47, v20;
	s20 =	sor.u32 $0x200, s17;
	v40 =	vld [tilespmem:s19+$0x3000]  }
0x16f: {  	v27 =	vadd.f32 v37, v27;
	v28 =	vadd.f32 v38, v28;
	s19 =	sor.u32 $0x280, s17;
	v37 =	vmul.f32 v48, v20;
	v20 =	vld [tilespmem:s20+$0x3000]  }
0x170: {  	v25 =	vadd.f32 v42, v25;
	v26 =	vadd.f32 v43, v26;
	v38 =	vld [tilespmem:s19+$0x3000];
	s19 =	sor.u32 $0x300, s17;
	v42 =	vmul.f32 v46, v17  }
0x171: {  	v27 =	vadd.f32 v44, v27;
	v28 =	vadd.f32 v45, v28;
	s17 =	sor.u32 $0x380, s17;
	v43 =	vld [tilespmem:s19+$0x3000];
	v44 =	vmul.f32 v49, v17  }
0x172: {  	v25 =	vadd.f32 v35, v25;
	v26 =	vadd.f32 v36, v26;
	v45 =	vld [tilespmem:s17+$0x3000];
	v35 =	vmul.f32 v51, v18;
	s17 =	sor.u32 $0x300, s7  }
0x173: {  	v27 =	vadd.f32 v33, v27;
	v28 =	vadd.f32 v34, v28;
	s7 =	sor.u32 $0x380, s7;
	v33 =	vmul.f32 v40, v18;
	v34 =	vld [tilespmem:s17+$0x3000]  }
0x174: {  	v25 =	vadd.f32 v31, v25;
	v26 =	vadd.f32 v32, v26;
	v36 =	vmul.f32 v20, v19;
	v40 =	vld [tilespmem:s7+$0x3000];
	s7 =	sor.u32 $0x300, s5  }
0x175: {  	s3 =	sadd.s32 $0x40, s3;
	s17 =	sand.u32 $0x7C00, s1;
	v27 =	vadd.f32 v30, v27;
	v28 =	vadd.f32 v29, v28;
	v31 =	vmul.f32 v38, v19;
	v29 =	vld [tilespmem:s7+$0x3000];
	s7 =	sor.u32 $0x380, s5  }
0x176: {  	s4 =	sadd.s32 $0x40, s4;
	v24 =	vadd.f32 v41, v24;
	v23 =	vadd.f32 v50, v23;
	s19 =	sand.u32 $0x40, s3;
	s5 =	sadd.s32 $0x3000, s17;
	v30 =	vmul.f32 v43, v19;
	v32 =	vld [tilespmem:s7+$0x3000]  }
0x177: {  	v22 =	vadd.f32 v39, v22;
	v21 =	vadd.f32 v37, v21;
	s7 =	sor.u32 s19, s5;
	v20 =	vld [tilespmem:s4+$0x0];
	v19 =	vmul.f32 v45, v19  }
0x178: {  	v24 =	vadd.f32 v36, v24;
	v23 =	vadd.f32 v31, v23;
	v37 =	vld [tilespmem:s7+$0x0];
	v31 =	vmul.f32 v34, v18  }
0x179: {  	v22 =	vadd.f32 v30, v22;
	v34 =	vld [tilespmem:s7+$0x80];
	v19 =	vadd.f32 v19, v21;
	v18 =	vmul.f32 v40, v18  }
0x17a: {  	s20 =	sor.u32 $0x30, s19;
	s17 =	sand.u32 $0xF80, s3;
	v21 =	vadd.f32 v35, v24;
	v23 =	vadd.f32 v33, v23;
	v30 =	vld [tilespmem:s7+$0x100];
	v29 =	vmul.f32 v29, v17  }
0x17b: {  	v22 =	vadd.f32 v31, v22;
	v33 =	vld [tilespmem:s7+$0x180];
	s7 =	sor.u32 s20, s17;
	v18 =	vadd.f32 v18, v19;
	v19 =	vmul.f32 v32, v17  }
0x17c: {  	v24 =	vadd.f32 v42, v21;
	v23 =	vadd.f32 v44, v23;
	v17 =	vld [tilespmem:s7+$0x0];
	s7 =	sor.u32 s20, s5  }
0x17d: {  	v22 =	vadd.f32 v29, v22;
	v31 =	vld [tilespmem:s7+$0x0];
	v21 =	vadd.f32 v19, v18  }
0x17e: {  	v29 =	vld [tilespmem:s7+$0x80]  }
0x17f: {  	s20 =	sor.u32 $0x20, s19;
	v35 =	vld [tilespmem:s7+$0x100]  }
0x180: {  	s21 =	sor.u32 s20, s17;
	v36 =	vld [tilespmem:s7+$0x180]  }
0x181: {  	s7 =	sor.u32 s20, s5;
	v18 =	vld [tilespmem:s21+$0x0]  }
0x182: {  	v42 =	vld [tilespmem:s7+$0x0]  }
0x183: {  	v43 =	vld [tilespmem:s7+$0x80]  }
0x184: {  	s19 =	sor.u32 $0x10, s19;
	v44 =	vld [tilespmem:s7+$0x100]  }
0x185: {  	s17 =	sor.u32 s19, s17;
	v45 =	vld [tilespmem:s7+$0x180]  }
0x186: {  	p0 =	por !p0, !p0;
	s5 =	sor.u32 s19, s5;
	s7 =	simm.s32 $0x1;
	v19 =	vld [tilespmem:s17+$0x0]  }
0x187: {  	s7 =	simm.s32 @!p0 $0x0;
	v46 =	vld [tilespmem:s5+$0x0]  }
0x188: {  	s7 =	sshll.u32 s7, $0x6;
	v49 =	vld [tilespmem:s5+$0x80]  }
0x189: {  	v39 =	vmul.f32 v37, v20;
	v40 =	vmul.f32 v34, v20;
	s17 =	sadd.s32 s7, s1;
	v51 =	vld [tilespmem:s5+$0x100]  }
0x18a: {  	v37 =	vmul.f32 v30, v20;
	v38 =	vmul.f32 v33, v20;
	s7 =	sor.u32 $0x200, s17;
	v52 =	vld [tilespmem:s5+$0x180]  }
0x18b: {  	v31 =	vmul.f32 v31, v17;
	v32 =	vmul.f32 v29, v17;
	s5 =	sor.u32 $0x280, s17;
	v41 =	vld [tilespmem:s7+$0x3000]  }
.Ltmp5:
0x18c: {  	v30 =	vmul.f32 v35, v17;
	v29 =	vmul.f32 v36, v17;
	v50 =	vld [tilespmem:s5+$0x3000];
	s5 =	sor.u32 $0x300, s17;
	(pc) =	sbr.rel @p1 .LBB2_13-.Ltmp5, $4  }
0x18d: {  	v35 =	vmul.f32 v42, v18;
	v36 =	vmul.f32 v43, v18;
	s7 =	sor.u32 $0x380, s17;
	v47 =	vld [tilespmem:s5+$0x3000];
	s5 =	sadd.s32 $0x30, s17  }
0x18e: {  	v33 =	vmul.f32 v44, v18;
	v34 =	vmul.f32 v45, v18;
	v48 =	vld [tilespmem:s7+$0x3000];
	s19 =	sor.u32 $0x200, s5  }
0x18f: {  	v42 =	vmul.f32 v46, v19;
	v43 =	vmul.f32 v49, v19;
	s7 =	sadd.s32 $0x20, s17;
	v46 =	vld [tilespmem:s19+$0x3000];
	s19 =	sor.u32 $0x280, s5  }
0x190: {  	s1 =	sadd.s32 $0x200, s1;
	v44 =	vmul.f32 v51, v19;
	v45 =	vmul.f32 v52, v19;
	s20 =	sor.u32 $0x200, s7;
	v49 =	vld [tilespmem:s19+$0x3000]  }
0x191: {  	v25 =	vadd.f32 v39, v25;
	v26 =	vadd.f32 v40, v26  }
0x192: {  	v41 =	vmul.f32 v41, v20;
	s1 =	sadd.s32 $0x10, s17;
	v51 =	vld [tilespmem:s20+$0x3000];
	s3 =	sor.u32 $0x280, s7;
	v27 =	vadd.f32 v37, v27;
	v28 =	vadd.f32 v38, v28  }
0x193: {  	v50 =	vmul.f32 v50, v20;
	s4 =	sor.u32 $0x200, s1;
	v59 =	vld [tilespmem:s3+$0x3000];
	v25 =	vadd.f32 v42, v25;
	v26 =	vadd.f32 v43, v26  }
0x194: {  	v58 =	vmul.f32 v47, v20;
	s19 =	sor.u32 $0x280, s1;
	v60 =	vld [tilespmem:s4+$0x3000];
	v27 =	vadd.f32 v44, v27;
	v28 =	vadd.f32 v45, v28  }
0x195: {  	s20 =	sor.u32 $0x300, s1;
	v61 =	vld [tilespmem:s19+$0x3000];
	v24 =	vadd.f32 v41, v24;
	v23 =	vadd.f32 v50, v23  }
0x196: {  	s1 =	sor.u32 $0x380, s1;
	v20 =	vmul.f32 v48, v20;
	v63 =	vld [tilespmem:s20+$0x3000];
	v22 =	vadd.f32 v58, v22;
	v25 =	vadd.f32 v35, v25  }
0x197: {  	s21 =	sor.u32 $0x300, s7;
	v48 =	vmul.f32 v49, v17;
	v26 =	vadd.f32 v36, v26;
	v49 =	vld [tilespmem:s1+$0x3000];
	v27 =	vadd.f32 v33, v27  }
0x198: {  	v54 =	vld [tilespmem:s21+$0x3000];
	s3 =	sor.u32 $0x380, s7;
	v62 =	vmul.f32 v46, v17;
	v28 =	vadd.f32 v34, v28;
	v20 =	vadd.f32 v20, v21  }
0x199: {  	v55 =	vld [tilespmem:s3+$0x3000];
	s4 =	sor.u32 $0x300, s5;
	v52 =	vmul.f32 v51, v18;
	v25 =	vadd.f32 v31, v25;
	v31 =	vmul.f32 v60, v19  }
0x19a: {  	s7 =	sor.u32 $0x380, s5;
	v27 =	vadd.f32 v30, v27;
	v28 =	vadd.f32 v29, v28;
	v29 =	vld [tilespmem:s4+$0x3000];
	v30 =	vmul.f32 v61, v19  }
0x19b: {  	v57 =	vld [tilespmem:s7+$0x3000];
	v53 =	vmul.f32 v59, v18;
	v56 =	vmul.f32 v63, v19;
	v24 =	vadd.f32 v31, v24  }
0x19c: {  	v26 =	vadd.f32 v32, v26;
	v19 =	vmul.f32 v49, v19;
	v21 =	vadd.f32 v30, v23  }
0x19d: {  	[tilespmem:$0x13100] =	vst v25;
	v23 =	vmul.f32 v54, v18;
	v22 =	vadd.f32 v56, v22;
	v24 =	vadd.f32 v52, v24  }
0x19e: {  	[tilespmem:$0x13180] =	vst v26;
	v18 =	vmul.f32 v55, v18;
	v19 =	vadd.f32 v19, v20;
	v20 =	vadd.f32 v53, v21  }
0x19f: {  	[tilespmem:$0x13200] =	vst v27;
	v21 =	vmul.f32 v29, v17;
	v22 =	vadd.f32 v23, v22;
	v23 =	vadd.f32 v62, v24  }
0x1a0: {  	[tilespmem:$0x13280] =	vst v28;
	v17 =	vmul.f32 v57, v17;
	v18 =	vadd.f32 v18, v19;
	v19 =	vadd.f32 v48, v20  }
0x1a1: {  	v20 =	vadd.f32 v21, v22;
	[tilespmem:$0x13300] =	vst v23  }
0x1a2: {  	v17 =	vadd.f32 v17, v18;
	[tilespmem:$0x13380] =	vst v19  }
0x1a3: {  	[tilespmem:$0x13400] =	vst v20  }
0x1a4: {  	[tilespmem:$0x13480] =	vst v17  }
0x1a5: {  	v17 =	vld.idx.msk [tilespmem:v1+s24+$0x0], $0xffff;
	_ =	sdelay $0x1  }
0x1a6: {  	v18 =	vld.idx.msk [tilespmem:v2+s24+$0x0], $0xffff;
	_ =	sdelay $0x1  }
0x1a7: {  	v19 =	vld.idx.msk [tilespmem:v3+s24+$0x0], $0xffff  }
0x1a8: {  	v17 =	vadd.f32 $0.0e+00, v17  }
0x1a9: {  	v20 =	vld.idx.msk [tilespmem:v4+s24+$0x0], $0xffff  }
0x1aa: {  	v17 =	vadd.f32 v18, v17  }
0x1ab: {  	v18 =	vld.idx.msk [tilespmem:v5+s24+$0x0], $0xffff  }
0x1ac: {  	v17 =	vadd.f32 v19, v17  }
0x1ad: {  	v19 =	vld.idx.msk [tilespmem:v6+s24+$0x0], $0xffff  }
0x1ae: {  	v17 =	vadd.f32 v20, v17  }
0x1af: {  	v20 =	vld.idx.msk [tilespmem:v7+s24+$0x0], $0xffff  }
0x1b0: {  	v17 =	vadd.f32 v18, v17  }
0x1b1: {  	v18 =	vld.idx.msk [tilespmem:v8+s24+$0x0], $0xffff  }
0x1b2: {  	v17 =	vadd.f32 v19, v17  }
0x1b3: {  	v19 =	vld.idx.msk [tilespmem:v9+s24+$0x0], $0xffff  }
0x1b4: {  	v17 =	vadd.f32 v20, v17  }
0x1b5: {  	v20 =	vld.idx.msk [tilespmem:v10+s24+$0x0], $0xffff  }
0x1b6: {  	v17 =	vadd.f32 v18, v17  }
0x1b7: {  	v18 =	vld.idx.msk [tilespmem:v11+s24+$0x0], $0xffff  }
0x1b8: {  	v17 =	vadd.f32 v19, v17  }
0x1b9: {  	v19 =	vld.idx.msk [tilespmem:v12+s24+$0x0], $0xffff  }
0x1ba: {  	v17 =	vadd.f32 v20, v17  }
0x1bb: {  	v20 =	vld.idx.msk [tilespmem:v13+s24+$0x0], $0xffff  }
0x1bc: {  	v17 =	vadd.f32 v18, v17  }
0x1bd: {  	v18 =	vld.idx.msk [tilespmem:v14+s24+$0x0], $0xffff  }
0x1be: {  	v17 =	vadd.f32 v19, v17  }
0x1bf: {  	v19 =	vld.idx.msk [tilespmem:v15+s24+$0x0], $0xffff  }
0x1c0: {  	v17 =	vadd.f32 v20, v17  }
0x1c1: {  	v20 =	vld.idx.msk [tilespmem:v16+s24+$0x0], $0xffff  }
0x1c2: {  	v17 =	vadd.f32 v18, v17  }
0x1c3: {  	v18 =	vor.u32 s2, v0  }
0x1c4: {  	v17 =	vadd.f32 v19, v17;
	_ =	sdelay $0x1  }
0x1c5: {  	p0 =	seq.s32 s31, $0x2;
	v17 =	vadd.f32 v20, v17  }
0x1c6: {  	s1 =	sshll.u32 @!p0 s31, $0xD  }
0x1c7: {  	s3 =	simm.s32 @!p0 $0x3000;
	s1 =	sadd.s32 @!p0 s16, s1;
	s2 =	simm.s32 @!p0 $0x0;
	[tilespmem:v18+s28+$0x0] =	vst.idx.msk $0xff, v17  }
0x1c8: {  	[tilespmem:s3], [sflag:$0x1] =	stream.linear.gather @!p0 [hbm4b:s1+s2], $0x8000, $0x38;
	[tilespmem:$0x13580] =	vst v63  }
0x1c9: {  	s2 =	simm.s32 $0x0;
	_ =	swait.ge [sflag:s26], $0x8000  }
0x1ca: {  	s17 =	sand.u32 $0x7C00, s2;
	[sflag:s26] =	ssyncset.done $0x0  }
0x1cb: {  	s3 =	sand.u32 $0x40, s2;
	s1 =	sadd.s32 $0xB000, s17;
	[sflag:s26] =	ssyncadd.s32 $0xFFFF8000  }
0x1cc: {  	s19 =	sor.u32 s3, s1;
	v20 =	vld [tilespmem:s2+$0x0]  }
0x1cd: {  	v21 =	vld [tilespmem:s19+$0x0]  }
0x1ce: {  	v22 =	vld [tilespmem:s19+$0x80]  }
0x1cf: {  	s5 =	sand.u32 $0xF80, s2;
	s20 =	sor.u32 $0x30, s3;
	v23 =	vld [tilespmem:s19+$0x100]  }
0x1d0: {  	s21 =	sor.u32 s20, s5;
	v24 =	vld [tilespmem:s19+$0x180]  }
0x1d1: {  	s17 =	sor.u32 s20, s1;
	v17 =	vld [tilespmem:s21+$0x0]  }
0x1d2: {  	v25 =	vld [tilespmem:s17+$0x0]  }
0x1d3: {  	v26 =	vld [tilespmem:s17+$0x80]  }
0x1d4: {  	s19 =	sor.u32 $0x20, s3;
	v27 =	vld [tilespmem:s17+$0x100]  }
0x1d5: {  	v28 =	vld [tilespmem:s17+$0x180];
	s20 =	sor.u32 s19, s5  }
0x1d6: {  	s21 =	sor.u32 s19, s1;
	v18 =	vld [tilespmem:s20+$0x0]  }
0x1d7: {  	v58 =	vld [tilespmem:s21+$0x0]  }
0x1d8: {  	v59 =	vld [tilespmem:s21+$0x80]  }
0x1d9: {  	s3 =	sor.u32 $0x10, s3;
	v60 =	vld [tilespmem:s21+$0x100]  }
0x1da: {  	s5 =	sor.u32 s3, s5;
	v61 =	vld [tilespmem:s21+$0x180]  }
0x1db: {  	p0 =	por $0x0, $0x0;
	s1 =	sor.u32 s3, s1;
	s3 =	simm.s32 $0x1;
	v19 =	vld [tilespmem:s5+$0x0]  }
0x1dc: {  	v62 =	vld [tilespmem:s1+$0x0];
	s3 =	simm.s32 @!p0 $0x0  }
0x1dd: {  	v63 =	vld [tilespmem:s1+$0x80];
	s3 =	sshll.u32 s3, $0x6;
	v39 =	vmul.f32 v21, v20;
	v40 =	vmul.f32 v22, v20  }
0x1de: {  	s7 =	sadd.s32 $0x0, s3;
	v21 =	vld [tilespmem:s1+$0x100];
	v37 =	vmul.f32 v23, v20;
	v38 =	vmul.f32 v24, v20  }
0x1df: {  	v22 =	vld [tilespmem:s1+$0x180];
	v31 =	vmul.f32 v25, v17;
	v32 =	vmul.f32 v26, v17;
	s4 =	sor.u32 $0x200, s7  }
0x1e0: {  	v30 =	vmul.f32 v27, v17;
	v29 =	vmul.f32 v28, v17;
	s5 =	sor.u32 $0x280, s7;
	v25 =	vimm.f32 $0.0e+00;
	v43 =	vld [tilespmem:s4+$0xB000]  }
0x1e1: {  	s17 =	sor.u32 $0x300, s7;
	v26 =	vimm.f32 $0.0e+00;
	v27 =	vimm.f32 $0.0e+00;
	v50 =	vld [tilespmem:s5+$0xB000];
	v35 =	vmul.f32 v58, v18  }
0x1e2: {  	s19 =	sor.u32 $0x380, s7;
	v28 =	vimm.f32 $0.0e+00;
	v47 =	vld [tilespmem:s17+$0xB000];
	s4 =	sadd.s32 $0x30, s7;
	v36 =	vmul.f32 v59, v18;
	v33 =	vmul.f32 v60, v18  }
0x1e3: {  	v24 =	vimm.f32 $0.0e+00;
	v48 =	vld [tilespmem:s19+$0xB000];
	v34 =	vmul.f32 v61, v18;
	v44 =	vmul.f32 v62, v19;
	s20 =	sor.u32 $0x200, s4  }
0x1e4: {  	v23 =	vimm.f32 $0.0e+00;
	s5 =	sadd.s32 $0x20, s7;
	v45 =	vmul.f32 v63, v19;
	s21 =	sor.u32 $0x280, s4;
	v46 =	vld [tilespmem:s20+$0xB000];
	v41 =	vmul.f32 v21, v19  }
0x1e5: {  	s3 =	simm.s32 $0x0;
	s1 =	simm.s32 $0x200;
	s17 =	sor.u32 $0x200, s5;
	v49 =	vld [tilespmem:s21+$0xB000];
	v42 =	vmul.f32 v22, v19;
	v22 =	vimm.f32 $0.0e+00;
	v21 =	vimm.f32 $0.0e+00  }
.LBB2_15:
0x1e6: {  	p1 =	sne.s32 s1, $0x7E00;
	v43 =	vmul.f32 v43, v20;
	v50 =	vmul.f32 v50, v20;
	s7 =	sadd.s32 $0x10, s7;
	v51 =	vld [tilespmem:s17+$0xB000];
	s17 =	sor.u32 $0x280, s5  }
0x1e7: {  	v25 =	vadd.f32 v39, v25;
	v26 =	vadd.f32 v40, v26;
	v39 =	vmul.f32 v47, v20;
	s19 =	sor.u32 $0x200, s7;
	v40 =	vld [tilespmem:s17+$0xB000]  }
0x1e8: {  	v27 =	vadd.f32 v37, v27;
	v28 =	vadd.f32 v38, v28;
	s17 =	sor.u32 $0x280, s7;
	v37 =	vmul.f32 v48, v20;
	v20 =	vld [tilespmem:s19+$0xB000]  }
0x1e9: {  	v25 =	vadd.f32 v44, v25;
	v26 =	vadd.f32 v45, v26;
	v38 =	vld [tilespmem:s17+$0xB000];
	s17 =	sor.u32 $0x300, s7;
	v44 =	vmul.f32 v46, v17  }
0x1ea: {  	v27 =	vadd.f32 v41, v27;
	v28 =	vadd.f32 v42, v28;
	s7 =	sor.u32 $0x380, s7;
	v41 =	vld [tilespmem:s17+$0xB000];
	v42 =	vmul.f32 v49, v17  }
0x1eb: {  	v25 =	vadd.f32 v35, v25;
	v26 =	vadd.f32 v36, v26;
	v45 =	vld [tilespmem:s7+$0xB000];
	v35 =	vmul.f32 v51, v18;
	s7 =	sor.u32 $0x300, s5  }
0x1ec: {  	v27 =	vadd.f32 v33, v27;
	v28 =	vadd.f32 v34, v28;
	s5 =	sor.u32 $0x380, s5;
	v33 =	vmul.f32 v40, v18;
	v34 =	vld [tilespmem:s7+$0xB000]  }
0x1ed: {  	v25 =	vadd.f32 v31, v25;
	v26 =	vadd.f32 v32, v26;
	v36 =	vmul.f32 v20, v19;
	v40 =	vld [tilespmem:s5+$0xB000];
	s5 =	sor.u32 $0x300, s4  }
0x1ee: {  	s2 =	sadd.s32 $0x40, s2;
	s7 =	sand.u32 $0x7C00, s1;
	v27 =	vadd.f32 v30, v27;
	v28 =	vadd.f32 v29, v28;
	v31 =	vmul.f32 v38, v19;
	v29 =	vld [tilespmem:s5+$0xB000];
	s5 =	sor.u32 $0x380, s4  }
0x1ef: {  	s3 =	sadd.s32 $0x40, s3;
	v24 =	vadd.f32 v43, v24;
	v23 =	vadd.f32 v50, v23;
	s17 =	sand.u32 $0x40, s2;
	s4 =	sadd.s32 $0xB000, s7;
	v30 =	vmul.f32 v41, v19;
	v32 =	vld [tilespmem:s5+$0xB000]  }
0x1f0: {  	v22 =	vadd.f32 v39, v22;
	v21 =	vadd.f32 v37, v21;
	s5 =	sor.u32 s17, s4;
	v20 =	vld [tilespmem:s3+$0x0];
	v19 =	vmul.f32 v45, v19  }
0x1f1: {  	v24 =	vadd.f32 v36, v24;
	v23 =	vadd.f32 v31, v23;
	v37 =	vld [tilespmem:s5+$0x0];
	v31 =	vmul.f32 v34, v18  }
0x1f2: {  	v22 =	vadd.f32 v30, v22;
	v34 =	vld [tilespmem:s5+$0x80];
	v19 =	vadd.f32 v19, v21;
	v18 =	vmul.f32 v40, v18  }
0x1f3: {  	s19 =	sor.u32 $0x30, s17;
	s7 =	sand.u32 $0xF80, s2;
	v21 =	vadd.f32 v35, v24;
	v23 =	vadd.f32 v33, v23;
	v30 =	vld [tilespmem:s5+$0x100];
	v29 =	vmul.f32 v29, v17  }
0x1f4: {  	v22 =	vadd.f32 v31, v22;
	v33 =	vld [tilespmem:s5+$0x180];
	s5 =	sor.u32 s19, s7;
	v18 =	vadd.f32 v18, v19;
	v19 =	vmul.f32 v32, v17  }
0x1f5: {  	v24 =	vadd.f32 v44, v21;
	v23 =	vadd.f32 v42, v23;
	v17 =	vld [tilespmem:s5+$0x0];
	s5 =	sor.u32 s19, s4  }
0x1f6: {  	v22 =	vadd.f32 v29, v22;
	v31 =	vld [tilespmem:s5+$0x0];
	v21 =	vadd.f32 v19, v18  }
0x1f7: {  	v29 =	vld [tilespmem:s5+$0x80]  }
0x1f8: {  	s19 =	sor.u32 $0x20, s17;
	v35 =	vld [tilespmem:s5+$0x100]  }
0x1f9: {  	s20 =	sor.u32 s19, s7;
	v36 =	vld [tilespmem:s5+$0x180]  }
0x1fa: {  	s5 =	sor.u32 s19, s4;
	v18 =	vld [tilespmem:s20+$0x0]  }
0x1fb: {  	v41 =	vld [tilespmem:s5+$0x0]  }
0x1fc: {  	v42 =	vld [tilespmem:s5+$0x80]  }
0x1fd: {  	s17 =	sor.u32 $0x10, s17;
	v44 =	vld [tilespmem:s5+$0x100]  }
0x1fe: {  	s7 =	sor.u32 s17, s7;
	v45 =	vld [tilespmem:s5+$0x180]  }
0x1ff: {  	p0 =	por !p0, !p0;
	s4 =	sor.u32 s17, s4;
	s5 =	simm.s32 $0x1;
	v19 =	vld [tilespmem:s7+$0x0]  }
0x200: {  	s5 =	simm.s32 @!p0 $0x0;
	v46 =	vld [tilespmem:s4+$0x0]  }
0x201: {  	s5 =	sshll.u32 s5, $0x6;
	v49 =	vld [tilespmem:s4+$0x80]  }
0x202: {  	v39 =	vmul.f32 v37, v20;
	v40 =	vmul.f32 v34, v20;
	s7 =	sadd.s32 s5, s1;
	v51 =	vld [tilespmem:s4+$0x100]  }
0x203: {  	v37 =	vmul.f32 v30, v20;
	v38 =	vmul.f32 v33, v20;
	s5 =	sor.u32 $0x200, s7;
	v52 =	vld [tilespmem:s4+$0x180]  }
0x204: {  	v31 =	vmul.f32 v31, v17;
	v32 =	vmul.f32 v29, v17;
	s4 =	sor.u32 $0x280, s7;
	v43 =	vld [tilespmem:s5+$0xB000]  }
.Ltmp6:
0x205: {  	v30 =	vmul.f32 v35, v17;
	v29 =	vmul.f32 v36, v17;
	v50 =	vld [tilespmem:s4+$0xB000];
	s4 =	sor.u32 $0x300, s7;
	(pc) =	sbr.rel @p1 .LBB2_15-.Ltmp6, $4  }
0x206: {  	v35 =	vmul.f32 v41, v18;
	v36 =	vmul.f32 v42, v18;
	s5 =	sor.u32 $0x380, s7;
	v47 =	vld [tilespmem:s4+$0xB000];
	s4 =	sadd.s32 $0x30, s7  }
0x207: {  	v33 =	vmul.f32 v44, v18;
	v34 =	vmul.f32 v45, v18;
	v48 =	vld [tilespmem:s5+$0xB000];
	s17 =	sor.u32 $0x200, s4  }
0x208: {  	v44 =	vmul.f32 v46, v19;
	v45 =	vmul.f32 v49, v19;
	s5 =	sadd.s32 $0x20, s7;
	s19 =	sor.u32 $0x280, s4;
	v46 =	vld [tilespmem:s17+$0xB000]  }
0x209: {  	s1 =	sadd.s32 $0x200, s1;
	v41 =	vmul.f32 v51, v19;
	v42 =	vmul.f32 v52, v19;
	s17 =	sor.u32 $0x200, s5;
	v49 =	vld [tilespmem:s19+$0xB000]  }
0x20a: {  	s1 =	sadd.s32 $0x10, s7;
	v51 =	vld [tilespmem:s17+$0xB000];
	s2 =	sor.u32 $0x280, s5;
	v25 =	vadd.f32 v39, v25;
	v26 =	vadd.f32 v40, v26  }
0x20b: {  	v43 =	vmul.f32 v43, v20;
	v27 =	vadd.f32 v37, v27;
	v28 =	vadd.f32 v38, v28;
	s3 =	sor.u32 $0x200, s1;
	v55 =	vld [tilespmem:s2+$0xB000]  }
0x20c: {  	v50 =	vmul.f32 v50, v20;
	s7 =	sor.u32 $0x300, s1;
	v57 =	vld [tilespmem:s3+$0xB000];
	v25 =	vadd.f32 v44, v25;
	v26 =	vadd.f32 v45, v26  }
0x20d: {  	v54 =	vmul.f32 v47, v20;
	s3 =	sor.u32 $0x280, s1;
	v27 =	vadd.f32 v41, v27;
	v28 =	vadd.f32 v42, v28;
	v60 =	vld [tilespmem:s7+$0xB000]  }
0x20e: {  	v56 =	vmul.f32 v48, v20;
	s1 =	sor.u32 $0x380, s1;
	v24 =	vadd.f32 v43, v24;
	v23 =	vadd.f32 v50, v23;
	v58 =	vld [tilespmem:s3+$0xB000]  }
0x20f: {  	s17 =	sor.u32 $0x300, s5;
	v59 =	vmul.f32 v46, v17;
	v62 =	vld [tilespmem:s1+$0xB000];
	v22 =	vadd.f32 v54, v22;
	v25 =	vadd.f32 v35, v25  }
0x210: {  	s19 =	sor.u32 $0x380, s5;
	v46 =	vld [tilespmem:s17+$0xB000];
	v61 =	vmul.f32 v49, v17;
	v26 =	vadd.f32 v36, v26;
	v27 =	vadd.f32 v33, v27  }
0x211: {  	s20 =	sor.u32 $0x300, s4;
	v48 =	vld [tilespmem:s19+$0xB000];
	v28 =	vadd.f32 v34, v28;
	v20 =	vadd.f32 v56, v21;
	v63 =	vmul.f32 v51, v18  }
0x212: {  	v51 =	vld [tilespmem:s20+$0xB000];
	v45 =	vmul.f32 v55, v18;
	v25 =	vadd.f32 v31, v25;
	v47 =	vmul.f32 v57, v19  }
0x213: {  	s21 =	sor.u32 $0x380, s4;
	v26 =	vadd.f32 v32, v26;
	v27 =	vadd.f32 v30, v27;
	v52 =	vmul.f32 v60, v19  }
0x214: {  	v53 =	vld [tilespmem:s21+$0xB000];
	v28 =	vadd.f32 v29, v28;
	v49 =	vmul.f32 v58, v19;
	v24 =	vadd.f32 v47, v24  }
0x215: {  	v19 =	vmul.f32 v62, v19;
	v55 =	vmul.f32 v46, v18;
	v22 =	vadd.f32 v52, v22  }
0x216: {  	[tilespmem:$0x13100] =	vst v25;
	v18 =	vmul.f32 v48, v18;
	v54 =	vadd.f32 v49, v23;
	v24 =	vadd.f32 v63, v24  }
0x217: {  	[tilespmem:$0x13180] =	vst v26;
	v19 =	vadd.f32 v19, v20;
	v57 =	vmul.f32 v51, v17;
	v22 =	vadd.f32 v55, v22  }
0x218: {  	[tilespmem:$0x13200] =	vst v27;
	v56 =	vadd.f32 v45, v54;
	v58 =	vadd.f32 v59, v24  }
0x219: {  	[tilespmem:$0x13280] =	vst v28;
	v17 =	vmul.f32 v53, v17;
	v18 =	vadd.f32 v18, v19;
	v59 =	vadd.f32 v57, v22  }
0x21a: {  	v19 =	vadd.f32 v61, v56;
	[tilespmem:$0x13300] =	vst v58  }
0x21b: {  	v17 =	vadd.f32 v17, v18;
	[tilespmem:$0x13400] =	vst v59  }
0x21c: {  	[tilespmem:$0x13380] =	vst v19  }
0x21d: {  	[tilespmem:$0x13480] =	vst v17  }
0x21e: {  	v17 =	vld.idx.msk [tilespmem:v1+s24+$0x0], $0xffff;
	_ =	sdelay $0x1  }
0x21f: {  	v18 =	vld.idx.msk [tilespmem:v2+s24+$0x0], $0xffff;
	_ =	sdelay $0x1  }
0x220: {  	v19 =	vld.idx.msk [tilespmem:v3+s24+$0x0], $0xffff  }
0x221: {  	v17 =	vadd.f32 $0.0e+00, v17  }
0x222: {  	v20 =	vld.idx.msk [tilespmem:v4+s24+$0x0], $0xffff  }
0x223: {  	v17 =	vadd.f32 v18, v17  }
0x224: {  	v18 =	vld.idx.msk [tilespmem:v5+s24+$0x0], $0xffff  }
0x225: {  	v17 =	vadd.f32 v19, v17  }
0x226: {  	v19 =	vld.idx.msk [tilespmem:v6+s24+$0x0], $0xffff  }
0x227: {  	v17 =	vadd.f32 v20, v17  }
0x228: {  	v60 =	vld.idx.msk [tilespmem:v7+s24+$0x0], $0xffff  }
0x229: {  	v17 =	vadd.f32 v18, v17  }
0x22a: {  	v18 =	vld.idx.msk [tilespmem:v8+s24+$0x0], $0xffff  }
0x22b: {  	v17 =	vadd.f32 v19, v17  }
0x22c: {  	v19 =	vld.idx.msk [tilespmem:v9+s24+$0x0], $0xffff  }
0x22d: {  	v17 =	vadd.f32 v60, v17  }
0x22e: {  	v61 =	vld.idx.msk [tilespmem:v10+s24+$0x0], $0xffff  }
0x22f: {  	v17 =	vadd.f32 v18, v17  }
0x230: {  	v18 =	vld.idx.msk [tilespmem:v11+s24+$0x0], $0xffff  }
0x231: {  	v17 =	vadd.f32 v19, v17  }
0x232: {  	v19 =	vld.idx.msk [tilespmem:v12+s24+$0x0], $0xffff  }
0x233: {  	v17 =	vadd.f32 v61, v17  }
0x234: {  	v62 =	vld.idx.msk [tilespmem:v13+s24+$0x0], $0xffff  }
0x235: {  	v17 =	vadd.f32 v18, v17  }
0x236: {  	v18 =	vld.idx.msk [tilespmem:v14+s24+$0x0], $0xffff  }
0x237: {  	v17 =	vadd.f32 v19, v17  }
0x238: {  	v19 =	vld.idx.msk [tilespmem:v15+s24+$0x0], $0xffff  }
0x239: {  	v17 =	vadd.f32 v62, v17  }
0x23a: {  	v63 =	vld.idx.msk [tilespmem:v16+s24+$0x0], $0xffff  }
0x23b: {  	s31 =	sadd.s32 $0x1, s31;
	v17 =	vadd.f32 v18, v17  }
0x23c: {  	p0 =	sne.s32 s31, $0x3;
	v18 =	vor.u32 s6, v0  }
.Ltmp7:
0x23d: {  	v17 =	vadd.f32 v19, v17;
	(pc) =	sbr.rel @p0 .LBB2_12-.Ltmp7, $3  }
0x23e: {  	_ = 	snop  }
0x23f: {  	v17 =	vadd.f32 v63, v17;
	_ =	sdelay $0x1  }
0x240: {  	[tilespmem:v18+s28+$0x0] =	vst.idx.msk $0xff, v17  }
0x241: {  	[hbm4b:s13+s8] =	stream.linear.scatter [tilespmem:s25], [sflag:$0x3], $0x80, $0x38;
	[tilespmem:$0x13580] =	vst v63  }
0x242: {  	s29 =	sadd.s32 $0x1, s29;
	_ =	swait.ge [sflag:s18], $0x80  }
0x243: {  	p0 =	sne.s32 s29, s15;
	[sflag:s18] =	ssyncset.done $0x0  }
.Ltmp8:
0x244: {  	[sflag:s18] =	ssyncadd.s32 $0xFFFFFF80;
	(pc) =	sbr.rel @p0 .LBB2_1-.Ltmp8, $4  }
0x245: {  	[hbm4b:s14+s8] =	stream.linear.scatter [tilespmem:s28], [sflag:$0x3], $0x30, $0x38;
	[tilespmem:$0x13580] =	vst v63  }
0x246: {  	_ =	swait.ge [sflag:s18], $0x30  }
0x247: {  	[sflag:s18] =	ssyncset.done $0x0  }
0x248: {  	s5 =	simm.s32 $0x2000;
	[sflag:s18] =	ssyncadd.s32 $0xFFFFFFD0  }
0x249: {  	_ =	sfence.sel $0x180000  }
0x24a: {  	[bflag:$0x0] =	sbarrier.arrive $0xFFFF  }
0x24b: {  	_ =	strace $0x90000047  }
0x24c: {  	s0 =	stileid.u32;
	[bflag:$0x2] =	sbarrier.arrive $0xFFFF  }
0x24d: {  	p0 =	sne.s32 s0, $0x0;
	s0 =	rddreg [dreg:$0x8]  }
0x24e: {  	s0 =	sadd.s32 @!p0 $0x100000, s0  }
0x24f: {  	[sflag:s0] =	ssyncadd.tile.s32 @!p0 $0x1;
	_ =	shalt  }
.Lfunc_end2:
_tile_overlayer_lowered:
.L_overlay_start_2:
0x250: {  	(tag) =	ssettag $0x2  }
0x251: {  	s0 =	rddreg [dreg:$0x0];
	s2 =	stileid.u32  }
0x252: {  	s1 =	rddreg [dreg:$0x1];
	p0 =	sne.s32 s2, $0x0  }
0x253: {  	s3 =	rddreg [dreg:$0x2];
	[bflag:$0x3] =	sbarrier.arrive $0xFFFF;
	s2 =	simm.s32 @!p0 $0x1C03  }
0x254: {  	[timem:s3], [sflag:s2] =	dma.local @!p0 [hbm:s0], s1  }
0x255: {  	s0 =	simm.s32 @!p0 $0x3  }
0x256: {  	_ =	swait.ge @!p0 [sflag:s0], s1  }
0x257: {  	s1 =	ssub.s32 @!p0 $0x0, s1;
	[sflag:s0] =	ssyncset.done @!p0 $0x0  }
0x258: {  	[sflag:s0] =	ssyncadd.s32 @!p0 s1  }
0x259: {  	[bflag:$0x3] =	sbarrier.arrive $0xFFFF  }
0x25a: {  	_ =	shalt  }

</sc_bundles>
